<compile_context>
chip_gen: v7x
topology: tpu7x:2x2x1
jax: 0.10.2.dev20260603
libtpu: 0.0.44.dev20260713+nightly
codegen_flags: <defaults>
</compile_context>

<pallas_src>
import functools

import jax
import jax.numpy as jnp
from jax import lax
from jax.experimental import pallas as pl
from jax.experimental.pallas import tpu as pltpu
from jax.experimental.pallas import tpu_sc as plsc

N_NODES = 10000
N_EDGES = 160000
IN_CH = 256
HID_CH = 512
OUT_CH = 256

NC = 2
NS = 16
LANES = 16
FAR = 1 << 30


def _make_scatter(n_nodes: int, n_edges: int, d: int, chunk_sizes, K: int):
    s = d // 128
    assert s * 128 == d and K % LANES == 0 and K <= 128
    rows_per_core = n_nodes // NC
    assert sum(chunk_sizes) == rows_per_core
    assert all(c % 8 == 0 for c in chunk_sizes)
    max_ch = max(chunk_sizes)
    ept = n_edges // NS
    assert ept * NS == n_edges and ept % LANES == 0
    ept_pad = -(-ept // (2 * K)) * (2 * K)
    nb = ept_pad // K

    mesh = plsc.VectorSubcoreMesh(core_axis_name="c", subcore_axis_name="s")

    @functools.partial(
        pl.kernel,
        out_type=jax.ShapeDtypeStruct((n_nodes, s, 128), jnp.float32),
        mesh=mesh,
        scratch_types=[
            pltpu.VMEM_SHARED((max_ch + 8, s, 128), jnp.float32),
            pltpu.VMEM((ept_pad,), jnp.int32),
            pltpu.VMEM((ept_pad,), jnp.int32),
            pltpu.VMEM((K,), jnp.int32),
            pltpu.VMEM((K,), jnp.int32),
            pltpu.VMEM((1, K), jnp.int32),
            pltpu.VMEM((1, K), jnp.int32),
            pltpu.VMEM((K, s, 128), jnp.float32),
            pltpu.VMEM((K, s, 128), jnp.float32),
            pltpu.SemaphoreType.DMA,
            pltpu.SemaphoreType.DMA,
        ],
    )
    def scatter(h_hbm, src_hbm, dst_hbm, out_hbm,
                acc, src_v, dst_v, sidx0, sidx1, didx0, didx1,
                rows0, rows1, sem0, sem1):
        sidx = (sidx0, sidx1)
        didx = (didx0, didx1)
        rows = (rows0, rows1)
        sem = (sem0, sem1)
        cid = lax.axis_index("c")
        sid = lax.axis_index("s")
        ebase = sid * ept
        pltpu.sync_copy(src_hbm.at[pl.ds(ebase, ept)], src_v.at[pl.ds(0, ept)])
        pltpu.sync_copy(dst_hbm.at[pl.ds(ebase, ept)], dst_v.at[pl.ds(0, ept)])
        for j in range(ept, ept_pad, LANES):
            src_v[pl.ds(j, LANES)] = jnp.zeros((LANES,), jnp.int32)
            dst_v[pl.ds(j, LANES)] = jnp.full((LANES,), FAR, jnp.int32)

        for core in range(NC):
            chunk_lo = core * rows_per_core
            for ch in chunk_sizes:
                row_lo = chunk_lo
                chunk_lo += ch

                @pl.when(cid == core)
                def _(row_lo=row_lo, ch=ch):
                    rpt = -(-(ch // 8) // NS) * 8
                    r0 = pl.multiple_of(jnp.minimum(sid * rpt, ch - rpt), 8)

                    pltpu.sync_copy(h_hbm.at[pl.ds(row_lo + r0, rpt)],
                                    acc.at[pl.ds(r0, rpt)])
                    plsc.subcore_barrier()

                    def bbody(g, carry):
                        descs = []
                        for p in range(2):
                            base = pl.multiple_of((2 * g + p) * K, K)
                            for j in range(0, K, LANES):
                                dvec = dst_v[pl.ds(base + j, LANES)]
                                svec = src_v[pl.ds(base + j, LANES)]
                                dloc = dvec - row_lo
                                m = (dloc >= 0) & (dloc < ch)
                                didx[p][0, pl.ds(j, LANES)] = jnp.where(
                                    m, dloc, max_ch)
                                sidx[p][pl.ds(j, LANES)] = svec
                            descs.append(pltpu.async_copy(
                                h_hbm.at[sidx[p]], rows[p], sem[p]))
                        for p in range(2):
                            descs[p].wait()
                            pltpu.sync_copy(rows[p], acc.at[didx[p].at[0]],
                                            add=True)
                        return carry

                    lax.fori_loop(0, nb // 2, bbody, jnp.int32(0))
                    plsc.subcore_barrier()

                    pltpu.sync_copy(acc.at[pl.ds(r0, rpt)],
                                    out_hbm.at[pl.ds(row_lo + r0, rpt)])
                    plsc.subcore_barrier()

    return scatter


_scatter_hid = _make_scatter(N_NODES, N_EDGES, HID_CH, [2920, 2080], K=16)
_scatter_out = _make_scatter(N_NODES, N_EDGES, OUT_CH, [5000], K=32)


_BM = 1000


def _mm1_body(x_ref, w_ref, o_ref):
    o_ref[...] = lax.dot_general(
        x_ref[...], w_ref[...], (((1,), (1,)), ((), ())),
        preferred_element_type=jnp.float32)


def _mm1(x, w1):
    n = x.shape[0]
    return pl.pallas_call(
        _mm1_body,
        grid=(n // _BM,),
        in_specs=[
            pl.BlockSpec((_BM, IN_CH), lambda i: (i, 0)),
            pl.BlockSpec((HID_CH, IN_CH), lambda i: (0, 0)),
        ],
        out_specs=pl.BlockSpec((_BM, HID_CH), lambda i: (i, 0)),
        out_shape=jax.ShapeDtypeStruct((n, HID_CH), jnp.float32),
    )(x, w1)


def _mm2_body(s_ref, b_ref, w_ref, o_ref):
    g = jnp.maximum(s_ref[...] + b_ref[...], 0.0)
    o_ref[...] = lax.dot_general(
        g, w_ref[...], (((1,), (1,)), ((), ())),
        preferred_element_type=jnp.float32)


def _mm2(s1, b1, w2):
    n = s1.shape[0]
    return pl.pallas_call(
        _mm2_body,
        grid=(n // _BM,),
        in_specs=[
            pl.BlockSpec((_BM, HID_CH), lambda i: (i, 0)),
            pl.BlockSpec((1, HID_CH), lambda i: (0, 0)),
            pl.BlockSpec((OUT_CH, HID_CH), lambda i: (0, 0)),
        ],
        out_specs=pl.BlockSpec((_BM, OUT_CH), lambda i: (i, 0)),
        out_shape=jax.ShapeDtypeStruct((n, OUT_CH), jnp.float32),
    )(s1, b1.reshape(1, HID_CH), w2)


def _softmax_body(s_ref, b_ref, o_ref):
    z = s_ref[...] + b_ref[...]
    z = z - jnp.max(z, axis=-1, keepdims=True)
    e = jnp.exp(z)
    o_ref[...] = e / jnp.sum(e, axis=-1, keepdims=True)


def _softmax(s2, b2):
    n = s2.shape[0]
    return pl.pallas_call(
        _softmax_body,
        grid=(n // _BM,),
        in_specs=[
            pl.BlockSpec((_BM, OUT_CH), lambda i: (i, 0)),
            pl.BlockSpec((1, OUT_CH), lambda i: (0, 0)),
        ],
        out_specs=pl.BlockSpec((_BM, OUT_CH), lambda i: (i, 0)),
        out_shape=jax.ShapeDtypeStruct((n, OUT_CH), jnp.float32),
    )(s2, b2.reshape(1, OUT_CH))


def kernel(x, edge_index, W1, b1, W2, b2):
    src = edge_index[0].astype(jnp.int32)
    dst = edge_index[1].astype(jnp.int32)
    h1 = _mm1(x, W1)
    s1 = _scatter_hid(h1.reshape(N_NODES, HID_CH // 128, 128), src, dst)
    s1 = s1.reshape(N_NODES, HID_CH)
    h2 = _mm2(s1, b1, W2)
    s2 = _scatter_out(h2.reshape(N_NODES, OUT_CH // 128, 128), src, dst)
    s2 = s2.reshape(N_NODES, OUT_CH)
    return _softmax(s2, b2)

# --- scband reference (transcript-rebuilt; emitter-appended) ---
"""Pipeline reference for scband-my-gin-36344013259392 (READ-ONLY COPY).

The authoritative reference and input builder live on the scoring server;
editing this copy changes nothing except your own understanding.
"""

import jax, jax.numpy as jnp
import numpy as np

N_NODES = 10000
N_EDGES = 160000
IN_CH = 256
HID_CH = 512
OUT_CH = 256

def setup_inputs(seed: int = 0) -> dict:
    key = jax.random.key(seed)
    k1, k2, k3, k4 = jax.random.split(key, 4)
    x = jax.random.normal(k1, (N_NODES, IN_CH), dtype=jnp.float32)
    edge_index = jax.random.randint(k2, (2, N_EDGES), 0, N_NODES, dtype=jnp.int64)
    # Glorot-initialized linear weights (torch Linear stores [out, in]), zero biases
    s1 = float(np.sqrt(6.0 / (IN_CH + HID_CH)))
    W1 = jax.random.uniform(k3, (HID_CH, IN_CH), dtype=jnp.float32, minval=-s1, maxval=s1)
    b1 = jnp.zeros((HID_CH,), dtype=jnp.float32)
    s2 = float(np.sqrt(6.0 / (HID_CH + OUT_CH)))
    W2 = jax.random.uniform(k4, (OUT_CH, HID_CH), dtype=jnp.float32, minval=-s2, maxval=s2)
    b2 = jnp.zeros((OUT_CH,), dtype=jnp.float32)
    return {"x": x, "edge_index": edge_index, "W1": W1, "b1": b1, "W2": W2, "b2": b2}


def _gin_conv(x, edge_index, W, b):
    # linear transform first (as in MyGINConv.forward)
    h = x @ W.T
    n = h.shape[0]
    # add_remaining_self_loops: append self loops for every node
    loop = jnp.arange(n, dtype=edge_index.dtype)
    src = jnp.concatenate([edge_index[0], loop])
    dst = jnp.concatenate([edge_index[1], loop])
    # message = x_j (source features), default 'add' aggregation -> scatter-add on dst
    out = jax.ops.segment_sum(jnp.take(h, src, axis=0), dst, num_segments=n)
    return out + b


def reference(x, edge_index, W1, b1, W2, b2):
    # dropout is identity in eval mode
    h = _gin_conv(x, edge_index, W1, b1)
    h = jax.nn.relu(h)
    out = _gin_conv(h, edge_index, W2, b2)
    return jax.nn.softmax(out, axis=-1)

if __name__ == "__main__":
    import jax
    _d = setup_inputs()
    print(jax.jit(kernel)(*tuple(_d.values())))

</pallas_src>

<mosaic_0001>
#map = affine_map<(d0, d1) -> (0, 0, 0)>
#map1 = affine_map<(d0, d1) -> (0)>
module attributes {stable_mosaic.version = 14 : i64} {
  func.func @scatter(%arg0: i32, %arg1: i32, %arg2: memref<10000x2x128xf32, #tpu.memory_space<hbm>>, %arg3: memref<160000xi32, #tpu.memory_space<hbm>>, %arg4: memref<160000xi32, #tpu.memory_space<hbm>>, %arg5: memref<10000x2x128xf32, #tpu.memory_space<hbm>>, %arg6: memref<5008x2x128xf32, #tpu.memory_space<vmem_shared>>, %arg7: memref<10048xi32, #tpu.memory_space<vmem>>, %arg8: memref<10048xi32, #tpu.memory_space<vmem>>, %arg9: memref<32xi32, #tpu.memory_space<vmem>>, %arg10: memref<32xi32, #tpu.memory_space<vmem>>, %arg11: memref<1x32xi32, #tpu.memory_space<vmem>>, %arg12: memref<1x32xi32, #tpu.memory_space<vmem>>, %arg13: memref<32x2x128xf32, #tpu.memory_space<vmem>>, %arg14: memref<32x2x128xf32, #tpu.memory_space<vmem>>, %arg15: memref<!tpu.dma_semaphore, #tpu.memory_space<semaphore_mem>>, %arg16: memref<!tpu.dma_semaphore, #tpu.memory_space<semaphore_mem>>) attributes {dimension_semantics = [#tpu.dimension_semantics<core_parallel>, #tpu.dimension_semantics<subcore_parallel>], iteration_bounds = array<i64: 2, 16>, scalar_prefetch = 0 : i64, scratch_operands = 11 : i64, tpu.core_type = #tpu.core_type<sc_vector_subcore>, window_params = [{transform_indices = #map}, {transform_indices = #map1}, {transform_indices = #map1}, {transform_indices = #map}]} {
    %mul3A = arith.constant 10000 : i32
    %mul3A_0 = arith.muli %arg1, %mul3A : i32
    "tpu.region"() ({
      %run_scoped3A = tpu.sem_alloc : memref<!tpu.dma_semaphore, #tpu.memory_space<semaphore_mem>>
      %dma_start3A = arith.constant 0 : i32
      %dma_start3A_42 = tpu.memref_slice %arg7[%dma_start3A] : memref<10048xi32, #tpu.memory_space<vmem>> -> memref<10000xi32, #tpu.memory_space<vmem>>
      %dma_start3A_43 = tpu.memref_slice %arg3[%mul3A_0] : memref<160000xi32, #tpu.memory_space<hbm>> -> memref<10000xi32, #tpu.memory_space<hbm>>
      %dma_start3A_44 = arith.constant 0 : i32
      %dma_start3A_45 = tpu.memref_slice %arg7[%dma_start3A_44] : memref<10048xi32, #tpu.memory_space<vmem>> -> memref<10000xi32, #tpu.memory_space<vmem>>
      %dma_start3A_46 = tpu.memref_slice %arg3[%mul3A_0] : memref<160000xi32, #tpu.memory_space<hbm>> -> memref<10000xi32, #tpu.memory_space<hbm>>
      tpu.enqueue_dma source(%dma_start3A_46 : memref<10000xi32, #tpu.memory_space<hbm>>) target(%dma_start3A_45 : memref<10000xi32, #tpu.memory_space<vmem>>) target_semaphore(%run_scoped3A : memref<!tpu.dma_semaphore, #tpu.memory_space<semaphore_mem>>)
      %dma_wait3A = arith.constant 0 : i32
      %dma_wait3A_47 = tpu.memref_slice %arg7[%dma_wait3A] : memref<10048xi32, #tpu.memory_space<vmem>> -> memref<10000xi32, #tpu.memory_space<vmem>>
      %dma_wait3A_48 = tpu.memref_slice %arg3[%mul3A_0] : memref<160000xi32, #tpu.memory_space<hbm>> -> memref<10000xi32, #tpu.memory_space<hbm>>
      %dma_wait3A_49 = arith.constant 0 : i32
      %dma_wait3A_50 = tpu.memref_slice %arg7[%dma_wait3A_49] : memref<10048xi32, #tpu.memory_space<vmem>> -> memref<10000xi32, #tpu.memory_space<vmem>>
      %dma_wait3A_51 = tpu.memref_slice %arg3[%mul3A_0] : memref<160000xi32, #tpu.memory_space<hbm>> -> memref<10000xi32, #tpu.memory_space<hbm>>
      tpu.wait_dma2 semaphore(%run_scoped3A : memref<!tpu.dma_semaphore, #tpu.memory_space<semaphore_mem>>) src(%dma_wait3A_51 : memref<10000xi32, #tpu.memory_space<hbm>>) dst(%dma_wait3A_50 : memref<10000xi32, #tpu.memory_space<vmem>>)
      tpu.yield
    }) : () -> ()
    "tpu.region"() ({
      %run_scoped3A = tpu.sem_alloc : memref<!tpu.dma_semaphore, #tpu.memory_space<semaphore_mem>>
      %dma_start3A = arith.constant 0 : i32
      %dma_start3A_42 = tpu.memref_slice %arg8[%dma_start3A] : memref<10048xi32, #tpu.memory_space<vmem>> -> memref<10000xi32, #tpu.memory_space<vmem>>
      %dma_start3A_43 = tpu.memref_slice %arg4[%mul3A_0] : memref<160000xi32, #tpu.memory_space<hbm>> -> memref<10000xi32, #tpu.memory_space<hbm>>
      %dma_start3A_44 = arith.constant 0 : i32
      %dma_start3A_45 = tpu.memref_slice %arg8[%dma_start3A_44] : memref<10048xi32, #tpu.memory_space<vmem>> -> memref<10000xi32, #tpu.memory_space<vmem>>
      %dma_start3A_46 = tpu.memref_slice %arg4[%mul3A_0] : memref<160000xi32, #tpu.memory_space<hbm>> -> memref<10000xi32, #tpu.memory_space<hbm>>
      tpu.enqueue_dma source(%dma_start3A_46 : memref<10000xi32, #tpu.memory_space<hbm>>) target(%dma_start3A_45 : memref<10000xi32, #tpu.memory_space<vmem>>) target_semaphore(%run_scoped3A : memref<!tpu.dma_semaphore, #tpu.memory_space<semaphore_mem>>)
      %dma_wait3A = arith.constant 0 : i32
      %dma_wait3A_47 = tpu.memref_slice %arg8[%dma_wait3A] : memref<10048xi32, #tpu.memory_space<vmem>> -> memref<10000xi32, #tpu.memory_space<vmem>>
      %dma_wait3A_48 = tpu.memref_slice %arg4[%mul3A_0] : memref<160000xi32, #tpu.memory_space<hbm>> -> memref<10000xi32, #tpu.memory_space<hbm>>
      %dma_wait3A_49 = arith.constant 0 : i32
      %dma_wait3A_50 = tpu.memref_slice %arg8[%dma_wait3A_49] : memref<10048xi32, #tpu.memory_space<vmem>> -> memref<10000xi32, #tpu.memory_space<vmem>>
      %dma_wait3A_51 = tpu.memref_slice %arg4[%mul3A_0] : memref<160000xi32, #tpu.memory_space<hbm>> -> memref<10000xi32, #tpu.memory_space<hbm>>
      tpu.wait_dma2 semaphore(%run_scoped3A : memref<!tpu.dma_semaphore, #tpu.memory_space<semaphore_mem>>) src(%dma_wait3A_51 : memref<10000xi32, #tpu.memory_space<hbm>>) dst(%dma_wait3A_50 : memref<10000xi32, #tpu.memory_space<vmem>>)
      tpu.yield
    }) : () -> ()
    %broadcast_in_dim3A = arith.constant 0 : i32
    %broadcast_in_dim3A_1 = vector.broadcast %broadcast_in_dim3A : i32 to vector<16xi32>
    %swap3A = arith.constant 10000 : index
    %swap3A_2 = tpu.vector_load %arg7[%swap3A] {strides = array<i32>} : memref<10048xi32, #tpu.memory_space<vmem>>, vector<16xi32>,
    %swap3A_3 = vector.shape_cast %swap3A_2 : vector<16xi32> to vector<16xi32>
    %swap3A_4 = vector.shape_cast %broadcast_in_dim3A_1 : vector<16xi32> to vector<16xi32>
    tpu.vector_store %arg7[%swap3A], %swap3A_4 {strides = array<i32>} : memref<10048xi32, #tpu.memory_space<vmem>>, vector<16xi32>,
    %broadcast_in_dim3A_5 = arith.constant 1073741824 : i32
    %broadcast_in_dim3A_6 = vector.broadcast %broadcast_in_dim3A_5 : i32 to vector<16xi32>
    %swap3A_7 = arith.constant 10000 : index
    %swap3A_8 = tpu.vector_load %arg8[%swap3A_7] {strides = array<i32>} : memref<10048xi32, #tpu.memory_space<vmem>>, vector<16xi32>,
    %swap3A_9 = vector.shape_cast %swap3A_8 : vector<16xi32> to vector<16xi32>
    %swap3A_10 = vector.shape_cast %broadcast_in_dim3A_6 : vector<16xi32> to vector<16xi32>
    tpu.vector_store %arg8[%swap3A_7], %swap3A_10 {strides = array<i32>} : memref<10048xi32, #tpu.memory_space<vmem>>, vector<16xi32>,
    %broadcast_in_dim3A_11 = arith.constant 0 : i32
    %broadcast_in_dim3A_12 = vector.broadcast %broadcast_in_dim3A_11 : i32 to vector<16xi32>
    %swap3A_13 = arith.constant 10016 : index
    %swap3A_14 = tpu.vector_load %arg7[%swap3A_13] {strides = array<i32>} : memref<10048xi32, #tpu.memory_space<vmem>>, vector<16xi32>,
    %swap3A_15 = vector.shape_cast %swap3A_14 : vector<16xi32> to vector<16xi32>
    %swap3A_16 = vector.shape_cast %broadcast_in_dim3A_12 : vector<16xi32> to vector<16xi32>
    tpu.vector_store %arg7[%swap3A_13], %swap3A_16 {strides = array<i32>} : memref<10048xi32, #tpu.memory_space<vmem>>, vector<16xi32>,
    %broadcast_in_dim3A_17 = arith.constant 1073741824 : i32
    %broadcast_in_dim3A_18 = vector.broadcast %broadcast_in_dim3A_17 : i32 to vector<16xi32>
    %swap3A_19 = arith.constant 10016 : index
    %swap3A_20 = tpu.vector_load %arg8[%swap3A_19] {strides = array<i32>} : memref<10048xi32, #tpu.memory_space<vmem>>, vector<16xi32>,
    %swap3A_21 = vector.shape_cast %swap3A_20 : vector<16xi32> to vector<16xi32>
    %swap3A_22 = vector.shape_cast %broadcast_in_dim3A_18 : vector<16xi32> to vector<16xi32>
    tpu.vector_store %arg8[%swap3A_19], %swap3A_22 {strides = array<i32>} : memref<10048xi32, #tpu.memory_space<vmem>>, vector<16xi32>,
    %broadcast_in_dim3A_23 = arith.constant 0 : i32
    %broadcast_in_dim3A_24 = vector.broadcast %broadcast_in_dim3A_23 : i32 to vector<16xi32>
    %swap3A_25 = arith.constant 10032 : index
    %swap3A_26 = tpu.vector_load %arg7[%swap3A_25] {strides = array<i32>} : memref<10048xi32, #tpu.memory_space<vmem>>, vector<16xi32>,
    %swap3A_27 = vector.shape_cast %swap3A_26 : vector<16xi32> to vector<16xi32>
    %swap3A_28 = vector.shape_cast %broadcast_in_dim3A_24 : vector<16xi32> to vector<16xi32>
    tpu.vector_store %arg7[%swap3A_25], %swap3A_28 {strides = array<i32>} : memref<10048xi32, #tpu.memory_space<vmem>>, vector<16xi32>,
    %broadcast_in_dim3A_29 = arith.constant 1073741824 : i32
    %broadcast_in_dim3A_30 = vector.broadcast %broadcast_in_dim3A_29 : i32 to vector<16xi32>
    %swap3A_31 = arith.constant 10032 : index
    %swap3A_32 = tpu.vector_load %arg8[%swap3A_31] {strides = array<i32>} : memref<10048xi32, #tpu.memory_space<vmem>>, vector<16xi32>,
    %swap3A_33 = vector.shape_cast %swap3A_32 : vector<16xi32> to vector<16xi32>
    %swap3A_34 = vector.shape_cast %broadcast_in_dim3A_30 : vector<16xi32> to vector<16xi32>
    tpu.vector_store %arg8[%swap3A_31], %swap3A_34 {strides = array<i32>} : memref<10048xi32, #tpu.memory_space<vmem>>, vector<16xi32>,
    %eq3A = arith.constant 0 : i32
    %eq3A_35 = arith.cmpi eq, %arg0, %eq3A : i32
    %convert_element_type3A = arith.extui %eq3A_35 : i1 to i32
    %cond3A = arith.constant 0 : i32
    %cond3A_36 = arith.cmpi ne, %convert_element_type3A, %cond3A : i32
    scf.if %cond3A_36 {
      %mul3A_42 = arith.constant 320 : i32
      %mul3A_43 = arith.muli %arg1, %mul3A_42 : i32
      %min3A = arith.constant 4680 : i32
      %min3A_44 = arith.minsi %mul3A_43, %min3A : i32
      %multiple_of3A = tpu.assume_multiple %min3A_44, 8 : i32
      %add3A = arith.constant 0 : i32
      %add3A_45 = arith.addi %add3A, %multiple_of3A : i32
      "tpu.region"() ({
        %run_scoped3A = tpu.sem_alloc : memref<!tpu.dma_semaphore, #tpu.memory_space<semaphore_mem>>
        %dma_start3A = arith.constant 0 : i32
        %dma_start3A_55 = arith.constant 0 : i32
        %dma_start3A_56 = tpu.memref_slice %arg6[%multiple_of3A, %dma_start3A, %dma_start3A_55] : memref<5008x2x128xf32, #tpu.memory_space<vmem_shared>> -> memref<320x2x128xf32, #tpu.memory_space<vmem_shared>>
        %dma_start3A_57 = arith.constant 0 : i32
        %dma_start3A_58 = arith.constant 0 : i32
        %dma_start3A_59 = tpu.memref_slice %arg2[%add3A_45, %dma_start3A_57, %dma_start3A_58] : memref<10000x2x128xf32, #tpu.memory_space<hbm>> -> memref<320x2x128xf32, #tpu.memory_space<hbm>>
        tpu.enqueue_dma source(%dma_start3A_59 : memref<320x2x128xf32, #tpu.memory_space<hbm>>) target(%dma_start3A_56 : memref<320x2x128xf32, #tpu.memory_space<vmem_shared>>) target_semaphore(%run_scoped3A : memref<!tpu.dma_semaphore, #tpu.memory_space<semaphore_mem>>)
        %dma_wait3A = arith.constant 0 : i32
        %dma_wait3A_60 = arith.constant 0 : i32
        %dma_wait3A_61 = tpu.memref_slice %arg6[%multiple_of3A, %dma_wait3A, %dma_wait3A_60] : memref<5008x2x128xf32, #tpu.memory_space<vmem_shared>> -> memref<320x2x128xf32, #tpu.memory_space<vmem_shared>>
        %dma_wait3A_62 = arith.constant 0 : i32
        %dma_wait3A_63 = arith.constant 0 : i32
        %dma_wait3A_64 = tpu.memref_slice %arg2[%add3A_45, %dma_wait3A_62, %dma_wait3A_63] : memref<10000x2x128xf32, #tpu.memory_space<hbm>> -> memref<320x2x128xf32, #tpu.memory_space<hbm>>
        tpu.wait_dma2 semaphore(%run_scoped3A : memref<!tpu.dma_semaphore, #tpu.memory_space<semaphore_mem>>) src(%dma_wait3A_64 : memref<320x2x128xf32, #tpu.memory_space<hbm>>) dst(%dma_wait3A_61 : memref<320x2x128xf32, #tpu.memory_space<vmem_shared>>)
        tpu.yield
      }) : () -> ()
      %barrier3A = arith.constant 0 : index
      tpu.barrier barrier_id(%barrier3A)
      %scan3A = arith.constant 0 : i32
      %scan3A_46 = arith.constant 0 : i32
      %scan3A_47 = arith.constant 157 : i32
      %scan3A_48 = arith.addi %scan3A_46, %scan3A_47 : i32
      %scan3A_49 = arith.constant 1 : i32
      scf.for %scan3A_55 = %scan3A_46 to %scan3A_48 step %scan3A_49  : i32 {
        %mul3A_56 = arith.constant 2 : i32
        %mul3A_57 = arith.muli %mul3A_56, %scan3A_55 : i32
        %add3A_58 = arith.constant 0 : i32
        %add3A_59 = arith.addi %mul3A_57, %add3A_58 : i32
        %mul3A_60 = arith.constant 32 : i32
        %mul3A_61 = arith.muli %add3A_59, %mul3A_60 : i32
        %multiple_of3A_62 = tpu.assume_multiple %mul3A_61, 32 : i32
        %add3A_63 = arith.constant 0 : i32
        %add3A_64 = arith.addi %multiple_of3A_62, %add3A_63 : i32
        %get3A = arith.index_cast %add3A_64 : i32 to index
        %get3A_65 = tpu.vector_load %arg8[%get3A] {strides = array<i32>} : memref<10048xi32, #tpu.memory_space<vmem>>, vector<16xi32>,
        %get3A_66 = vector.shape_cast %get3A_65 : vector<16xi32> to vector<16xi32>
        %add3A_67 = arith.constant 0 : i32
        %add3A_68 = arith.addi %multiple_of3A_62, %add3A_67 : i32
        %get3A_69 = arith.index_cast %add3A_68 : i32 to index
        %get3A_70 = tpu.vector_load %arg7[%get3A_69] {strides = array<i32>} : memref<10048xi32, #tpu.memory_space<vmem>>, vector<16xi32>,
        %get3A_71 = vector.shape_cast %get3A_70 : vector<16xi32> to vector<16xi32>
        %sub3A = arith.constant 0 : i32
        %sub3A_72 = vector.broadcast %sub3A : i32 to vector<16xi32>
        %sub3A_73 = arith.subi %get3A_66, %sub3A_72 : vector<16xi32>
        %ge3A = arith.constant 0 : i32
        %ge3A_74 = vector.broadcast %ge3A : i32 to vector<16xi32>
        %ge3A_75 = arith.cmpi sge, %sub3A_73, %ge3A_74 : vector<16xi32>
        %lt3A = arith.constant 5000 : i32
        %lt3A_76 = vector.broadcast %lt3A : i32 to vector<16xi32>
        %lt3A_77 = arith.cmpi slt, %sub3A_73, %lt3A_76 : vector<16xi32>
        %and3A = arith.andi %ge3A_75, %lt3A_77 : vector<16xi1>
        %jit3A = arith.constant 5000 : i32
        %broadcast_in_dim3A_78 = vector.broadcast %jit3A : i32 to vector<16xi32>
        %select_n3A = arith.select %and3A, %sub3A_73, %broadcast_in_dim3A_78 : vector<16xi1>, vector<16xi32>
        %swap3A_79 = arith.constant 0 : i32
        %swap3A_80 = arith.index_cast %swap3A_79 : i32 to index
        %swap3A_81 = arith.constant 0 : index
        %swap3A_82 = tpu.vector_load %arg11[%swap3A_80, %swap3A_81] {strides = array<i32>} : memref<1x32xi32, #tpu.memory_space<vmem>>, vector<1x16xi32>,
        %swap3A_83 = vector.shape_cast %swap3A_82 : vector<1x16xi32> to vector<16xi32>
        %swap3A_84 = vector.shape_cast %select_n3A : vector<16xi32> to vector<1x16xi32>
        tpu.vector_store %arg11[%swap3A_80, %swap3A_81], %swap3A_84 {strides = array<i32>} : memref<1x32xi32, #tpu.memory_space<vmem>>, vector<1x16xi32>,
        %swap3A_85 = arith.constant 0 : index
        %swap3A_86 = tpu.vector_load %arg9[%swap3A_85] {strides = array<i32>} : memref<32xi32, #tpu.memory_space<vmem>>, vector<16xi32>,
        %swap3A_87 = vector.shape_cast %swap3A_86 : vector<16xi32> to vector<16xi32>
        %swap3A_88 = vector.shape_cast %get3A_71 : vector<16xi32> to vector<16xi32>
        tpu.vector_store %arg9[%swap3A_85], %swap3A_88 {strides = array<i32>} : memref<32xi32, #tpu.memory_space<vmem>>, vector<16xi32>,
        %add3A_89 = arith.constant 16 : i32
        %add3A_90 = arith.addi %multiple_of3A_62, %add3A_89 : i32
        %get3A_91 = arith.index_cast %add3A_90 : i32 to index
        %get3A_92 = tpu.vector_load %arg8[%get3A_91] {strides = array<i32>} : memref<10048xi32, #tpu.memory_space<vmem>>, vector<16xi32>,
        %get3A_93 = vector.shape_cast %get3A_92 : vector<16xi32> to vector<16xi32>
        %add3A_94 = arith.constant 16 : i32
        %add3A_95 = arith.addi %multiple_of3A_62, %add3A_94 : i32
        %get3A_96 = arith.index_cast %add3A_95 : i32 to index
        %get3A_97 = tpu.vector_load %arg7[%get3A_96] {strides = array<i32>} : memref<10048xi32, #tpu.memory_space<vmem>>, vector<16xi32>,
        %get3A_98 = vector.shape_cast %get3A_97 : vector<16xi32> to vector<16xi32>
        %sub3A_99 = arith.constant 0 : i32
        %sub3A_100 = vector.broadcast %sub3A_99 : i32 to vector<16xi32>
        %sub3A_101 = arith.subi %get3A_93, %sub3A_100 : vector<16xi32>
        %ge3A_102 = arith.constant 0 : i32
        %ge3A_103 = vector.broadcast %ge3A_102 : i32 to vector<16xi32>
        %ge3A_104 = arith.cmpi sge, %sub3A_101, %ge3A_103 : vector<16xi32>
        %lt3A_105 = arith.constant 5000 : i32
        %lt3A_106 = vector.broadcast %lt3A_105 : i32 to vector<16xi32>
        %lt3A_107 = arith.cmpi slt, %sub3A_101, %lt3A_106 : vector<16xi32>
        %and3A_108 = arith.andi %ge3A_104, %lt3A_107 : vector<16xi1>
        %jit3A_109 = arith.constant 5000 : i32
        %broadcast_in_dim3A_110 = vector.broadcast %jit3A_109 : i32 to vector<16xi32>
        %select_n3A_111 = arith.select %and3A_108, %sub3A_101, %broadcast_in_dim3A_110 : vector<16xi1>, vector<16xi32>
        %swap3A_112 = arith.constant 0 : i32
        %swap3A_113 = arith.index_cast %swap3A_112 : i32 to index
        %swap3A_114 = arith.constant 16 : index
        %swap3A_115 = tpu.vector_load %arg11[%swap3A_113, %swap3A_114] {strides = array<i32>} : memref<1x32xi32, #tpu.memory_space<vmem>>, vector<1x16xi32>,
        %swap3A_116 = vector.shape_cast %swap3A_115 : vector<1x16xi32> to vector<16xi32>
        %swap3A_117 = vector.shape_cast %select_n3A_111 : vector<16xi32> to vector<1x16xi32>
        tpu.vector_store %arg11[%swap3A_113, %swap3A_114], %swap3A_117 {strides = array<i32>} : memref<1x32xi32, #tpu.memory_space<vmem>>, vector<1x16xi32>,
        %swap3A_118 = arith.constant 16 : index
        %swap3A_119 = tpu.vector_load %arg9[%swap3A_118] {strides = array<i32>} : memref<32xi32, #tpu.memory_space<vmem>>, vector<16xi32>,
        %swap3A_120 = vector.shape_cast %swap3A_119 : vector<16xi32> to vector<16xi32>
        %swap3A_121 = vector.shape_cast %get3A_98 : vector<16xi32> to vector<16xi32>
        tpu.vector_store %arg9[%swap3A_118], %swap3A_121 {strides = array<i32>} : memref<32xi32, #tpu.memory_space<vmem>>, vector<16xi32>,
        %dma_start3A = arith.constant 0 : i32
        %dma_start3A_122 = arith.constant 0 : i32
        %dma_start3A_123 = arith.constant 0 : i32
        %dma_start3A_124 = tpu.memref_slice %arg2[%dma_start3A, %dma_start3A_122, %dma_start3A_123] : memref<10000x2x128xf32, #tpu.memory_space<hbm>> -> memref<10000x2x128xf32, #tpu.memory_space<hbm>>
        tpu.enqueue_indirect_dma source(%dma_start3A_124 : memref<10000x2x128xf32, #tpu.memory_space<hbm>>) target(%arg13 : memref<32x2x128xf32, #tpu.memory_space<vmem>>) offsets(%arg9 : memref<32xi32, #tpu.memory_space<vmem>>) semaphore(%arg15 : memref<!tpu.dma_semaphore, #tpu.memory_space<semaphore_mem>>)
        %mul3A_125 = arith.constant 2 : i32
        %mul3A_126 = arith.muli %mul3A_125, %scan3A_55 : i32
        %add3A_127 = arith.constant 1 : i32
        %add3A_128 = arith.addi %mul3A_126, %add3A_127 : i32
        %mul3A_129 = arith.constant 32 : i32
        %mul3A_130 = arith.muli %add3A_128, %mul3A_129 : i32
        %multiple_of3A_131 = tpu.assume_multiple %mul3A_130, 32 : i32
        %add3A_132 = arith.constant 0 : i32
        %add3A_133 = arith.addi %multiple_of3A_131, %add3A_132 : i32
        %get3A_134 = arith.index_cast %add3A_133 : i32 to index
        %get3A_135 = tpu.vector_load %arg8[%get3A_134] {strides = array<i32>} : memref<10048xi32, #tpu.memory_space<vmem>>, vector<16xi32>,
        %get3A_136 = vector.shape_cast %get3A_135 : vector<16xi32> to vector<16xi32>
        %add3A_137 = arith.constant 0 : i32
        %add3A_138 = arith.addi %multiple_of3A_131, %add3A_137 : i32
        %get3A_139 = arith.index_cast %add3A_138 : i32 to index
        %get3A_140 = tpu.vector_load %arg7[%get3A_139] {strides = array<i32>} : memref<10048xi32, #tpu.memory_space<vmem>>, vector<16xi32>,
        %get3A_141 = vector.shape_cast %get3A_140 : vector<16xi32> to vector<16xi32>
        %sub3A_142 = arith.constant 0 : i32
        %sub3A_143 = vector.broadcast %sub3A_142 : i32 to vector<16xi32>
        %sub3A_144 = arith.subi %get3A_136, %sub3A_143 : vector<16xi32>
        %ge3A_145 = arith.constant 0 : i32
        %ge3A_146 = vector.broadcast %ge3A_145 : i32 to vector<16xi32>
        %ge3A_147 = arith.cmpi sge, %sub3A_144, %ge3A_146 : vector<16xi32>
        %lt3A_148 = arith.constant 5000 : i32
        %lt3A_149 = vector.broadcast %lt3A_148 : i32 to vector<16xi32>
        %lt3A_150 = arith.cmpi slt, %sub3A_144, %lt3A_149 : vector<16xi32>
        %and3A_151 = arith.andi %ge3A_147, %lt3A_150 : vector<16xi1>
        %jit3A_152 = arith.constant 5000 : i32
        %broadcast_in_dim3A_153 = vector.broadcast %jit3A_152 : i32 to vector<16xi32>
        %select_n3A_154 = arith.select %and3A_151, %sub3A_144, %broadcast_in_dim3A_153 : vector<16xi1>, vector<16xi32>
        %swap3A_155 = arith.constant 0 : i32
        %swap3A_156 = arith.index_cast %swap3A_155 : i32 to index
        %swap3A_157 = arith.constant 0 : index
        %swap3A_158 = tpu.vector_load %arg12[%swap3A_156, %swap3A_157] {strides = array<i32>} : memref<1x32xi32, #tpu.memory_space<vmem>>, vector<1x16xi32>,
        %swap3A_159 = vector.shape_cast %swap3A_158 : vector<1x16xi32> to vector<16xi32>
        %swap3A_160 = vector.shape_cast %select_n3A_154 : vector<16xi32> to vector<1x16xi32>
        tpu.vector_store %arg12[%swap3A_156, %swap3A_157], %swap3A_160 {strides = array<i32>} : memref<1x32xi32, #tpu.memory_space<vmem>>, vector<1x16xi32>,
        %swap3A_161 = arith.constant 0 : index
        %swap3A_162 = tpu.vector_load %arg10[%swap3A_161] {strides = array<i32>} : memref<32xi32, #tpu.memory_space<vmem>>, vector<16xi32>,
        %swap3A_163 = vector.shape_cast %swap3A_162 : vector<16xi32> to vector<16xi32>
        %swap3A_164 = vector.shape_cast %get3A_141 : vector<16xi32> to vector<16xi32>
        tpu.vector_store %arg10[%swap3A_161], %swap3A_164 {strides = array<i32>} : memref<32xi32, #tpu.memory_space<vmem>>, vector<16xi32>,
        %add3A_165 = arith.constant 16 : i32
        %add3A_166 = arith.addi %multiple_of3A_131, %add3A_165 : i32
        %get3A_167 = arith.index_cast %add3A_166 : i32 to index
        %get3A_168 = tpu.vector_load %arg8[%get3A_167] {strides = array<i32>} : memref<10048xi32, #tpu.memory_space<vmem>>, vector<16xi32>,
        %get3A_169 = vector.shape_cast %get3A_168 : vector<16xi32> to vector<16xi32>
        %add3A_170 = arith.constant 16 : i32
        %add3A_171 = arith.addi %multiple_of3A_131, %add3A_170 : i32
        %get3A_172 = arith.index_cast %add3A_171 : i32 to index
        %get3A_173 = tpu.vector_load %arg7[%get3A_172] {strides = array<i32>} : memref<10048xi32, #tpu.memory_space<vmem>>, vector<16xi32>,
        %get3A_174 = vector.shape_cast %get3A_173 : vector<16xi32> to vector<16xi32>
        %sub3A_175 = arith.constant 0 : i32
        %sub3A_176 = vector.broadcast %sub3A_175 : i32 to vector<16xi32>
        %sub3A_177 = arith.subi %get3A_169, %sub3A_176 : vector<16xi32>
        %ge3A_178 = arith.constant 0 : i32
        %ge3A_179 = vector.broadcast %ge3A_178 : i32 to vector<16xi32>
        %ge3A_180 = arith.cmpi sge, %sub3A_177, %ge3A_179 : vector<16xi32>
        %lt3A_181 = arith.constant 5000 : i32
        %lt3A_182 = vector.broadcast %lt3A_181 : i32 to vector<16xi32>
        %lt3A_183 = arith.cmpi slt, %sub3A_177, %lt3A_182 : vector<16xi32>
        %and3A_184 = arith.andi %ge3A_180, %lt3A_183 : vector<16xi1>
        %jit3A_185 = arith.constant 5000 : i32
        %broadcast_in_dim3A_186 = vector.broadcast %jit3A_185 : i32 to vector<16xi32>
        %select_n3A_187 = arith.select %and3A_184, %sub3A_177, %broadcast_in_dim3A_186 : vector<16xi1>, vector<16xi32>
        %swap3A_188 = arith.constant 0 : i32
        %swap3A_189 = arith.index_cast %swap3A_188 : i32 to index
        %swap3A_190 = arith.constant 16 : index
        %swap3A_191 = tpu.vector_load %arg12[%swap3A_189, %swap3A_190] {strides = array<i32>} : memref<1x32xi32, #tpu.memory_space<vmem>>, vector<1x16xi32>,
        %swap3A_192 = vector.shape_cast %swap3A_191 : vector<1x16xi32> to vector<16xi32>
        %swap3A_193 = vector.shape_cast %select_n3A_187 : vector<16xi32> to vector<1x16xi32>
        tpu.vector_store %arg12[%swap3A_189, %swap3A_190], %swap3A_193 {strides = array<i32>} : memref<1x32xi32, #tpu.memory_space<vmem>>, vector<1x16xi32>,
        %swap3A_194 = arith.constant 16 : index
        %swap3A_195 = tpu.vector_load %arg10[%swap3A_194] {strides = array<i32>} : memref<32xi32, #tpu.memory_space<vmem>>, vector<16xi32>,
        %swap3A_196 = vector.shape_cast %swap3A_195 : vector<16xi32> to vector<16xi32>
        %swap3A_197 = vector.shape_cast %get3A_174 : vector<16xi32> to vector<16xi32>
        tpu.vector_store %arg10[%swap3A_194], %swap3A_197 {strides = array<i32>} : memref<32xi32, #tpu.memory_space<vmem>>, vector<16xi32>,
        %dma_start3A_198 = arith.constant 0 : i32
        %dma_start3A_199 = arith.constant 0 : i32
        %dma_start3A_200 = arith.constant 0 : i32
        %dma_start3A_201 = tpu.memref_slice %arg2[%dma_start3A_198, %dma_start3A_199, %dma_start3A_200] : memref<10000x2x128xf32, #tpu.memory_space<hbm>> -> memref<10000x2x128xf32, #tpu.memory_space<hbm>>
        tpu.enqueue_indirect_dma source(%dma_start3A_201 : memref<10000x2x128xf32, #tpu.memory_space<hbm>>) target(%arg14 : memref<32x2x128xf32, #tpu.memory_space<vmem>>) offsets(%arg10 : memref<32xi32, #tpu.memory_space<vmem>>) semaphore(%arg16 : memref<!tpu.dma_semaphore, #tpu.memory_space<semaphore_mem>>)
        %dma_wait3A = arith.constant 0 : i32
        %dma_wait3A_202 = arith.constant 0 : i32
        %dma_wait3A_203 = arith.constant 0 : i32
        %dma_wait3A_204 = tpu.memref_slice %arg2[%dma_wait3A, %dma_wait3A_202, %dma_wait3A_203] : memref<10000x2x128xf32, #tpu.memory_space<hbm>> -> memref<10000x2x128xf32, #tpu.memory_space<hbm>>
        tpu.wait_indirect_dma semaphore(%arg15 : memref<!tpu.dma_semaphore, #tpu.memory_space<semaphore_mem>>) src(%dma_wait3A_204 : memref<10000x2x128xf32, #tpu.memory_space<hbm>>) dst(%arg13 : memref<32x2x128xf32, #tpu.memory_space<vmem>>)
        %run_scoped3A = arith.constant 0 : i32
        "tpu.region"() ({
          %run_scoped3A_210 = tpu.sem_alloc : memref<!tpu.dma_semaphore, #tpu.memory_space<semaphore_mem>>
          %dma_start3A_211 = arith.constant 0 : i32
          %dma_start3A_212 = tpu.memref_slice %arg11[%run_scoped3A, %dma_start3A_211] : memref<1x32xi32, #tpu.memory_space<vmem>> -> memref<1x32xi32, #tpu.memory_space<vmem>>
          %dma_start3A_213 = tpu.memref_squeeze %dma_start3A_212 : memref<1x32xi32, #tpu.memory_space<vmem>> -> memref<32xi32, #tpu.memory_space<vmem>>
          %dma_start3A_214 = arith.constant 0 : i32
          %dma_start3A_215 = arith.constant 0 : i32
          %dma_start3A_216 = arith.constant 0 : i32
          %dma_start3A_217 = tpu.memref_slice %arg6[%dma_start3A_214, %dma_start3A_215, %dma_start3A_216] : memref<5008x2x128xf32, #tpu.memory_space<vmem_shared>> -> memref<5008x2x128xf32, #tpu.memory_space<vmem_shared>>
          tpu.enqueue_indirect_dma source(%arg13 : memref<32x2x128xf32, #tpu.memory_space<vmem>>) target(%dma_start3A_217 : memref<5008x2x128xf32, #tpu.memory_space<vmem_shared>>) offsets(%dma_start3A_213 : memref<32xi32, #tpu.memory_space<vmem>>) semaphore(%run_scoped3A_210 : memref<!tpu.dma_semaphore, #tpu.memory_space<semaphore_mem>>) {add = true}
          %dma_wait3A_218 = arith.constant 0 : i32
          %dma_wait3A_219 = tpu.memref_slice %arg11[%run_scoped3A, %dma_wait3A_218] : memref<1x32xi32, #tpu.memory_space<vmem>> -> memref<1x32xi32, #tpu.memory_space<vmem>>
          %dma_wait3A_220 = tpu.memref_squeeze %dma_wait3A_219 : memref<1x32xi32, #tpu.memory_space<vmem>> -> memref<32xi32, #tpu.memory_space<vmem>>
          %dma_wait3A_221 = arith.constant 0 : i32
          %dma_wait3A_222 = arith.constant 0 : i32
          %dma_wait3A_223 = arith.constant 0 : i32
          %dma_wait3A_224 = tpu.memref_slice %arg6[%dma_wait3A_221, %dma_wait3A_222, %dma_wait3A_223] : memref<5008x2x128xf32, #tpu.memory_space<vmem_shared>> -> memref<5008x2x128xf32, #tpu.memory_space<vmem_shared>>
          tpu.wait_indirect_dma semaphore(%run_scoped3A_210 : memref<!tpu.dma_semaphore, #tpu.memory_space<semaphore_mem>>) src(%arg13 : memref<32x2x128xf32, #tpu.memory_space<vmem>>) dst(%dma_wait3A_224 : memref<5008x2x128xf32, #tpu.memory_space<vmem_shared>>)
          tpu.yield
        }) : () -> ()
        %dma_wait3A_205 = arith.constant 0 : i32
        %dma_wait3A_206 = arith.constant 0 : i32
        %dma_wait3A_207 = arith.constant 0 : i32
        %dma_wait3A_208 = tpu.memref_slice %arg2[%dma_wait3A_205, %dma_wait3A_206, %dma_wait3A_207] : memref<10000x2x128xf32, #tpu.memory_space<hbm>> -> memref<10000x2x128xf32, #tpu.memory_space<hbm>>
        tpu.wait_indirect_dma semaphore(%arg16 : memref<!tpu.dma_semaphore, #tpu.memory_space<semaphore_mem>>) src(%dma_wait3A_208 : memref<10000x2x128xf32, #tpu.memory_space<hbm>>) dst(%arg14 : memref<32x2x128xf32, #tpu.memory_space<vmem>>)
        %run_scoped3A_209 = arith.constant 0 : i32
        "tpu.region"() ({
          %run_scoped3A_210 = tpu.sem_alloc : memref<!tpu.dma_semaphore, #tpu.memory_space<semaphore_mem>>
          %dma_start3A_211 = arith.constant 0 : i32
          %dma_start3A_212 = tpu.memref_slice %arg12[%run_scoped3A_209, %dma_start3A_211] : memref<1x32xi32, #tpu.memory_space<vmem>> -> memref<1x32xi32, #tpu.memory_space<vmem>>
          %dma_start3A_213 = tpu.memref_squeeze %dma_start3A_212 : memref<1x32xi32, #tpu.memory_space<vmem>> -> memref<32xi32, #tpu.memory_space<vmem>>
          %dma_start3A_214 = arith.constant 0 : i32
          %dma_start3A_215 = arith.constant 0 : i32
          %dma_start3A_216 = arith.constant 0 : i32
          %dma_start3A_217 = tpu.memref_slice %arg6[%dma_start3A_214, %dma_start3A_215, %dma_start3A_216] : memref<5008x2x128xf32, #tpu.memory_space<vmem_shared>> -> memref<5008x2x128xf32, #tpu.memory_space<vmem_shared>>
          tpu.enqueue_indirect_dma source(%arg14 : memref<32x2x128xf32, #tpu.memory_space<vmem>>) target(%dma_start3A_217 : memref<5008x2x128xf32, #tpu.memory_space<vmem_shared>>) offsets(%dma_start3A_213 : memref<32xi32, #tpu.memory_space<vmem>>) semaphore(%run_scoped3A_210 : memref<!tpu.dma_semaphore, #tpu.memory_space<semaphore_mem>>) {add = true}
          %dma_wait3A_218 = arith.constant 0 : i32
          %dma_wait3A_219 = tpu.memref_slice %arg12[%run_scoped3A_209, %dma_wait3A_218] : memref<1x32xi32, #tpu.memory_space<vmem>> -> memref<1x32xi32, #tpu.memory_space<vmem>>
          %dma_wait3A_220 = tpu.memref_squeeze %dma_wait3A_219 : memref<1x32xi32, #tpu.memory_space<vmem>> -> memref<32xi32, #tpu.memory_space<vmem>>
          %dma_wait3A_221 = arith.constant 0 : i32
          %dma_wait3A_222 = arith.constant 0 : i32
          %dma_wait3A_223 = arith.constant 0 : i32
          %dma_wait3A_224 = tpu.memref_slice %arg6[%dma_wait3A_221, %dma_wait3A_222, %dma_wait3A_223] : memref<5008x2x128xf32, #tpu.memory_space<vmem_shared>> -> memref<5008x2x128xf32, #tpu.memory_space<vmem_shared>>
          tpu.wait_indirect_dma semaphore(%run_scoped3A_210 : memref<!tpu.dma_semaphore, #tpu.memory_space<semaphore_mem>>) src(%arg14 : memref<32x2x128xf32, #tpu.memory_space<vmem>>) dst(%dma_wait3A_224 : memref<5008x2x128xf32, #tpu.memory_space<vmem_shared>>)
          tpu.yield
        }) : () -> ()
      }
      %scan3A_50 = arith.constant 157 : i32
      %barrier3A_51 = arith.constant 0 : index
      tpu.barrier barrier_id(%barrier3A_51)
      %add3A_52 = arith.constant 0 : i32
      %add3A_53 = arith.addi %add3A_52, %multiple_of3A : i32
      "tpu.region"() ({
        %run_scoped3A = tpu.sem_alloc : memref<!tpu.dma_semaphore, #tpu.memory_space<semaphore_mem>>
        %dma_start3A = arith.constant 0 : i32
        %dma_start3A_55 = arith.constant 0 : i32
        %dma_start3A_56 = tpu.memref_slice %arg5[%add3A_53, %dma_start3A, %dma_start3A_55] : memref<10000x2x128xf32, #tpu.memory_space<hbm>> -> memref<320x2x128xf32, #tpu.memory_space<hbm>>
        %dma_start3A_57 = arith.constant 0 : i32
        %dma_start3A_58 = arith.constant 0 : i32
        %dma_start3A_59 = tpu.memref_slice %arg6[%multiple_of3A, %dma_start3A_57, %dma_start3A_58] : memref<5008x2x128xf32, #tpu.memory_space<vmem_shared>> -> memref<320x2x128xf32, #tpu.memory_space<vmem_shared>>
        tpu.enqueue_dma source(%dma_start3A_59 : memref<320x2x128xf32, #tpu.memory_space<vmem_shared>>) target(%dma_start3A_56 : memref<320x2x128xf32, #tpu.memory_space<hbm>>) target_semaphore(%run_scoped3A : memref<!tpu.dma_semaphore, #tpu.memory_space<semaphore_mem>>)
        %dma_wait3A = arith.constant 0 : i32
        %dma_wait3A_60 = arith.constant 0 : i32
        %dma_wait3A_61 = tpu.memref_slice %arg5[%add3A_53, %dma_wait3A, %dma_wait3A_60] : memref<10000x2x128xf32, #tpu.memory_space<hbm>> -> memref<320x2x128xf32, #tpu.memory_space<hbm>>
        %dma_wait3A_62 = arith.constant 0 : i32
        %dma_wait3A_63 = arith.constant 0 : i32
        %dma_wait3A_64 = tpu.memref_slice %arg6[%multiple_of3A, %dma_wait3A_62, %dma_wait3A_63] : memref<5008x2x128xf32, #tpu.memory_space<vmem_shared>> -> memref<320x2x128xf32, #tpu.memory_space<vmem_shared>>
        tpu.wait_dma2 semaphore(%run_scoped3A : memref<!tpu.dma_semaphore, #tpu.memory_space<semaphore_mem>>) src(%dma_wait3A_64 : memref<320x2x128xf32, #tpu.memory_space<vmem_shared>>) dst(%dma_wait3A_61 : memref<320x2x128xf32, #tpu.memory_space<hbm>>)
        tpu.yield
      }) : () -> ()
      %barrier3A_54 = arith.constant 0 : index
      tpu.barrier barrier_id(%barrier3A_54)
    } else {
    }
    %eq3A_37 = arith.constant 1 : i32
    %eq3A_38 = arith.cmpi eq, %arg0, %eq3A_37 : i32
    %convert_element_type3A_39 = arith.extui %eq3A_38 : i1 to i32
    %cond3A_40 = arith.constant 0 : i32
    %cond3A_41 = arith.cmpi ne, %convert_element_type3A_39, %cond3A_40 : i32
    scf.if %cond3A_41 {
      %mul3A_42 = arith.constant 320 : i32
      %mul3A_43 = arith.muli %arg1, %mul3A_42 : i32
      %min3A = arith.constant 4680 : i32
      %min3A_44 = arith.minsi %mul3A_43, %min3A : i32
      %multiple_of3A = tpu.assume_multiple %min3A_44, 8 : i32
      %add3A = arith.constant 5000 : i32
      %add3A_45 = arith.addi %add3A, %multiple_of3A : i32
      "tpu.region"() ({
        %run_scoped3A = tpu.sem_alloc : memref<!tpu.dma_semaphore, #tpu.memory_space<semaphore_mem>>
        %dma_start3A = arith.constant 0 : i32
        %dma_start3A_55 = arith.constant 0 : i32
        %dma_start3A_56 = tpu.memref_slice %arg6[%multiple_of3A, %dma_start3A, %dma_start3A_55] : memref<5008x2x128xf32, #tpu.memory_space<vmem_shared>> -> memref<320x2x128xf32, #tpu.memory_space<vmem_shared>>
        %dma_start3A_57 = arith.constant 0 : i32
        %dma_start3A_58 = arith.constant 0 : i32
        %dma_start3A_59 = tpu.memref_slice %arg2[%add3A_45, %dma_start3A_57, %dma_start3A_58] : memref<10000x2x128xf32, #tpu.memory_space<hbm>> -> memref<320x2x128xf32, #tpu.memory_space<hbm>>
        tpu.enqueue_dma source(%dma_start3A_59 : memref<320x2x128xf32, #tpu.memory_space<hbm>>) target(%dma_start3A_56 : memref<320x2x128xf32, #tpu.memory_space<vmem_shared>>) target_semaphore(%run_scoped3A : memref<!tpu.dma_semaphore, #tpu.memory_space<semaphore_mem>>)
        %dma_wait3A = arith.constant 0 : i32
        %dma_wait3A_60 = arith.constant 0 : i32
        %dma_wait3A_61 = tpu.memref_slice %arg6[%multiple_of3A, %dma_wait3A, %dma_wait3A_60] : memref<5008x2x128xf32, #tpu.memory_space<vmem_shared>> -> memref<320x2x128xf32, #tpu.memory_space<vmem_shared>>
        %dma_wait3A_62 = arith.constant 0 : i32
        %dma_wait3A_63 = arith.constant 0 : i32
        %dma_wait3A_64 = tpu.memref_slice %arg2[%add3A_45, %dma_wait3A_62, %dma_wait3A_63] : memref<10000x2x128xf32, #tpu.memory_space<hbm>> -> memref<320x2x128xf32, #tpu.memory_space<hbm>>
        tpu.wait_dma2 semaphore(%run_scoped3A : memref<!tpu.dma_semaphore, #tpu.memory_space<semaphore_mem>>) src(%dma_wait3A_64 : memref<320x2x128xf32, #tpu.memory_space<hbm>>) dst(%dma_wait3A_61 : memref<320x2x128xf32, #tpu.memory_space<vmem_shared>>)
        tpu.yield
      }) : () -> ()
      %barrier3A = arith.constant 0 : index
      tpu.barrier barrier_id(%barrier3A)
      %scan3A = arith.constant 0 : i32
      %scan3A_46 = arith.constant 0 : i32
      %scan3A_47 = arith.constant 157 : i32
      %scan3A_48 = arith.addi %scan3A_46, %scan3A_47 : i32
      %scan3A_49 = arith.constant 1 : i32
      scf.for %scan3A_55 = %scan3A_46 to %scan3A_48 step %scan3A_49  : i32 {
        %mul3A_56 = arith.constant 2 : i32
        %mul3A_57 = arith.muli %mul3A_56, %scan3A_55 : i32
        %add3A_58 = arith.constant 0 : i32
        %add3A_59 = arith.addi %mul3A_57, %add3A_58 : i32
        %mul3A_60 = arith.constant 32 : i32
        %mul3A_61 = arith.muli %add3A_59, %mul3A_60 : i32
        %multiple_of3A_62 = tpu.assume_multiple %mul3A_61, 32 : i32
        %add3A_63 = arith.constant 0 : i32
        %add3A_64 = arith.addi %multiple_of3A_62, %add3A_63 : i32
        %get3A = arith.index_cast %add3A_64 : i32 to index
        %get3A_65 = tpu.vector_load %arg8[%get3A] {strides = array<i32>} : memref<10048xi32, #tpu.memory_space<vmem>>, vector<16xi32>,
        %get3A_66 = vector.shape_cast %get3A_65 : vector<16xi32> to vector<16xi32>
        %add3A_67 = arith.constant 0 : i32
        %add3A_68 = arith.addi %multiple_of3A_62, %add3A_67 : i32
        %get3A_69 = arith.index_cast %add3A_68 : i32 to index
        %get3A_70 = tpu.vector_load %arg7[%get3A_69] {strides = array<i32>} : memref<10048xi32, #tpu.memory_space<vmem>>, vector<16xi32>,
        %get3A_71 = vector.shape_cast %get3A_70 : vector<16xi32> to vector<16xi32>
        %sub3A = arith.constant 5000 : i32
        %sub3A_72 = vector.broadcast %sub3A : i32 to vector<16xi32>
        %sub3A_73 = arith.subi %get3A_66, %sub3A_72 : vector<16xi32>
        %ge3A = arith.constant 0 : i32
        %ge3A_74 = vector.broadcast %ge3A : i32 to vector<16xi32>
        %ge3A_75 = arith.cmpi sge, %sub3A_73, %ge3A_74 : vector<16xi32>
        %lt3A = arith.constant 5000 : i32
        %lt3A_76 = vector.broadcast %lt3A : i32 to vector<16xi32>
        %lt3A_77 = arith.cmpi slt, %sub3A_73, %lt3A_76 : vector<16xi32>
        %and3A = arith.andi %ge3A_75, %lt3A_77 : vector<16xi1>
        %jit3A = arith.constant 5000 : i32
        %broadcast_in_dim3A_78 = vector.broadcast %jit3A : i32 to vector<16xi32>
        %select_n3A = arith.select %and3A, %sub3A_73, %broadcast_in_dim3A_78 : vector<16xi1>, vector<16xi32>
        %swap3A_79 = arith.constant 0 : i32
        %swap3A_80 = arith.index_cast %swap3A_79 : i32 to index
        %swap3A_81 = arith.constant 0 : index
        %swap3A_82 = tpu.vector_load %arg11[%swap3A_80, %swap3A_81] {strides = array<i32>} : memref<1x32xi32, #tpu.memory_space<vmem>>, vector<1x16xi32>,
        %swap3A_83 = vector.shape_cast %swap3A_82 : vector<1x16xi32> to vector<16xi32>
        %swap3A_84 = vector.shape_cast %select_n3A : vector<16xi32> to vector<1x16xi32>
        tpu.vector_store %arg11[%swap3A_80, %swap3A_81], %swap3A_84 {strides = array<i32>} : memref<1x32xi32, #tpu.memory_space<vmem>>, vector<1x16xi32>,
        %swap3A_85 = arith.constant 0 : index
        %swap3A_86 = tpu.vector_load %arg9[%swap3A_85] {strides = array<i32>} : memref<32xi32, #tpu.memory_space<vmem>>, vector<16xi32>,
        %swap3A_87 = vector.shape_cast %swap3A_86 : vector<16xi32> to vector<16xi32>
        %swap3A_88 = vector.shape_cast %get3A_71 : vector<16xi32> to vector<16xi32>
        tpu.vector_store %arg9[%swap3A_85], %swap3A_88 {strides = array<i32>} : memref<32xi32, #tpu.memory_space<vmem>>, vector<16xi32>,
        %add3A_89 = arith.constant 16 : i32
        %add3A_90 = arith.addi %multiple_of3A_62, %add3A_89 : i32
        %get3A_91 = arith.index_cast %add3A_90 : i32 to index
        %get3A_92 = tpu.vector_load %arg8[%get3A_91] {strides = array<i32>} : memref<10048xi32, #tpu.memory_space<vmem>>, vector<16xi32>,
        %get3A_93 = vector.shape_cast %get3A_92 : vector<16xi32> to vector<16xi32>
        %add3A_94 = arith.constant 16 : i32
        %add3A_95 = arith.addi %multiple_of3A_62, %add3A_94 : i32
        %get3A_96 = arith.index_cast %add3A_95 : i32 to index
        %get3A_97 = tpu.vector_load %arg7[%get3A_96] {strides = array<i32>} : memref<10048xi32, #tpu.memory_space<vmem>>, vector<16xi32>,
        %get3A_98 = vector.shape_cast %get3A_97 : vector<16xi32> to vector<16xi32>
        %sub3A_99 = arith.constant 5000 : i32
        %sub3A_100 = vector.broadcast %sub3A_99 : i32 to vector<16xi32>
        %sub3A_101 = arith.subi %get3A_93, %sub3A_100 : vector<16xi32>
        %ge3A_102 = arith.constant 0 : i32
        %ge3A_103 = vector.broadcast %ge3A_102 : i32 to vector<16xi32>
        %ge3A_104 = arith.cmpi sge, %sub3A_101, %ge3A_103 : vector<16xi32>
        %lt3A_105 = arith.constant 5000 : i32
        %lt3A_106 = vector.broadcast %lt3A_105 : i32 to vector<16xi32>
        %lt3A_107 = arith.cmpi slt, %sub3A_101, %lt3A_106 : vector<16xi32>
        %and3A_108 = arith.andi %ge3A_104, %lt3A_107 : vector<16xi1>
        %jit3A_109 = arith.constant 5000 : i32
        %broadcast_in_dim3A_110 = vector.broadcast %jit3A_109 : i32 to vector<16xi32>
        %select_n3A_111 = arith.select %and3A_108, %sub3A_101, %broadcast_in_dim3A_110 : vector<16xi1>, vector<16xi32>
        %swap3A_112 = arith.constant 0 : i32
        %swap3A_113 = arith.index_cast %swap3A_112 : i32 to index
        %swap3A_114 = arith.constant 16 : index
        %swap3A_115 = tpu.vector_load %arg11[%swap3A_113, %swap3A_114] {strides = array<i32>} : memref<1x32xi32, #tpu.memory_space<vmem>>, vector<1x16xi32>,
        %swap3A_116 = vector.shape_cast %swap3A_115 : vector<1x16xi32> to vector<16xi32>
        %swap3A_117 = vector.shape_cast %select_n3A_111 : vector<16xi32> to vector<1x16xi32>
        tpu.vector_store %arg11[%swap3A_113, %swap3A_114], %swap3A_117 {strides = array<i32>} : memref<1x32xi32, #tpu.memory_space<vmem>>, vector<1x16xi32>,
        %swap3A_118 = arith.constant 16 : index
        %swap3A_119 = tpu.vector_load %arg9[%swap3A_118] {strides = array<i32>} : memref<32xi32, #tpu.memory_space<vmem>>, vector<16xi32>,
        %swap3A_120 = vector.shape_cast %swap3A_119 : vector<16xi32> to vector<16xi32>
        %swap3A_121 = vector.shape_cast %get3A_98 : vector<16xi32> to vector<16xi32>
        tpu.vector_store %arg9[%swap3A_118], %swap3A_121 {strides = array<i32>} : memref<32xi32, #tpu.memory_space<vmem>>, vector<16xi32>,
        %dma_start3A = arith.constant 0 : i32
        %dma_start3A_122 = arith.constant 0 : i32
        %dma_start3A_123 = arith.constant 0 : i32
        %dma_start3A_124 = tpu.memref_slice %arg2[%dma_start3A, %dma_start3A_122, %dma_start3A_123] : memref<10000x2x128xf32, #tpu.memory_space<hbm>> -> memref<10000x2x128xf32, #tpu.memory_space<hbm>>
        tpu.enqueue_indirect_dma source(%dma_start3A_124 : memref<10000x2x128xf32, #tpu.memory_space<hbm>>) target(%arg13 : memref<32x2x128xf32, #tpu.memory_space<vmem>>) offsets(%arg9 : memref<32xi32, #tpu.memory_space<vmem>>) semaphore(%arg15 : memref<!tpu.dma_semaphore, #tpu.memory_space<semaphore_mem>>)
        %mul3A_125 = arith.constant 2 : i32
        %mul3A_126 = arith.muli %mul3A_125, %scan3A_55 : i32
        %add3A_127 = arith.constant 1 : i32
        %add3A_128 = arith.addi %mul3A_126, %add3A_127 : i32
        %mul3A_129 = arith.constant 32 : i32
        %mul3A_130 = arith.muli %add3A_128, %mul3A_129 : i32
        %multiple_of3A_131 = tpu.assume_multiple %mul3A_130, 32 : i32
        %add3A_132 = arith.constant 0 : i32
        %add3A_133 = arith.addi %multiple_of3A_131, %add3A_132 : i32
        %get3A_134 = arith.index_cast %add3A_133 : i32 to index
        %get3A_135 = tpu.vector_load %arg8[%get3A_134] {strides = array<i32>} : memref<10048xi32, #tpu.memory_space<vmem>>, vector<16xi32>,
        %get3A_136 = vector.shape_cast %get3A_135 : vector<16xi32> to vector<16xi32>
        %add3A_137 = arith.constant 0 : i32
        %add3A_138 = arith.addi %multiple_of3A_131, %add3A_137 : i32
        %get3A_139 = arith.index_cast %add3A_138 : i32 to index
        %get3A_140 = tpu.vector_load %arg7[%get3A_139] {strides = array<i32>} : memref<10048xi32, #tpu.memory_space<vmem>>, vector<16xi32>,
        %get3A_141 = vector.shape_cast %get3A_140 : vector<16xi32> to vector<16xi32>
        %sub3A_142 = arith.constant 5000 : i32
        %sub3A_143 = vector.broadcast %sub3A_142 : i32 to vector<16xi32>
        %sub3A_144 = arith.subi %get3A_136, %sub3A_143 : vector<16xi32>
        %ge3A_145 = arith.constant 0 : i32
        %ge3A_146 = vector.broadcast %ge3A_145 : i32 to vector<16xi32>
        %ge3A_147 = arith.cmpi sge, %sub3A_144, %ge3A_146 : vector<16xi32>
        %lt3A_148 = arith.constant 5000 : i32
        %lt3A_149 = vector.broadcast %lt3A_148 : i32 to vector<16xi32>
        %lt3A_150 = arith.cmpi slt, %sub3A_144, %lt3A_149 : vector<16xi32>
        %and3A_151 = arith.andi %ge3A_147, %lt3A_150 : vector<16xi1>
        %jit3A_152 = arith.constant 5000 : i32
        %broadcast_in_dim3A_153 = vector.broadcast %jit3A_152 : i32 to vector<16xi32>
        %select_n3A_154 = arith.select %and3A_151, %sub3A_144, %broadcast_in_dim3A_153 : vector<16xi1>, vector<16xi32>
        %swap3A_155 = arith.constant 0 : i32
        %swap3A_156 = arith.index_cast %swap3A_155 : i32 to index
        %swap3A_157 = arith.constant 0 : index
        %swap3A_158 = tpu.vector_load %arg12[%swap3A_156, %swap3A_157] {strides = array<i32>} : memref<1x32xi32, #tpu.memory_space<vmem>>, vector<1x16xi32>,
        %swap3A_159 = vector.shape_cast %swap3A_158 : vector<1x16xi32> to vector<16xi32>
        %swap3A_160 = vector.shape_cast %select_n3A_154 : vector<16xi32> to vector<1x16xi32>
        tpu.vector_store %arg12[%swap3A_156, %swap3A_157], %swap3A_160 {strides = array<i32>} : memref<1x32xi32, #tpu.memory_space<vmem>>, vector<1x16xi32>,
        %swap3A_161 = arith.constant 0 : index
        %swap3A_162 = tpu.vector_load %arg10[%swap3A_161] {strides = array<i32>} : memref<32xi32, #tpu.memory_space<vmem>>, vector<16xi32>,
        %swap3A_163 = vector.shape_cast %swap3A_162 : vector<16xi32> to vector<16xi32>
        %swap3A_164 = vector.shape_cast %get3A_141 : vector<16xi32> to vector<16xi32>
        tpu.vector_store %arg10[%swap3A_161], %swap3A_164 {strides = array<i32>} : memref<32xi32, #tpu.memory_space<vmem>>, vector<16xi32>,
        %add3A_165 = arith.constant 16 : i32
        %add3A_166 = arith.addi %multiple_of3A_131, %add3A_165 : i32
        %get3A_167 = arith.index_cast %add3A_166 : i32 to index
        %get3A_168 = tpu.vector_load %arg8[%get3A_167] {strides = array<i32>} : memref<10048xi32, #tpu.memory_space<vmem>>, vector<16xi32>,
        %get3A_169 = vector.shape_cast %get3A_168 : vector<16xi32> to vector<16xi32>
        %add3A_170 = arith.constant 16 : i32
        %add3A_171 = arith.addi %multiple_of3A_131, %add3A_170 : i32
        %get3A_172 = arith.index_cast %add3A_171 : i32 to index
        %get3A_173 = tpu.vector_load %arg7[%get3A_172] {strides = array<i32>} : memref<10048xi32, #tpu.memory_space<vmem>>, vector<16xi32>,
        %get3A_174 = vector.shape_cast %get3A_173 : vector<16xi32> to vector<16xi32>
        %sub3A_175 = arith.constant 5000 : i32
        %sub3A_176 = vector.broadcast %sub3A_175 : i32 to vector<16xi32>
        %sub3A_177 = arith.subi %get3A_169, %sub3A_176 : vector<16xi32>
        %ge3A_178 = arith.constant 0 : i32
        %ge3A_179 = vector.broadcast %ge3A_178 : i32 to vector<16xi32>
        %ge3A_180 = arith.cmpi sge, %sub3A_177, %ge3A_179 : vector<16xi32>
        %lt3A_181 = arith.constant 5000 : i32
        %lt3A_182 = vector.broadcast %lt3A_181 : i32 to vector<16xi32>
        %lt3A_183 = arith.cmpi slt, %sub3A_177, %lt3A_182 : vector<16xi32>
        %and3A_184 = arith.andi %ge3A_180, %lt3A_183 : vector<16xi1>
        %jit3A_185 = arith.constant 5000 : i32
        %broadcast_in_dim3A_186 = vector.broadcast %jit3A_185 : i32 to vector<16xi32>
        %select_n3A_187 = arith.select %and3A_184, %sub3A_177, %broadcast_in_dim3A_186 : vector<16xi1>, vector<16xi32>
        %swap3A_188 = arith.constant 0 : i32
        %swap3A_189 = arith.index_cast %swap3A_188 : i32 to index
        %swap3A_190 = arith.constant 16 : index
        %swap3A_191 = tpu.vector_load %arg12[%swap3A_189, %swap3A_190] {strides = array<i32>} : memref<1x32xi32, #tpu.memory_space<vmem>>, vector<1x16xi32>,
        %swap3A_192 = vector.shape_cast %swap3A_191 : vector<1x16xi32> to vector<16xi32>
        %swap3A_193 = vector.shape_cast %select_n3A_187 : vector<16xi32> to vector<1x16xi32>
        tpu.vector_store %arg12[%swap3A_189, %swap3A_190], %swap3A_193 {strides = array<i32>} : memref<1x32xi32, #tpu.memory_space<vmem>>, vector<1x16xi32>,
        %swap3A_194 = arith.constant 16 : index
        %swap3A_195 = tpu.vector_load %arg10[%swap3A_194] {strides = array<i32>} : memref<32xi32, #tpu.memory_space<vmem>>, vector<16xi32>,
        %swap3A_196 = vector.shape_cast %swap3A_195 : vector<16xi32> to vector<16xi32>
        %swap3A_197 = vector.shape_cast %get3A_174 : vector<16xi32> to vector<16xi32>
        tpu.vector_store %arg10[%swap3A_194], %swap3A_197 {strides = array<i32>} : memref<32xi32, #tpu.memory_space<vmem>>, vector<16xi32>,
        %dma_start3A_198 = arith.constant 0 : i32
        %dma_start3A_199 = arith.constant 0 : i32
        %dma_start3A_200 = arith.constant 0 : i32
        %dma_start3A_201 = tpu.memref_slice %arg2[%dma_start3A_198, %dma_start3A_199, %dma_start3A_200] : memref<10000x2x128xf32, #tpu.memory_space<hbm>> -> memref<10000x2x128xf32, #tpu.memory_space<hbm>>
        tpu.enqueue_indirect_dma source(%dma_start3A_201 : memref<10000x2x128xf32, #tpu.memory_space<hbm>>) target(%arg14 : memref<32x2x128xf32, #tpu.memory_space<vmem>>) offsets(%arg10 : memref<32xi32, #tpu.memory_space<vmem>>) semaphore(%arg16 : memref<!tpu.dma_semaphore, #tpu.memory_space<semaphore_mem>>)
        %dma_wait3A = arith.constant 0 : i32
        %dma_wait3A_202 = arith.constant 0 : i32
        %dma_wait3A_203 = arith.constant 0 : i32
        %dma_wait3A_204 = tpu.memref_slice %arg2[%dma_wait3A, %dma_wait3A_202, %dma_wait3A_203] : memref<10000x2x128xf32, #tpu.memory_space<hbm>> -> memref<10000x2x128xf32, #tpu.memory_space<hbm>>
        tpu.wait_indirect_dma semaphore(%arg15 : memref<!tpu.dma_semaphore, #tpu.memory_space<semaphore_mem>>) src(%dma_wait3A_204 : memref<10000x2x128xf32, #tpu.memory_space<hbm>>) dst(%arg13 : memref<32x2x128xf32, #tpu.memory_space<vmem>>)
        %run_scoped3A = arith.constant 0 : i32
        "tpu.region"() ({
          %run_scoped3A_210 = tpu.sem_alloc : memref<!tpu.dma_semaphore, #tpu.memory_space<semaphore_mem>>
          %dma_start3A_211 = arith.constant 0 : i32
          %dma_start3A_212 = tpu.memref_slice %arg11[%run_scoped3A, %dma_start3A_211] : memref<1x32xi32, #tpu.memory_space<vmem>> -> memref<1x32xi32, #tpu.memory_space<vmem>>
          %dma_start3A_213 = tpu.memref_squeeze %dma_start3A_212 : memref<1x32xi32, #tpu.memory_space<vmem>> -> memref<32xi32, #tpu.memory_space<vmem>>
          %dma_start3A_214 = arith.constant 0 : i32
          %dma_start3A_215 = arith.constant 0 : i32
          %dma_start3A_216 = arith.constant 0 : i32
          %dma_start3A_217 = tpu.memref_slice %arg6[%dma_start3A_214, %dma_start3A_215, %dma_start3A_216] : memref<5008x2x128xf32, #tpu.memory_space<vmem_shared>> -> memref<5008x2x128xf32, #tpu.memory_space<vmem_shared>>
          tpu.enqueue_indirect_dma source(%arg13 : memref<32x2x128xf32, #tpu.memory_space<vmem>>) target(%dma_start3A_217 : memref<5008x2x128xf32, #tpu.memory_space<vmem_shared>>) offsets(%dma_start3A_213 : memref<32xi32, #tpu.memory_space<vmem>>) semaphore(%run_scoped3A_210 : memref<!tpu.dma_semaphore, #tpu.memory_space<semaphore_mem>>) {add = true}
          %dma_wait3A_218 = arith.constant 0 : i32
          %dma_wait3A_219 = tpu.memref_slice %arg11[%run_scoped3A, %dma_wait3A_218] : memref<1x32xi32, #tpu.memory_space<vmem>> -> memref<1x32xi32, #tpu.memory_space<vmem>>
          %dma_wait3A_220 = tpu.memref_squeeze %dma_wait3A_219 : memref<1x32xi32, #tpu.memory_space<vmem>> -> memref<32xi32, #tpu.memory_space<vmem>>
          %dma_wait3A_221 = arith.constant 0 : i32
          %dma_wait3A_222 = arith.constant 0 : i32
          %dma_wait3A_223 = arith.constant 0 : i32
          %dma_wait3A_224 = tpu.memref_slice %arg6[%dma_wait3A_221, %dma_wait3A_222, %dma_wait3A_223] : memref<5008x2x128xf32, #tpu.memory_space<vmem_shared>> -> memref<5008x2x128xf32, #tpu.memory_space<vmem_shared>>
          tpu.wait_indirect_dma semaphore(%run_scoped3A_210 : memref<!tpu.dma_semaphore, #tpu.memory_space<semaphore_mem>>) src(%arg13 : memref<32x2x128xf32, #tpu.memory_space<vmem>>) dst(%dma_wait3A_224 : memref<5008x2x128xf32, #tpu.memory_space<vmem_shared>>)
          tpu.yield
        }) : () -> ()
        %dma_wait3A_205 = arith.constant 0 : i32
        %dma_wait3A_206 = arith.constant 0 : i32
        %dma_wait3A_207 = arith.constant 0 : i32
        %dma_wait3A_208 = tpu.memref_slice %arg2[%dma_wait3A_205, %dma_wait3A_206, %dma_wait3A_207] : memref<10000x2x128xf32, #tpu.memory_space<hbm>> -> memref<10000x2x128xf32, #tpu.memory_space<hbm>>
        tpu.wait_indirect_dma semaphore(%arg16 : memref<!tpu.dma_semaphore, #tpu.memory_space<semaphore_mem>>) src(%dma_wait3A_208 : memref<10000x2x128xf32, #tpu.memory_space<hbm>>) dst(%arg14 : memref<32x2x128xf32, #tpu.memory_space<vmem>>)
        %run_scoped3A_209 = arith.constant 0 : i32
        "tpu.region"() ({
          %run_scoped3A_210 = tpu.sem_alloc : memref<!tpu.dma_semaphore, #tpu.memory_space<semaphore_mem>>
          %dma_start3A_211 = arith.constant 0 : i32
          %dma_start3A_212 = tpu.memref_slice %arg12[%run_scoped3A_209, %dma_start3A_211] : memref<1x32xi32, #tpu.memory_space<vmem>> -> memref<1x32xi32, #tpu.memory_space<vmem>>
          %dma_start3A_213 = tpu.memref_squeeze %dma_start3A_212 : memref<1x32xi32, #tpu.memory_space<vmem>> -> memref<32xi32, #tpu.memory_space<vmem>>
          %dma_start3A_214 = arith.constant 0 : i32
          %dma_start3A_215 = arith.constant 0 : i32
          %dma_start3A_216 = arith.constant 0 : i32
          %dma_start3A_217 = tpu.memref_slice %arg6[%dma_start3A_214, %dma_start3A_215, %dma_start3A_216] : memref<5008x2x128xf32, #tpu.memory_space<vmem_shared>> -> memref<5008x2x128xf32, #tpu.memory_space<vmem_shared>>
          tpu.enqueue_indirect_dma source(%arg14 : memref<32x2x128xf32, #tpu.memory_space<vmem>>) target(%dma_start3A_217 : memref<5008x2x128xf32, #tpu.memory_space<vmem_shared>>) offsets(%dma_start3A_213 : memref<32xi32, #tpu.memory_space<vmem>>) semaphore(%run_scoped3A_210 : memref<!tpu.dma_semaphore, #tpu.memory_space<semaphore_mem>>) {add = true}
          %dma_wait3A_218 = arith.constant 0 : i32
          %dma_wait3A_219 = tpu.memref_slice %arg12[%run_scoped3A_209, %dma_wait3A_218] : memref<1x32xi32, #tpu.memory_space<vmem>> -> memref<1x32xi32, #tpu.memory_space<vmem>>
          %dma_wait3A_220 = tpu.memref_squeeze %dma_wait3A_219 : memref<1x32xi32, #tpu.memory_space<vmem>> -> memref<32xi32, #tpu.memory_space<vmem>>
          %dma_wait3A_221 = arith.constant 0 : i32
          %dma_wait3A_222 = arith.constant 0 : i32
          %dma_wait3A_223 = arith.constant 0 : i32
          %dma_wait3A_224 = tpu.memref_slice %arg6[%dma_wait3A_221, %dma_wait3A_222, %dma_wait3A_223] : memref<5008x2x128xf32, #tpu.memory_space<vmem_shared>> -> memref<5008x2x128xf32, #tpu.memory_space<vmem_shared>>
          tpu.wait_indirect_dma semaphore(%run_scoped3A_210 : memref<!tpu.dma_semaphore, #tpu.memory_space<semaphore_mem>>) src(%arg14 : memref<32x2x128xf32, #tpu.memory_space<vmem>>) dst(%dma_wait3A_224 : memref<5008x2x128xf32, #tpu.memory_space<vmem_shared>>)
          tpu.yield
        }) : () -> ()
      }
      %scan3A_50 = arith.constant 157 : i32
      %barrier3A_51 = arith.constant 0 : index
      tpu.barrier barrier_id(%barrier3A_51)
      %add3A_52 = arith.constant 5000 : i32
      %add3A_53 = arith.addi %add3A_52, %multiple_of3A : i32
      "tpu.region"() ({
        %run_scoped3A = tpu.sem_alloc : memref<!tpu.dma_semaphore, #tpu.memory_space<semaphore_mem>>
        %dma_start3A = arith.constant 0 : i32
        %dma_start3A_55 = arith.constant 0 : i32
        %dma_start3A_56 = tpu.memref_slice %arg5[%add3A_53, %dma_start3A, %dma_start3A_55] : memref<10000x2x128xf32, #tpu.memory_space<hbm>> -> memref<320x2x128xf32, #tpu.memory_space<hbm>>
        %dma_start3A_57 = arith.constant 0 : i32
        %dma_start3A_58 = arith.constant 0 : i32
        %dma_start3A_59 = tpu.memref_slice %arg6[%multiple_of3A, %dma_start3A_57, %dma_start3A_58] : memref<5008x2x128xf32, #tpu.memory_space<vmem_shared>> -> memref<320x2x128xf32, #tpu.memory_space<vmem_shared>>
        tpu.enqueue_dma source(%dma_start3A_59 : memref<320x2x128xf32, #tpu.memory_space<vmem_shared>>) target(%dma_start3A_56 : memref<320x2x128xf32, #tpu.memory_space<hbm>>) target_semaphore(%run_scoped3A : memref<!tpu.dma_semaphore, #tpu.memory_space<semaphore_mem>>)
        %dma_wait3A = arith.constant 0 : i32
        %dma_wait3A_60 = arith.constant 0 : i32
        %dma_wait3A_61 = tpu.memref_slice %arg5[%add3A_53, %dma_wait3A, %dma_wait3A_60] : memref<10000x2x128xf32, #tpu.memory_space<hbm>> -> memref<320x2x128xf32, #tpu.memory_space<hbm>>
        %dma_wait3A_62 = arith.constant 0 : i32
        %dma_wait3A_63 = arith.constant 0 : i32
        %dma_wait3A_64 = tpu.memref_slice %arg6[%multiple_of3A, %dma_wait3A_62, %dma_wait3A_63] : memref<5008x2x128xf32, #tpu.memory_space<vmem_shared>> -> memref<320x2x128xf32, #tpu.memory_space<vmem_shared>>
        tpu.wait_dma2 semaphore(%run_scoped3A : memref<!tpu.dma_semaphore, #tpu.memory_space<semaphore_mem>>) src(%dma_wait3A_64 : memref<320x2x128xf32, #tpu.memory_space<vmem_shared>>) dst(%dma_wait3A_61 : memref<320x2x128xf32, #tpu.memory_space<hbm>>)
        tpu.yield
      }) : () -> ()
      %barrier3A_54 = arith.constant 0 : index
      tpu.barrier barrier_id(%barrier3A_54)
    } else {
    }
    return
  }
}

#map = affine_map<(d0, d1) -> (0, 0, 0)>
#map1 = affine_map<(d0, d1) -> (0)>
module attributes {stable_mosaic.version = 14 : i64} {
  func.func @scatter(%arg0: i32, %arg1: i32, %arg2: memref<10000x4x128xf32, #tpu.memory_space<hbm>>, %arg3: memref<160000xi32, #tpu.memory_space<hbm>>, %arg4: memref<160000xi32, #tpu.memory_space<hbm>>, %arg5: memref<10000x4x128xf32, #tpu.memory_space<hbm>>, %arg6: memref<2928x4x128xf32, #tpu.memory_space<vmem_shared>>, %arg7: memref<10016xi32, #tpu.memory_space<vmem>>, %arg8: memref<10016xi32, #tpu.memory_space<vmem>>, %arg9: memref<16xi32, #tpu.memory_space<vmem>>, %arg10: memref<16xi32, #tpu.memory_space<vmem>>, %arg11: memref<1x16xi32, #tpu.memory_space<vmem>>, %arg12: memref<1x16xi32, #tpu.memory_space<vmem>>, %arg13: memref<16x4x128xf32, #tpu.memory_space<vmem>>, %arg14: memref<16x4x128xf32, #tpu.memory_space<vmem>>, %arg15: memref<!tpu.dma_semaphore, #tpu.memory_space<semaphore_mem>>, %arg16: memref<!tpu.dma_semaphore, #tpu.memory_space<semaphore_mem>>) attributes {dimension_semantics = [#tpu.dimension_semantics<core_parallel>, #tpu.dimension_semantics<subcore_parallel>], iteration_bounds = array<i64: 2, 16>, scalar_prefetch = 0 : i64, scratch_operands = 11 : i64, tpu.core_type = #tpu.core_type<sc_vector_subcore>, window_params = [{transform_indices = #map}, {transform_indices = #map1}, {transform_indices = #map1}, {transform_indices = #map}]} {
    %mul3A = arith.constant 10000 : i32
    %mul3A_0 = arith.muli %arg1, %mul3A : i32
    "tpu.region"() ({
      %run_scoped3A = tpu.sem_alloc : memref<!tpu.dma_semaphore, #tpu.memory_space<semaphore_mem>>
      %dma_start3A = arith.constant 0 : i32
      %dma_start3A_28 = tpu.memref_slice %arg7[%dma_start3A] : memref<10016xi32, #tpu.memory_space<vmem>> -> memref<10000xi32, #tpu.memory_space<vmem>>
      %dma_start3A_29 = tpu.memref_slice %arg3[%mul3A_0] : memref<160000xi32, #tpu.memory_space<hbm>> -> memref<10000xi32, #tpu.memory_space<hbm>>
      %dma_start3A_30 = arith.constant 0 : i32
      %dma_start3A_31 = tpu.memref_slice %arg7[%dma_start3A_30] : memref<10016xi32, #tpu.memory_space<vmem>> -> memref<10000xi32, #tpu.memory_space<vmem>>
      %dma_start3A_32 = tpu.memref_slice %arg3[%mul3A_0] : memref<160000xi32, #tpu.memory_space<hbm>> -> memref<10000xi32, #tpu.memory_space<hbm>>
      tpu.enqueue_dma source(%dma_start3A_32 : memref<10000xi32, #tpu.memory_space<hbm>>) target(%dma_start3A_31 : memref<10000xi32, #tpu.memory_space<vmem>>) target_semaphore(%run_scoped3A : memref<!tpu.dma_semaphore, #tpu.memory_space<semaphore_mem>>)
      %dma_wait3A = arith.constant 0 : i32
      %dma_wait3A_33 = tpu.memref_slice %arg7[%dma_wait3A] : memref<10016xi32, #tpu.memory_space<vmem>> -> memref<10000xi32, #tpu.memory_space<vmem>>
      %dma_wait3A_34 = tpu.memref_slice %arg3[%mul3A_0] : memref<160000xi32, #tpu.memory_space<hbm>> -> memref<10000xi32, #tpu.memory_space<hbm>>
      %dma_wait3A_35 = arith.constant 0 : i32
      %dma_wait3A_36 = tpu.memref_slice %arg7[%dma_wait3A_35] : memref<10016xi32, #tpu.memory_space<vmem>> -> memref<10000xi32, #tpu.memory_space<vmem>>
      %dma_wait3A_37 = tpu.memref_slice %arg3[%mul3A_0] : memref<160000xi32, #tpu.memory_space<hbm>> -> memref<10000xi32, #tpu.memory_space<hbm>>
      tpu.wait_dma2 semaphore(%run_scoped3A : memref<!tpu.dma_semaphore, #tpu.memory_space<semaphore_mem>>) src(%dma_wait3A_37 : memref<10000xi32, #tpu.memory_space<hbm>>) dst(%dma_wait3A_36 : memref<10000xi32, #tpu.memory_space<vmem>>)
      tpu.yield
    }) : () -> ()
    "tpu.region"() ({
      %run_scoped3A = tpu.sem_alloc : memref<!tpu.dma_semaphore, #tpu.memory_space<semaphore_mem>>
      %dma_start3A = arith.constant 0 : i32
      %dma_start3A_28 = tpu.memref_slice %arg8[%dma_start3A] : memref<10016xi32, #tpu.memory_space<vmem>> -> memref<10000xi32, #tpu.memory_space<vmem>>
      %dma_start3A_29 = tpu.memref_slice %arg4[%mul3A_0] : memref<160000xi32, #tpu.memory_space<hbm>> -> memref<10000xi32, #tpu.memory_space<hbm>>
      %dma_start3A_30 = arith.constant 0 : i32
      %dma_start3A_31 = tpu.memref_slice %arg8[%dma_start3A_30] : memref<10016xi32, #tpu.memory_space<vmem>> -> memref<10000xi32, #tpu.memory_space<vmem>>
      %dma_start3A_32 = tpu.memref_slice %arg4[%mul3A_0] : memref<160000xi32, #tpu.memory_space<hbm>> -> memref<10000xi32, #tpu.memory_space<hbm>>
      tpu.enqueue_dma source(%dma_start3A_32 : memref<10000xi32, #tpu.memory_space<hbm>>) target(%dma_start3A_31 : memref<10000xi32, #tpu.memory_space<vmem>>) target_semaphore(%run_scoped3A : memref<!tpu.dma_semaphore, #tpu.memory_space<semaphore_mem>>)
      %dma_wait3A = arith.constant 0 : i32
      %dma_wait3A_33 = tpu.memref_slice %arg8[%dma_wait3A] : memref<10016xi32, #tpu.memory_space<vmem>> -> memref<10000xi32, #tpu.memory_space<vmem>>
      %dma_wait3A_34 = tpu.memref_slice %arg4[%mul3A_0] : memref<160000xi32, #tpu.memory_space<hbm>> -> memref<10000xi32, #tpu.memory_space<hbm>>
      %dma_wait3A_35 = arith.constant 0 : i32
      %dma_wait3A_36 = tpu.memref_slice %arg8[%dma_wait3A_35] : memref<10016xi32, #tpu.memory_space<vmem>> -> memref<10000xi32, #tpu.memory_space<vmem>>
      %dma_wait3A_37 = tpu.memref_slice %arg4[%mul3A_0] : memref<160000xi32, #tpu.memory_space<hbm>> -> memref<10000xi32, #tpu.memory_space<hbm>>
      tpu.wait_dma2 semaphore(%run_scoped3A : memref<!tpu.dma_semaphore, #tpu.memory_space<semaphore_mem>>) src(%dma_wait3A_37 : memref<10000xi32, #tpu.memory_space<hbm>>) dst(%dma_wait3A_36 : memref<10000xi32, #tpu.memory_space<vmem>>)
      tpu.yield
    }) : () -> ()
    %broadcast_in_dim3A = arith.constant 0 : i32
    %broadcast_in_dim3A_1 = vector.broadcast %broadcast_in_dim3A : i32 to vector<16xi32>
    %swap3A = arith.constant 10000 : index
    %swap3A_2 = tpu.vector_load %arg7[%swap3A] {strides = array<i32>} : memref<10016xi32, #tpu.memory_space<vmem>>, vector<16xi32>,
    %swap3A_3 = vector.shape_cast %swap3A_2 : vector<16xi32> to vector<16xi32>
    %swap3A_4 = vector.shape_cast %broadcast_in_dim3A_1 : vector<16xi32> to vector<16xi32>
    tpu.vector_store %arg7[%swap3A], %swap3A_4 {strides = array<i32>} : memref<10016xi32, #tpu.memory_space<vmem>>, vector<16xi32>,
    %broadcast_in_dim3A_5 = arith.constant 1073741824 : i32
    %broadcast_in_dim3A_6 = vector.broadcast %broadcast_in_dim3A_5 : i32 to vector<16xi32>
    %swap3A_7 = arith.constant 10000 : index
    %swap3A_8 = tpu.vector_load %arg8[%swap3A_7] {strides = array<i32>} : memref<10016xi32, #tpu.memory_space<vmem>>, vector<16xi32>,
    %swap3A_9 = vector.shape_cast %swap3A_8 : vector<16xi32> to vector<16xi32>
    %swap3A_10 = vector.shape_cast %broadcast_in_dim3A_6 : vector<16xi32> to vector<16xi32>
    tpu.vector_store %arg8[%swap3A_7], %swap3A_10 {strides = array<i32>} : memref<10016xi32, #tpu.memory_space<vmem>>, vector<16xi32>,
    %eq3A = arith.constant 0 : i32
    %eq3A_11 = arith.cmpi eq, %arg0, %eq3A : i32
    %convert_element_type3A = arith.extui %eq3A_11 : i1 to i32
    %cond3A = arith.constant 0 : i32
    %cond3A_12 = arith.cmpi ne, %convert_element_type3A, %cond3A : i32
    scf.if %cond3A_12 {
      %mul3A_28 = arith.constant 184 : i32
      %mul3A_29 = arith.muli %arg1, %mul3A_28 : i32
      %min3A = arith.constant 2736 : i32
      %min3A_30 = arith.minsi %mul3A_29, %min3A : i32
      %multiple_of3A = tpu.assume_multiple %min3A_30, 8 : i32
      %add3A = arith.constant 0 : i32
      %add3A_31 = arith.addi %add3A, %multiple_of3A : i32
      "tpu.region"() ({
        %run_scoped3A = tpu.sem_alloc : memref<!tpu.dma_semaphore, #tpu.memory_space<semaphore_mem>>
        %dma_start3A = arith.constant 0 : i32
        %dma_start3A_41 = arith.constant 0 : i32
        %dma_start3A_42 = tpu.memref_slice %arg6[%multiple_of3A, %dma_start3A, %dma_start3A_41] : memref<2928x4x128xf32, #tpu.memory_space<vmem_shared>> -> memref<184x4x128xf32, #tpu.memory_space<vmem_shared>>
        %dma_start3A_43 = arith.constant 0 : i32
        %dma_start3A_44 = arith.constant 0 : i32
        %dma_start3A_45 = tpu.memref_slice %arg2[%add3A_31, %dma_start3A_43, %dma_start3A_44] : memref<10000x4x128xf32, #tpu.memory_space<hbm>> -> memref<184x4x128xf32, #tpu.memory_space<hbm>>
        tpu.enqueue_dma source(%dma_start3A_45 : memref<184x4x128xf32, #tpu.memory_space<hbm>>) target(%dma_start3A_42 : memref<184x4x128xf32, #tpu.memory_space<vmem_shared>>) target_semaphore(%run_scoped3A : memref<!tpu.dma_semaphore, #tpu.memory_space<semaphore_mem>>)
        %dma_wait3A = arith.constant 0 : i32
        %dma_wait3A_46 = arith.constant 0 : i32
        %dma_wait3A_47 = tpu.memref_slice %arg6[%multiple_of3A, %dma_wait3A, %dma_wait3A_46] : memref<2928x4x128xf32, #tpu.memory_space<vmem_shared>> -> memref<184x4x128xf32, #tpu.memory_space<vmem_shared>>
        %dma_wait3A_48 = arith.constant 0 : i32
        %dma_wait3A_49 = arith.constant 0 : i32
        %dma_wait3A_50 = tpu.memref_slice %arg2[%add3A_31, %dma_wait3A_48, %dma_wait3A_49] : memref<10000x4x128xf32, #tpu.memory_space<hbm>> -> memref<184x4x128xf32, #tpu.memory_space<hbm>>
        tpu.wait_dma2 semaphore(%run_scoped3A : memref<!tpu.dma_semaphore, #tpu.memory_space<semaphore_mem>>) src(%dma_wait3A_50 : memref<184x4x128xf32, #tpu.memory_space<hbm>>) dst(%dma_wait3A_47 : memref<184x4x128xf32, #tpu.memory_space<vmem_shared>>)
        tpu.yield
      }) : () -> ()
      %barrier3A = arith.constant 0 : index
      tpu.barrier barrier_id(%barrier3A)
      %scan3A = arith.constant 0 : i32
      %scan3A_32 = arith.constant 0 : i32
      %scan3A_33 = arith.constant 313 : i32
      %scan3A_34 = arith.addi %scan3A_32, %scan3A_33 : i32
      %scan3A_35 = arith.constant 1 : i32
      scf.for %scan3A_41 = %scan3A_32 to %scan3A_34 step %scan3A_35  : i32 {
        %mul3A_42 = arith.constant 2 : i32
        %mul3A_43 = arith.muli %mul3A_42, %scan3A_41 : i32
        %add3A_44 = arith.constant 0 : i32
        %add3A_45 = arith.addi %mul3A_43, %add3A_44 : i32
        %mul3A_46 = arith.constant 16 : i32
        %mul3A_47 = arith.muli %add3A_45, %mul3A_46 : i32
        %multiple_of3A_48 = tpu.assume_multiple %mul3A_47, 16 : i32
        %add3A_49 = arith.constant 0 : i32
        %add3A_50 = arith.addi %multiple_of3A_48, %add3A_49 : i32
        %get3A = arith.index_cast %add3A_50 : i32 to index
        %get3A_51 = tpu.vector_load %arg8[%get3A] {strides = array<i32>} : memref<10016xi32, #tpu.memory_space<vmem>>, vector<16xi32>,
        %get3A_52 = vector.shape_cast %get3A_51 : vector<16xi32> to vector<16xi32>
        %add3A_53 = arith.constant 0 : i32
        %add3A_54 = arith.addi %multiple_of3A_48, %add3A_53 : i32
        %get3A_55 = arith.index_cast %add3A_54 : i32 to index
        %get3A_56 = tpu.vector_load %arg7[%get3A_55] {strides = array<i32>} : memref<10016xi32, #tpu.memory_space<vmem>>, vector<16xi32>,
        %get3A_57 = vector.shape_cast %get3A_56 : vector<16xi32> to vector<16xi32>
        %sub3A = arith.constant 0 : i32
        %sub3A_58 = vector.broadcast %sub3A : i32 to vector<16xi32>
        %sub3A_59 = arith.subi %get3A_52, %sub3A_58 : vector<16xi32>
        %ge3A = arith.constant 0 : i32
        %ge3A_60 = vector.broadcast %ge3A : i32 to vector<16xi32>
        %ge3A_61 = arith.cmpi sge, %sub3A_59, %ge3A_60 : vector<16xi32>
        %lt3A = arith.constant 2920 : i32
        %lt3A_62 = vector.broadcast %lt3A : i32 to vector<16xi32>
        %lt3A_63 = arith.cmpi slt, %sub3A_59, %lt3A_62 : vector<16xi32>
        %and3A = arith.andi %ge3A_61, %lt3A_63 : vector<16xi1>
        %jit3A = arith.constant 2920 : i32
        %broadcast_in_dim3A_64 = vector.broadcast %jit3A : i32 to vector<16xi32>
        %select_n3A = arith.select %and3A, %sub3A_59, %broadcast_in_dim3A_64 : vector<16xi1>, vector<16xi32>
        %swap3A_65 = arith.constant 0 : i32
        %swap3A_66 = arith.index_cast %swap3A_65 : i32 to index
        %swap3A_67 = arith.constant 0 : index
        %swap3A_68 = tpu.vector_load %arg11[%swap3A_66, %swap3A_67] {strides = array<i32>} : memref<1x16xi32, #tpu.memory_space<vmem>>, vector<1x16xi32>,
        %swap3A_69 = vector.shape_cast %swap3A_68 : vector<1x16xi32> to vector<16xi32>
        %swap3A_70 = vector.shape_cast %select_n3A : vector<16xi32> to vector<1x16xi32>
        tpu.vector_store %arg11[%swap3A_66, %swap3A_67], %swap3A_70 {strides = array<i32>} : memref<1x16xi32, #tpu.memory_space<vmem>>, vector<1x16xi32>,
        %swap3A_71 = arith.constant 0 : index
        %swap3A_72 = tpu.vector_load %arg9[%swap3A_71] {strides = array<i32>} : memref<16xi32, #tpu.memory_space<vmem>>, vector<16xi32>,
        %swap3A_73 = vector.shape_cast %swap3A_72 : vector<16xi32> to vector<16xi32>
        %swap3A_74 = vector.shape_cast %get3A_57 : vector<16xi32> to vector<16xi32>
        tpu.vector_store %arg9[%swap3A_71], %swap3A_74 {strides = array<i32>} : memref<16xi32, #tpu.memory_space<vmem>>, vector<16xi32>,
        %dma_start3A = arith.constant 0 : i32
        %dma_start3A_75 = arith.constant 0 : i32
        %dma_start3A_76 = arith.constant 0 : i32
        %dma_start3A_77 = tpu.memref_slice %arg2[%dma_start3A, %dma_start3A_75, %dma_start3A_76] : memref<10000x4x128xf32, #tpu.memory_space<hbm>> -> memref<10000x4x128xf32, #tpu.memory_space<hbm>>
        tpu.enqueue_indirect_dma source(%dma_start3A_77 : memref<10000x4x128xf32, #tpu.memory_space<hbm>>) target(%arg13 : memref<16x4x128xf32, #tpu.memory_space<vmem>>) offsets(%arg9 : memref<16xi32, #tpu.memory_space<vmem>>) semaphore(%arg15 : memref<!tpu.dma_semaphore, #tpu.memory_space<semaphore_mem>>)
        %mul3A_78 = arith.constant 2 : i32
        %mul3A_79 = arith.muli %mul3A_78, %scan3A_41 : i32
        %add3A_80 = arith.constant 1 : i32
        %add3A_81 = arith.addi %mul3A_79, %add3A_80 : i32
        %mul3A_82 = arith.constant 16 : i32
        %mul3A_83 = arith.muli %add3A_81, %mul3A_82 : i32
        %multiple_of3A_84 = tpu.assume_multiple %mul3A_83, 16 : i32
        %add3A_85 = arith.constant 0 : i32
        %add3A_86 = arith.addi %multiple_of3A_84, %add3A_85 : i32
        %get3A_87 = arith.index_cast %add3A_86 : i32 to index
        %get3A_88 = tpu.vector_load %arg8[%get3A_87] {strides = array<i32>} : memref<10016xi32, #tpu.memory_space<vmem>>, vector<16xi32>,
        %get3A_89 = vector.shape_cast %get3A_88 : vector<16xi32> to vector<16xi32>
        %add3A_90 = arith.constant 0 : i32
        %add3A_91 = arith.addi %multiple_of3A_84, %add3A_90 : i32
        %get3A_92 = arith.index_cast %add3A_91 : i32 to index
        %get3A_93 = tpu.vector_load %arg7[%get3A_92] {strides = array<i32>} : memref<10016xi32, #tpu.memory_space<vmem>>, vector<16xi32>,
        %get3A_94 = vector.shape_cast %get3A_93 : vector<16xi32> to vector<16xi32>
        %sub3A_95 = arith.constant 0 : i32
        %sub3A_96 = vector.broadcast %sub3A_95 : i32 to vector<16xi32>
        %sub3A_97 = arith.subi %get3A_89, %sub3A_96 : vector<16xi32>
        %ge3A_98 = arith.constant 0 : i32
        %ge3A_99 = vector.broadcast %ge3A_98 : i32 to vector<16xi32>
        %ge3A_100 = arith.cmpi sge, %sub3A_97, %ge3A_99 : vector<16xi32>
        %lt3A_101 = arith.constant 2920 : i32
        %lt3A_102 = vector.broadcast %lt3A_101 : i32 to vector<16xi32>
        %lt3A_103 = arith.cmpi slt, %sub3A_97, %lt3A_102 : vector<16xi32>
        %and3A_104 = arith.andi %ge3A_100, %lt3A_103 : vector<16xi1>
        %jit3A_105 = arith.constant 2920 : i32
        %broadcast_in_dim3A_106 = vector.broadcast %jit3A_105 : i32 to vector<16xi32>
        %select_n3A_107 = arith.select %and3A_104, %sub3A_97, %broadcast_in_dim3A_106 : vector<16xi1>, vector<16xi32>
        %swap3A_108 = arith.constant 0 : i32
        %swap3A_109 = arith.index_cast %swap3A_108 : i32 to index
        %swap3A_110 = arith.constant 0 : index
        %swap3A_111 = tpu.vector_load %arg12[%swap3A_109, %swap3A_110] {strides = array<i32>} : memref<1x16xi32, #tpu.memory_space<vmem>>, vector<1x16xi32>,
        %swap3A_112 = vector.shape_cast %swap3A_111 : vector<1x16xi32> to vector<16xi32>
        %swap3A_113 = vector.shape_cast %select_n3A_107 : vector<16xi32> to vector<1x16xi32>
        tpu.vector_store %arg12[%swap3A_109, %swap3A_110], %swap3A_113 {strides = array<i32>} : memref<1x16xi32, #tpu.memory_space<vmem>>, vector<1x16xi32>,
        %swap3A_114 = arith.constant 0 : index
        %swap3A_115 = tpu.vector_load %arg10[%swap3A_114] {strides = array<i32>} : memref<16xi32, #tpu.memory_space<vmem>>, vector<16xi32>,
        %swap3A_116 = vector.shape_cast %swap3A_115 : vector<16xi32> to vector<16xi32>
        %swap3A_117 = vector.shape_cast %get3A_94 : vector<16xi32> to vector<16xi32>
        tpu.vector_store %arg10[%swap3A_114], %swap3A_117 {strides = array<i32>} : memref<16xi32, #tpu.memory_space<vmem>>, vector<16xi32>,
        %dma_start3A_118 = arith.constant 0 : i32
        %dma_start3A_119 = arith.constant 0 : i32
        %dma_start3A_120 = arith.constant 0 : i32
        %dma_start3A_121 = tpu.memref_slice %arg2[%dma_start3A_118, %dma_start3A_119, %dma_start3A_120] : memref<10000x4x128xf32, #tpu.memory_space<hbm>> -> memref<10000x4x128xf32, #tpu.memory_space<hbm>>
        tpu.enqueue_indirect_dma source(%dma_start3A_121 : memref<10000x4x128xf32, #tpu.memory_space<hbm>>) target(%arg14 : memref<16x4x128xf32, #tpu.memory_space<vmem>>) offsets(%arg10 : memref<16xi32, #tpu.memory_space<vmem>>) semaphore(%arg16 : memref<!tpu.dma_semaphore, #tpu.memory_space<semaphore_mem>>)
        %dma_wait3A = arith.constant 0 : i32
        %dma_wait3A_122 = arith.constant 0 : i32
        %dma_wait3A_123 = arith.constant 0 : i32
        %dma_wait3A_124 = tpu.memref_slice %arg2[%dma_wait3A, %dma_wait3A_122, %dma_wait3A_123] : memref<10000x4x128xf32, #tpu.memory_space<hbm>> -> memref<10000x4x128xf32, #tpu.memory_space<hbm>>
        tpu.wait_indirect_dma semaphore(%arg15 : memref<!tpu.dma_semaphore, #tpu.memory_space<semaphore_mem>>) src(%dma_wait3A_124 : memref<10000x4x128xf32, #tpu.memory_space<hbm>>) dst(%arg13 : memref<16x4x128xf32, #tpu.memory_space<vmem>>)
        %run_scoped3A = arith.constant 0 : i32
        "tpu.region"() ({
          %run_scoped3A_130 = tpu.sem_alloc : memref<!tpu.dma_semaphore, #tpu.memory_space<semaphore_mem>>
          %dma_start3A_131 = arith.constant 0 : i32
          %dma_start3A_132 = tpu.memref_slice %arg11[%run_scoped3A, %dma_start3A_131] : memref<1x16xi32, #tpu.memory_space<vmem>> -> memref<1x16xi32, #tpu.memory_space<vmem>>
          %dma_start3A_133 = tpu.memref_squeeze %dma_start3A_132 : memref<1x16xi32, #tpu.memory_space<vmem>> -> memref<16xi32, #tpu.memory_space<vmem>>
          %dma_start3A_134 = arith.constant 0 : i32
          %dma_start3A_135 = arith.constant 0 : i32
          %dma_start3A_136 = arith.constant 0 : i32
          %dma_start3A_137 = tpu.memref_slice %arg6[%dma_start3A_134, %dma_start3A_135, %dma_start3A_136] : memref<2928x4x128xf32, #tpu.memory_space<vmem_shared>> -> memref<2928x4x128xf32, #tpu.memory_space<vmem_shared>>
          tpu.enqueue_indirect_dma source(%arg13 : memref<16x4x128xf32, #tpu.memory_space<vmem>>) target(%dma_start3A_137 : memref<2928x4x128xf32, #tpu.memory_space<vmem_shared>>) offsets(%dma_start3A_133 : memref<16xi32, #tpu.memory_space<vmem>>) semaphore(%run_scoped3A_130 : memref<!tpu.dma_semaphore, #tpu.memory_space<semaphore_mem>>) {add = true}
          %dma_wait3A_138 = arith.constant 0 : i32
          %dma_wait3A_139 = tpu.memref_slice %arg11[%run_scoped3A, %dma_wait3A_138] : memref<1x16xi32, #tpu.memory_space<vmem>> -> memref<1x16xi32, #tpu.memory_space<vmem>>
          %dma_wait3A_140 = tpu.memref_squeeze %dma_wait3A_139 : memref<1x16xi32, #tpu.memory_space<vmem>> -> memref<16xi32, #tpu.memory_space<vmem>>
          %dma_wait3A_141 = arith.constant 0 : i32
          %dma_wait3A_142 = arith.constant 0 : i32
          %dma_wait3A_143 = arith.constant 0 : i32
          %dma_wait3A_144 = tpu.memref_slice %arg6[%dma_wait3A_141, %dma_wait3A_142, %dma_wait3A_143] : memref<2928x4x128xf32, #tpu.memory_space<vmem_shared>> -> memref<2928x4x128xf32, #tpu.memory_space<vmem_shared>>
          tpu.wait_indirect_dma semaphore(%run_scoped3A_130 : memref<!tpu.dma_semaphore, #tpu.memory_space<semaphore_mem>>) src(%arg13 : memref<16x4x128xf32, #tpu.memory_space<vmem>>) dst(%dma_wait3A_144 : memref<2928x4x128xf32, #tpu.memory_space<vmem_shared>>)
          tpu.yield
        }) : () -> ()
        %dma_wait3A_125 = arith.constant 0 : i32
        %dma_wait3A_126 = arith.constant 0 : i32
        %dma_wait3A_127 = arith.constant 0 : i32
        %dma_wait3A_128 = tpu.memref_slice %arg2[%dma_wait3A_125, %dma_wait3A_126, %dma_wait3A_127] : memref<10000x4x128xf32, #tpu.memory_space<hbm>> -> memref<10000x4x128xf32, #tpu.memory_space<hbm>>
        tpu.wait_indirect_dma semaphore(%arg16 : memref<!tpu.dma_semaphore, #tpu.memory_space<semaphore_mem>>) src(%dma_wait3A_128 : memref<10000x4x128xf32, #tpu.memory_space<hbm>>) dst(%arg14 : memref<16x4x128xf32, #tpu.memory_space<vmem>>)
        %run_scoped3A_129 = arith.constant 0 : i32
        "tpu.region"() ({
          %run_scoped3A_130 = tpu.sem_alloc : memref<!tpu.dma_semaphore, #tpu.memory_space<semaphore_mem>>
          %dma_start3A_131 = arith.constant 0 : i32
          %dma_start3A_132 = tpu.memref_slice %arg12[%run_scoped3A_129, %dma_start3A_131] : memref<1x16xi32, #tpu.memory_space<vmem>> -> memref<1x16xi32, #tpu.memory_space<vmem>>
          %dma_start3A_133 = tpu.memref_squeeze %dma_start3A_132 : memref<1x16xi32, #tpu.memory_space<vmem>> -> memref<16xi32, #tpu.memory_space<vmem>>
          %dma_start3A_134 = arith.constant 0 : i32
          %dma_start3A_135 = arith.constant 0 : i32
          %dma_start3A_136 = arith.constant 0 : i32
          %dma_start3A_137 = tpu.memref_slice %arg6[%dma_start3A_134, %dma_start3A_135, %dma_start3A_136] : memref<2928x4x128xf32, #tpu.memory_space<vmem_shared>> -> memref<2928x4x128xf32, #tpu.memory_space<vmem_shared>>
          tpu.enqueue_indirect_dma source(%arg14 : memref<16x4x128xf32, #tpu.memory_space<vmem>>) target(%dma_start3A_137 : memref<2928x4x128xf32, #tpu.memory_space<vmem_shared>>) offsets(%dma_start3A_133 : memref<16xi32, #tpu.memory_space<vmem>>) semaphore(%run_scoped3A_130 : memref<!tpu.dma_semaphore, #tpu.memory_space<semaphore_mem>>) {add = true}
          %dma_wait3A_138 = arith.constant 0 : i32
          %dma_wait3A_139 = tpu.memref_slice %arg12[%run_scoped3A_129, %dma_wait3A_138] : memref<1x16xi32, #tpu.memory_space<vmem>> -> memref<1x16xi32, #tpu.memory_space<vmem>>
          %dma_wait3A_140 = tpu.memref_squeeze %dma_wait3A_139 : memref<1x16xi32, #tpu.memory_space<vmem>> -> memref<16xi32, #tpu.memory_space<vmem>>
          %dma_wait3A_141 = arith.constant 0 : i32
          %dma_wait3A_142 = arith.constant 0 : i32
          %dma_wait3A_143 = arith.constant 0 : i32
          %dma_wait3A_144 = tpu.memref_slice %arg6[%dma_wait3A_141, %dma_wait3A_142, %dma_wait3A_143] : memref<2928x4x128xf32, #tpu.memory_space<vmem_shared>> -> memref<2928x4x128xf32, #tpu.memory_space<vmem_shared>>
          tpu.wait_indirect_dma semaphore(%run_scoped3A_130 : memref<!tpu.dma_semaphore, #tpu.memory_space<semaphore_mem>>) src(%arg14 : memref<16x4x128xf32, #tpu.memory_space<vmem>>) dst(%dma_wait3A_144 : memref<2928x4x128xf32, #tpu.memory_space<vmem_shared>>)
          tpu.yield
        }) : () -> ()
      }
      %scan3A_36 = arith.constant 313 : i32
      %barrier3A_37 = arith.constant 0 : index
      tpu.barrier barrier_id(%barrier3A_37)
      %add3A_38 = arith.constant 0 : i32
      %add3A_39 = arith.addi %add3A_38, %multiple_of3A : i32
      "tpu.region"() ({
        %run_scoped3A = tpu.sem_alloc : memref<!tpu.dma_semaphore, #tpu.memory_space<semaphore_mem>>
        %dma_start3A = arith.constant 0 : i32
        %dma_start3A_41 = arith.constant 0 : i32
        %dma_start3A_42 = tpu.memref_slice %arg5[%add3A_39, %dma_start3A, %dma_start3A_41] : memref<10000x4x128xf32, #tpu.memory_space<hbm>> -> memref<184x4x128xf32, #tpu.memory_space<hbm>>
        %dma_start3A_43 = arith.constant 0 : i32
        %dma_start3A_44 = arith.constant 0 : i32
        %dma_start3A_45 = tpu.memref_slice %arg6[%multiple_of3A, %dma_start3A_43, %dma_start3A_44] : memref<2928x4x128xf32, #tpu.memory_space<vmem_shared>> -> memref<184x4x128xf32, #tpu.memory_space<vmem_shared>>
        tpu.enqueue_dma source(%dma_start3A_45 : memref<184x4x128xf32, #tpu.memory_space<vmem_shared>>) target(%dma_start3A_42 : memref<184x4x128xf32, #tpu.memory_space<hbm>>) target_semaphore(%run_scoped3A : memref<!tpu.dma_semaphore, #tpu.memory_space<semaphore_mem>>)
        %dma_wait3A = arith.constant 0 : i32
        %dma_wait3A_46 = arith.constant 0 : i32
        %dma_wait3A_47 = tpu.memref_slice %arg5[%add3A_39, %dma_wait3A, %dma_wait3A_46] : memref<10000x4x128xf32, #tpu.memory_space<hbm>> -> memref<184x4x128xf32, #tpu.memory_space<hbm>>
        %dma_wait3A_48 = arith.constant 0 : i32
        %dma_wait3A_49 = arith.constant 0 : i32
        %dma_wait3A_50 = tpu.memref_slice %arg6[%multiple_of3A, %dma_wait3A_48, %dma_wait3A_49] : memref<2928x4x128xf32, #tpu.memory_space<vmem_shared>> -> memref<184x4x128xf32, #tpu.memory_space<vmem_shared>>
        tpu.wait_dma2 semaphore(%run_scoped3A : memref<!tpu.dma_semaphore, #tpu.memory_space<semaphore_mem>>) src(%dma_wait3A_50 : memref<184x4x128xf32, #tpu.memory_space<vmem_shared>>) dst(%dma_wait3A_47 : memref<184x4x128xf32, #tpu.memory_space<hbm>>)
        tpu.yield
      }) : () -> ()
      %barrier3A_40 = arith.constant 0 : index
      tpu.barrier barrier_id(%barrier3A_40)
    } else {
    }
    %eq3A_13 = arith.constant 0 : i32
    %eq3A_14 = arith.cmpi eq, %arg0, %eq3A_13 : i32
    %convert_element_type3A_15 = arith.extui %eq3A_14 : i1 to i32
    %cond3A_16 = arith.constant 0 : i32
    %cond3A_17 = arith.cmpi ne, %convert_element_type3A_15, %cond3A_16 : i32
    scf.if %cond3A_17 {
      %mul3A_28 = arith.constant 136 : i32
      %mul3A_29 = arith.muli %arg1, %mul3A_28 : i32
      %min3A = arith.constant 1944 : i32
      %min3A_30 = arith.minsi %mul3A_29, %min3A : i32
      %multiple_of3A = tpu.assume_multiple %min3A_30, 8 : i32
      %add3A = arith.constant 2920 : i32
      %add3A_31 = arith.addi %add3A, %multiple_of3A : i32
      "tpu.region"() ({
        %run_scoped3A = tpu.sem_alloc : memref<!tpu.dma_semaphore, #tpu.memory_space<semaphore_mem>>
        %dma_start3A = arith.constant 0 : i32
        %dma_start3A_41 = arith.constant 0 : i32
        %dma_start3A_42 = tpu.memref_slice %arg6[%multiple_of3A, %dma_start3A, %dma_start3A_41] : memref<2928x4x128xf32, #tpu.memory_space<vmem_shared>> -> memref<136x4x128xf32, #tpu.memory_space<vmem_shared>>
        %dma_start3A_43 = arith.constant 0 : i32
        %dma_start3A_44 = arith.constant 0 : i32
        %dma_start3A_45 = tpu.memref_slice %arg2[%add3A_31, %dma_start3A_43, %dma_start3A_44] : memref<10000x4x128xf32, #tpu.memory_space<hbm>> -> memref<136x4x128xf32, #tpu.memory_space<hbm>>
        tpu.enqueue_dma source(%dma_start3A_45 : memref<136x4x128xf32, #tpu.memory_space<hbm>>) target(%dma_start3A_42 : memref<136x4x128xf32, #tpu.memory_space<vmem_shared>>) target_semaphore(%run_scoped3A : memref<!tpu.dma_semaphore, #tpu.memory_space<semaphore_mem>>)
        %dma_wait3A = arith.constant 0 : i32
        %dma_wait3A_46 = arith.constant 0 : i32
        %dma_wait3A_47 = tpu.memref_slice %arg6[%multiple_of3A, %dma_wait3A, %dma_wait3A_46] : memref<2928x4x128xf32, #tpu.memory_space<vmem_shared>> -> memref<136x4x128xf32, #tpu.memory_space<vmem_shared>>
        %dma_wait3A_48 = arith.constant 0 : i32
        %dma_wait3A_49 = arith.constant 0 : i32
        %dma_wait3A_50 = tpu.memref_slice %arg2[%add3A_31, %dma_wait3A_48, %dma_wait3A_49] : memref<10000x4x128xf32, #tpu.memory_space<hbm>> -> memref<136x4x128xf32, #tpu.memory_space<hbm>>
        tpu.wait_dma2 semaphore(%run_scoped3A : memref<!tpu.dma_semaphore, #tpu.memory_space<semaphore_mem>>) src(%dma_wait3A_50 : memref<136x4x128xf32, #tpu.memory_space<hbm>>) dst(%dma_wait3A_47 : memref<136x4x128xf32, #tpu.memory_space<vmem_shared>>)
        tpu.yield
      }) : () -> ()
      %barrier3A = arith.constant 0 : index
      tpu.barrier barrier_id(%barrier3A)
      %scan3A = arith.constant 0 : i32
      %scan3A_32 = arith.constant 0 : i32
      %scan3A_33 = arith.constant 313 : i32
      %scan3A_34 = arith.addi %scan3A_32, %scan3A_33 : i32
      %scan3A_35 = arith.constant 1 : i32
      scf.for %scan3A_41 = %scan3A_32 to %scan3A_34 step %scan3A_35  : i32 {
        %mul3A_42 = arith.constant 2 : i32
        %mul3A_43 = arith.muli %mul3A_42, %scan3A_41 : i32
        %add3A_44 = arith.constant 0 : i32
        %add3A_45 = arith.addi %mul3A_43, %add3A_44 : i32
        %mul3A_46 = arith.constant 16 : i32
        %mul3A_47 = arith.muli %add3A_45, %mul3A_46 : i32
        %multiple_of3A_48 = tpu.assume_multiple %mul3A_47, 16 : i32
        %add3A_49 = arith.constant 0 : i32
        %add3A_50 = arith.addi %multiple_of3A_48, %add3A_49 : i32
        %get3A = arith.index_cast %add3A_50 : i32 to index
        %get3A_51 = tpu.vector_load %arg8[%get3A] {strides = array<i32>} : memref<10016xi32, #tpu.memory_space<vmem>>, vector<16xi32>,
        %get3A_52 = vector.shape_cast %get3A_51 : vector<16xi32> to vector<16xi32>
        %add3A_53 = arith.constant 0 : i32
        %add3A_54 = arith.addi %multiple_of3A_48, %add3A_53 : i32
        %get3A_55 = arith.index_cast %add3A_54 : i32 to index
        %get3A_56 = tpu.vector_load %arg7[%get3A_55] {strides = array<i32>} : memref<10016xi32, #tpu.memory_space<vmem>>, vector<16xi32>,
        %get3A_57 = vector.shape_cast %get3A_56 : vector<16xi32> to vector<16xi32>
        %sub3A = arith.constant 2920 : i32
        %sub3A_58 = vector.broadcast %sub3A : i32 to vector<16xi32>
        %sub3A_59 = arith.subi %get3A_52, %sub3A_58 : vector<16xi32>
        %ge3A = arith.constant 0 : i32
        %ge3A_60 = vector.broadcast %ge3A : i32 to vector<16xi32>
        %ge3A_61 = arith.cmpi sge, %sub3A_59, %ge3A_60 : vector<16xi32>
        %lt3A = arith.constant 2080 : i32
        %lt3A_62 = vector.broadcast %lt3A : i32 to vector<16xi32>
        %lt3A_63 = arith.cmpi slt, %sub3A_59, %lt3A_62 : vector<16xi32>
        %and3A = arith.andi %ge3A_61, %lt3A_63 : vector<16xi1>
        %jit3A = arith.constant 2920 : i32
        %broadcast_in_dim3A_64 = vector.broadcast %jit3A : i32 to vector<16xi32>
        %select_n3A = arith.select %and3A, %sub3A_59, %broadcast_in_dim3A_64 : vector<16xi1>, vector<16xi32>
        %swap3A_65 = arith.constant 0 : i32
        %swap3A_66 = arith.index_cast %swap3A_65 : i32 to index
        %swap3A_67 = arith.constant 0 : index
        %swap3A_68 = tpu.vector_load %arg11[%swap3A_66, %swap3A_67] {strides = array<i32>} : memref<1x16xi32, #tpu.memory_space<vmem>>, vector<1x16xi32>,
        %swap3A_69 = vector.shape_cast %swap3A_68 : vector<1x16xi32> to vector<16xi32>
        %swap3A_70 = vector.shape_cast %select_n3A : vector<16xi32> to vector<1x16xi32>
        tpu.vector_store %arg11[%swap3A_66, %swap3A_67], %swap3A_70 {strides = array<i32>} : memref<1x16xi32, #tpu.memory_space<vmem>>, vector<1x16xi32>,
        %swap3A_71 = arith.constant 0 : index
        %swap3A_72 = tpu.vector_load %arg9[%swap3A_71] {strides = array<i32>} : memref<16xi32, #tpu.memory_space<vmem>>, vector<16xi32>,
        %swap3A_73 = vector.shape_cast %swap3A_72 : vector<16xi32> to vector<16xi32>
        %swap3A_74 = vector.shape_cast %get3A_57 : vector<16xi32> to vector<16xi32>
        tpu.vector_store %arg9[%swap3A_71], %swap3A_74 {strides = array<i32>} : memref<16xi32, #tpu.memory_space<vmem>>, vector<16xi32>,
        %dma_start3A = arith.constant 0 : i32
        %dma_start3A_75 = arith.constant 0 : i32
        %dma_start3A_76 = arith.constant 0 : i32
        %dma_start3A_77 = tpu.memref_slice %arg2[%dma_start3A, %dma_start3A_75, %dma_start3A_76] : memref<10000x4x128xf32, #tpu.memory_space<hbm>> -> memref<10000x4x128xf32, #tpu.memory_space<hbm>>
        tpu.enqueue_indirect_dma source(%dma_start3A_77 : memref<10000x4x128xf32, #tpu.memory_space<hbm>>) target(%arg13 : memref<16x4x128xf32, #tpu.memory_space<vmem>>) offsets(%arg9 : memref<16xi32, #tpu.memory_space<vmem>>) semaphore(%arg15 : memref<!tpu.dma_semaphore, #tpu.memory_space<semaphore_mem>>)
        %mul3A_78 = arith.constant 2 : i32
        %mul3A_79 = arith.muli %mul3A_78, %scan3A_41 : i32
        %add3A_80 = arith.constant 1 : i32
        %add3A_81 = arith.addi %mul3A_79, %add3A_80 : i32
        %mul3A_82 = arith.constant 16 : i32
        %mul3A_83 = arith.muli %add3A_81, %mul3A_82 : i32
        %multiple_of3A_84 = tpu.assume_multiple %mul3A_83, 16 : i32
        %add3A_85 = arith.constant 0 : i32
        %add3A_86 = arith.addi %multiple_of3A_84, %add3A_85 : i32
        %get3A_87 = arith.index_cast %add3A_86 : i32 to index
        %get3A_88 = tpu.vector_load %arg8[%get3A_87] {strides = array<i32>} : memref<10016xi32, #tpu.memory_space<vmem>>, vector<16xi32>,
        %get3A_89 = vector.shape_cast %get3A_88 : vector<16xi32> to vector<16xi32>
        %add3A_90 = arith.constant 0 : i32
        %add3A_91 = arith.addi %multiple_of3A_84, %add3A_90 : i32
        %get3A_92 = arith.index_cast %add3A_91 : i32 to index
        %get3A_93 = tpu.vector_load %arg7[%get3A_92] {strides = array<i32>} : memref<10016xi32, #tpu.memory_space<vmem>>, vector<16xi32>,
        %get3A_94 = vector.shape_cast %get3A_93 : vector<16xi32> to vector<16xi32>
        %sub3A_95 = arith.constant 2920 : i32
        %sub3A_96 = vector.broadcast %sub3A_95 : i32 to vector<16xi32>
        %sub3A_97 = arith.subi %get3A_89, %sub3A_96 : vector<16xi32>
        %ge3A_98 = arith.constant 0 : i32
        %ge3A_99 = vector.broadcast %ge3A_98 : i32 to vector<16xi32>
        %ge3A_100 = arith.cmpi sge, %sub3A_97, %ge3A_99 : vector<16xi32>
        %lt3A_101 = arith.constant 2080 : i32
        %lt3A_102 = vector.broadcast %lt3A_101 : i32 to vector<16xi32>
        %lt3A_103 = arith.cmpi slt, %sub3A_97, %lt3A_102 : vector<16xi32>
        %and3A_104 = arith.andi %ge3A_100, %lt3A_103 : vector<16xi1>
        %jit3A_105 = arith.constant 2920 : i32
        %broadcast_in_dim3A_106 = vector.broadcast %jit3A_105 : i32 to vector<16xi32>
        %select_n3A_107 = arith.select %and3A_104, %sub3A_97, %broadcast_in_dim3A_106 : vector<16xi1>, vector<16xi32>
        %swap3A_108 = arith.constant 0 : i32
        %swap3A_109 = arith.index_cast %swap3A_108 : i32 to index
        %swap3A_110 = arith.constant 0 : index
        %swap3A_111 = tpu.vector_load %arg12[%swap3A_109, %swap3A_110] {strides = array<i32>} : memref<1x16xi32, #tpu.memory_space<vmem>>, vector<1x16xi32>,
        %swap3A_112 = vector.shape_cast %swap3A_111 : vector<1x16xi32> to vector<16xi32>
        %swap3A_113 = vector.shape_cast %select_n3A_107 : vector<16xi32> to vector<1x16xi32>
        tpu.vector_store %arg12[%swap3A_109, %swap3A_110], %swap3A_113 {strides = array<i32>} : memref<1x16xi32, #tpu.memory_space<vmem>>, vector<1x16xi32>,
        %swap3A_114 = arith.constant 0 : index
        %swap3A_115 = tpu.vector_load %arg10[%swap3A_114] {strides = array<i32>} : memref<16xi32, #tpu.memory_space<vmem>>, vector<16xi32>,
        %swap3A_116 = vector.shape_cast %swap3A_115 : vector<16xi32> to vector<16xi32>
        %swap3A_117 = vector.shape_cast %get3A_94 : vector<16xi32> to vector<16xi32>
        tpu.vector_store %arg10[%swap3A_114], %swap3A_117 {strides = array<i32>} : memref<16xi32, #tpu.memory_space<vmem>>, vector<16xi32>,
        %dma_start3A_118 = arith.constant 0 : i32
        %dma_start3A_119 = arith.constant 0 : i32
        %dma_start3A_120 = arith.constant 0 : i32
        %dma_start3A_121 = tpu.memref_slice %arg2[%dma_start3A_118, %dma_start3A_119, %dma_start3A_120] : memref<10000x4x128xf32, #tpu.memory_space<hbm>> -> memref<10000x4x128xf32, #tpu.memory_space<hbm>>
        tpu.enqueue_indirect_dma source(%dma_start3A_121 : memref<10000x4x128xf32, #tpu.memory_space<hbm>>) target(%arg14 : memref<16x4x128xf32, #tpu.memory_space<vmem>>) offsets(%arg10 : memref<16xi32, #tpu.memory_space<vmem>>) semaphore(%arg16 : memref<!tpu.dma_semaphore, #tpu.memory_space<semaphore_mem>>)
        %dma_wait3A = arith.constant 0 : i32
        %dma_wait3A_122 = arith.constant 0 : i32
        %dma_wait3A_123 = arith.constant 0 : i32
        %dma_wait3A_124 = tpu.memref_slice %arg2[%dma_wait3A, %dma_wait3A_122, %dma_wait3A_123] : memref<10000x4x128xf32, #tpu.memory_space<hbm>> -> memref<10000x4x128xf32, #tpu.memory_space<hbm>>
        tpu.wait_indirect_dma semaphore(%arg15 : memref<!tpu.dma_semaphore, #tpu.memory_space<semaphore_mem>>) src(%dma_wait3A_124 : memref<10000x4x128xf32, #tpu.memory_space<hbm>>) dst(%arg13 : memref<16x4x128xf32, #tpu.memory_space<vmem>>)
        %run_scoped3A = arith.constant 0 : i32
        "tpu.region"() ({
          %run_scoped3A_130 = tpu.sem_alloc : memref<!tpu.dma_semaphore, #tpu.memory_space<semaphore_mem>>
          %dma_start3A_131 = arith.constant 0 : i32
          %dma_start3A_132 = tpu.memref_slice %arg11[%run_scoped3A, %dma_start3A_131] : memref<1x16xi32, #tpu.memory_space<vmem>> -> memref<1x16xi32, #tpu.memory_space<vmem>>
          %dma_start3A_133 = tpu.memref_squeeze %dma_start3A_132 : memref<1x16xi32, #tpu.memory_space<vmem>> -> memref<16xi32, #tpu.memory_space<vmem>>
          %dma_start3A_134 = arith.constant 0 : i32
          %dma_start3A_135 = arith.constant 0 : i32
          %dma_start3A_136 = arith.constant 0 : i32
          %dma_start3A_137 = tpu.memref_slice %arg6[%dma_start3A_134, %dma_start3A_135, %dma_start3A_136] : memref<2928x4x128xf32, #tpu.memory_space<vmem_shared>> -> memref<2928x4x128xf32, #tpu.memory_space<vmem_shared>>
          tpu.enqueue_indirect_dma source(%arg13 : memref<16x4x128xf32, #tpu.memory_space<vmem>>) target(%dma_start3A_137 : memref<2928x4x128xf32, #tpu.memory_space<vmem_shared>>) offsets(%dma_start3A_133 : memref<16xi32, #tpu.memory_space<vmem>>) semaphore(%run_scoped3A_130 : memref<!tpu.dma_semaphore, #tpu.memory_space<semaphore_mem>>) {add = true}
          %dma_wait3A_138 = arith.constant 0 : i32
          %dma_wait3A_139 = tpu.memref_slice %arg11[%run_scoped3A, %dma_wait3A_138] : memref<1x16xi32, #tpu.memory_space<vmem>> -> memref<1x16xi32, #tpu.memory_space<vmem>>
          %dma_wait3A_140 = tpu.memref_squeeze %dma_wait3A_139 : memref<1x16xi32, #tpu.memory_space<vmem>> -> memref<16xi32, #tpu.memory_space<vmem>>
          %dma_wait3A_141 = arith.constant 0 : i32
          %dma_wait3A_142 = arith.constant 0 : i32
          %dma_wait3A_143 = arith.constant 0 : i32
          %dma_wait3A_144 = tpu.memref_slice %arg6[%dma_wait3A_141, %dma_wait3A_142, %dma_wait3A_143] : memref<2928x4x128xf32, #tpu.memory_space<vmem_shared>> -> memref<2928x4x128xf32, #tpu.memory_space<vmem_shared>>
          tpu.wait_indirect_dma semaphore(%run_scoped3A_130 : memref<!tpu.dma_semaphore, #tpu.memory_space<semaphore_mem>>) src(%arg13 : memref<16x4x128xf32, #tpu.memory_space<vmem>>) dst(%dma_wait3A_144 : memref<2928x4x128xf32, #tpu.memory_space<vmem_shared>>)
          tpu.yield
        }) : () -> ()
        %dma_wait3A_125 = arith.constant 0 : i32
        %dma_wait3A_126 = arith.constant 0 : i32
        %dma_wait3A_127 = arith.constant 0 : i32
        %dma_wait3A_128 = tpu.memref_slice %arg2[%dma_wait3A_125, %dma_wait3A_126, %dma_wait3A_127] : memref<10000x4x128xf32, #tpu.memory_space<hbm>> -> memref<10000x4x128xf32, #tpu.memory_space<hbm>>
        tpu.wait_indirect_dma semaphore(%arg16 : memref<!tpu.dma_semaphore, #tpu.memory_space<semaphore_mem>>) src(%dma_wait3A_128 : memref<10000x4x128xf32, #tpu.memory_space<hbm>>) dst(%arg14 : memref<16x4x128xf32, #tpu.memory_space<vmem>>)
        %run_scoped3A_129 = arith.constant 0 : i32
        "tpu.region"() ({
          %run_scoped3A_130 = tpu.sem_alloc : memref<!tpu.dma_semaphore, #tpu.memory_space<semaphore_mem>>
          %dma_start3A_131 = arith.constant 0 : i32
          %dma_start3A_132 = tpu.memref_slice %arg12[%run_scoped3A_129, %dma_start3A_131] : memref<1x16xi32, #tpu.memory_space<vmem>> -> memref<1x16xi32, #tpu.memory_space<vmem>>
          %dma_start3A_133 = tpu.memref_squeeze %dma_start3A_132 : memref<1x16xi32, #tpu.memory_space<vmem>> -> memref<16xi32, #tpu.memory_space<vmem>>
          %dma_start3A_134 = arith.constant 0 : i32
          %dma_start3A_135 = arith.constant 0 : i32
          %dma_start3A_136 = arith.constant 0 : i32
          %dma_start3A_137 = tpu.memref_slice %arg6[%dma_start3A_134, %dma_start3A_135, %dma_start3A_136] : memref<2928x4x128xf32, #tpu.memory_space<vmem_shared>> -> memref<2928x4x128xf32, #tpu.memory_space<vmem_shared>>
          tpu.enqueue_indirect_dma source(%arg14 : memref<16x4x128xf32, #tpu.memory_space<vmem>>) target(%dma_start3A_137 : memref<2928x4x128xf32, #tpu.memory_space<vmem_shared>>) offsets(%dma_start3A_133 : memref<16xi32, #tpu.memory_space<vmem>>) semaphore(%run_scoped3A_130 : memref<!tpu.dma_semaphore, #tpu.memory_space<semaphore_mem>>) {add = true}
          %dma_wait3A_138 = arith.constant 0 : i32
          %dma_wait3A_139 = tpu.memref_slice %arg12[%run_scoped3A_129, %dma_wait3A_138] : memref<1x16xi32, #tpu.memory_space<vmem>> -> memref<1x16xi32, #tpu.memory_space<vmem>>
          %dma_wait3A_140 = tpu.memref_squeeze %dma_wait3A_139 : memref<1x16xi32, #tpu.memory_space<vmem>> -> memref<16xi32, #tpu.memory_space<vmem>>
          %dma_wait3A_141 = arith.constant 0 : i32
          %dma_wait3A_142 = arith.constant 0 : i32
          %dma_wait3A_143 = arith.constant 0 : i32
          %dma_wait3A_144 = tpu.memref_slice %arg6[%dma_wait3A_141, %dma_wait3A_142, %dma_wait3A_143] : memref<2928x4x128xf32, #tpu.memory_space<vmem_shared>> -> memref<2928x4x128xf32, #tpu.memory_space<vmem_shared>>
          tpu.wait_indirect_dma semaphore(%run_scoped3A_130 : memref<!tpu.dma_semaphore, #tpu.memory_space<semaphore_mem>>) src(%arg14 : memref<16x4x128xf32, #tpu.memory_space<vmem>>) dst(%dma_wait3A_144 : memref<2928x4x128xf32, #tpu.memory_space<vmem_shared>>)
          tpu.yield
        }) : () -> ()
      }
      %scan3A_36 = arith.constant 313 : i32
      %barrier3A_37 = arith.constant 0 : index
      tpu.barrier barrier_id(%barrier3A_37)
      %add3A_38 = arith.constant 2920 : i32
      %add3A_39 = arith.addi %add3A_38, %multiple_of3A : i32
      "tpu.region"() ({
        %run_scoped3A = tpu.sem_alloc : memref<!tpu.dma_semaphore, #tpu.memory_space<semaphore_mem>>
        %dma_start3A = arith.constant 0 : i32
        %dma_start3A_41 = arith.constant 0 : i32
        %dma_start3A_42 = tpu.memref_slice %arg5[%add3A_39, %dma_start3A, %dma_start3A_41] : memref<10000x4x128xf32, #tpu.memory_space<hbm>> -> memref<136x4x128xf32, #tpu.memory_space<hbm>>
        %dma_start3A_43 = arith.constant 0 : i32
        %dma_start3A_44 = arith.constant 0 : i32
        %dma_start3A_45 = tpu.memref_slice %arg6[%multiple_of3A, %dma_start3A_43, %dma_start3A_44] : memref<2928x4x128xf32, #tpu.memory_space<vmem_shared>> -> memref<136x4x128xf32, #tpu.memory_space<vmem_shared>>
        tpu.enqueue_dma source(%dma_start3A_45 : memref<136x4x128xf32, #tpu.memory_space<vmem_shared>>) target(%dma_start3A_42 : memref<136x4x128xf32, #tpu.memory_space<hbm>>) target_semaphore(%run_scoped3A : memref<!tpu.dma_semaphore, #tpu.memory_space<semaphore_mem>>)
        %dma_wait3A = arith.constant 0 : i32
        %dma_wait3A_46 = arith.constant 0 : i32
        %dma_wait3A_47 = tpu.memref_slice %arg5[%add3A_39, %dma_wait3A, %dma_wait3A_46] : memref<10000x4x128xf32, #tpu.memory_space<hbm>> -> memref<136x4x128xf32, #tpu.memory_space<hbm>>
        %dma_wait3A_48 = arith.constant 0 : i32
        %dma_wait3A_49 = arith.constant 0 : i32
        %dma_wait3A_50 = tpu.memref_slice %arg6[%multiple_of3A, %dma_wait3A_48, %dma_wait3A_49] : memref<2928x4x128xf32, #tpu.memory_space<vmem_shared>> -> memref<136x4x128xf32, #tpu.memory_space<vmem_shared>>
        tpu.wait_dma2 semaphore(%run_scoped3A : memref<!tpu.dma_semaphore, #tpu.memory_space<semaphore_mem>>) src(%dma_wait3A_50 : memref<136x4x128xf32, #tpu.memory_space<vmem_shared>>) dst(%dma_wait3A_47 : memref<136x4x128xf32, #tpu.memory_space<hbm>>)
        tpu.yield
      }) : () -> ()
      %barrier3A_40 = arith.constant 0 : index
      tpu.barrier barrier_id(%barrier3A_40)
    } else {
    }
    %eq3A_18 = arith.constant 1 : i32
    %eq3A_19 = arith.cmpi eq, %arg0, %eq3A_18 : i32
    %convert_element_type3A_20 = arith.extui %eq3A_19 : i1 to i32
    %cond3A_21 = arith.constant 0 : i32
    %cond3A_22 = arith.cmpi ne, %convert_element_type3A_20, %cond3A_21 : i32
    scf.if %cond3A_22 {
      %mul3A_28 = arith.constant 184 : i32
      %mul3A_29 = arith.muli %arg1, %mul3A_28 : i32
      %min3A = arith.constant 2736 : i32
      %min3A_30 = arith.minsi %mul3A_29, %min3A : i32
      %multiple_of3A = tpu.assume_multiple %min3A_30, 8 : i32
      %add3A = arith.constant 5000 : i32
      %add3A_31 = arith.addi %add3A, %multiple_of3A : i32
      "tpu.region"() ({
        %run_scoped3A = tpu.sem_alloc : memref<!tpu.dma_semaphore, #tpu.memory_space<semaphore_mem>>
        %dma_start3A = arith.constant 0 : i32
        %dma_start3A_41 = arith.constant 0 : i32
        %dma_start3A_42 = tpu.memref_slice %arg6[%multiple_of3A, %dma_start3A, %dma_start3A_41] : memref<2928x4x128xf32, #tpu.memory_space<vmem_shared>> -> memref<184x4x128xf32, #tpu.memory_space<vmem_shared>>
        %dma_start3A_43 = arith.constant 0 : i32
        %dma_start3A_44 = arith.constant 0 : i32
        %dma_start3A_45 = tpu.memref_slice %arg2[%add3A_31, %dma_start3A_43, %dma_start3A_44] : memref<10000x4x128xf32, #tpu.memory_space<hbm>> -> memref<184x4x128xf32, #tpu.memory_space<hbm>>
        tpu.enqueue_dma source(%dma_start3A_45 : memref<184x4x128xf32, #tpu.memory_space<hbm>>) target(%dma_start3A_42 : memref<184x4x128xf32, #tpu.memory_space<vmem_shared>>) target_semaphore(%run_scoped3A : memref<!tpu.dma_semaphore, #tpu.memory_space<semaphore_mem>>)
        %dma_wait3A = arith.constant 0 : i32
        %dma_wait3A_46 = arith.constant 0 : i32
        %dma_wait3A_47 = tpu.memref_slice %arg6[%multiple_of3A, %dma_wait3A, %dma_wait3A_46] : memref<2928x4x128xf32, #tpu.memory_space<vmem_shared>> -> memref<184x4x128xf32, #tpu.memory_space<vmem_shared>>
        %dma_wait3A_48 = arith.constant 0 : i32
        %dma_wait3A_49 = arith.constant 0 : i32
        %dma_wait3A_50 = tpu.memref_slice %arg2[%add3A_31, %dma_wait3A_48, %dma_wait3A_49] : memref<10000x4x128xf32, #tpu.memory_space<hbm>> -> memref<184x4x128xf32, #tpu.memory_space<hbm>>
        tpu.wait_dma2 semaphore(%run_scoped3A : memref<!tpu.dma_semaphore, #tpu.memory_space<semaphore_mem>>) src(%dma_wait3A_50 : memref<184x4x128xf32, #tpu.memory_space<hbm>>) dst(%dma_wait3A_47 : memref<184x4x128xf32, #tpu.memory_space<vmem_shared>>)
        tpu.yield
      }) : () -> ()
      %barrier3A = arith.constant 0 : index
      tpu.barrier barrier_id(%barrier3A)
      %scan3A = arith.constant 0 : i32
      %scan3A_32 = arith.constant 0 : i32
      %scan3A_33 = arith.constant 313 : i32
      %scan3A_34 = arith.addi %scan3A_32, %scan3A_33 : i32
      %scan3A_35 = arith.constant 1 : i32
      scf.for %scan3A_41 = %scan3A_32 to %scan3A_34 step %scan3A_35  : i32 {
        %mul3A_42 = arith.constant 2 : i32
        %mul3A_43 = arith.muli %mul3A_42, %scan3A_41 : i32
        %add3A_44 = arith.constant 0 : i32
        %add3A_45 = arith.addi %mul3A_43, %add3A_44 : i32
        %mul3A_46 = arith.constant 16 : i32
        %mul3A_47 = arith.muli %add3A_45, %mul3A_46 : i32
        %multiple_of3A_48 = tpu.assume_multiple %mul3A_47, 16 : i32
        %add3A_49 = arith.constant 0 : i32
        %add3A_50 = arith.addi %multiple_of3A_48, %add3A_49 : i32
        %get3A = arith.index_cast %add3A_50 : i32 to index
        %get3A_51 = tpu.vector_load %arg8[%get3A] {strides = array<i32>} : memref<10016xi32, #tpu.memory_space<vmem>>, vector<16xi32>,
        %get3A_52 = vector.shape_cast %get3A_51 : vector<16xi32> to vector<16xi32>
        %add3A_53 = arith.constant 0 : i32
        %add3A_54 = arith.addi %multiple_of3A_48, %add3A_53 : i32
        %get3A_55 = arith.index_cast %add3A_54 : i32 to index
        %get3A_56 = tpu.vector_load %arg7[%get3A_55] {strides = array<i32>} : memref<10016xi32, #tpu.memory_space<vmem>>, vector<16xi32>,
        %get3A_57 = vector.shape_cast %get3A_56 : vector<16xi32> to vector<16xi32>
        %sub3A = arith.constant 5000 : i32
        %sub3A_58 = vector.broadcast %sub3A : i32 to vector<16xi32>
        %sub3A_59 = arith.subi %get3A_52, %sub3A_58 : vector<16xi32>
        %ge3A = arith.constant 0 : i32
        %ge3A_60 = vector.broadcast %ge3A : i32 to vector<16xi32>
        %ge3A_61 = arith.cmpi sge, %sub3A_59, %ge3A_60 : vector<16xi32>
        %lt3A = arith.constant 2920 : i32
        %lt3A_62 = vector.broadcast %lt3A : i32 to vector<16xi32>
        %lt3A_63 = arith.cmpi slt, %sub3A_59, %lt3A_62 : vector<16xi32>
        %and3A = arith.andi %ge3A_61, %lt3A_63 : vector<16xi1>
        %jit3A = arith.constant 2920 : i32
        %broadcast_in_dim3A_64 = vector.broadcast %jit3A : i32 to vector<16xi32>
        %select_n3A = arith.select %and3A, %sub3A_59, %broadcast_in_dim3A_64 : vector<16xi1>, vector<16xi32>
        %swap3A_65 = arith.constant 0 : i32
        %swap3A_66 = arith.index_cast %swap3A_65 : i32 to index
        %swap3A_67 = arith.constant 0 : index
        %swap3A_68 = tpu.vector_load %arg11[%swap3A_66, %swap3A_67] {strides = array<i32>} : memref<1x16xi32, #tpu.memory_space<vmem>>, vector<1x16xi32>,
        %swap3A_69 = vector.shape_cast %swap3A_68 : vector<1x16xi32> to vector<16xi32>
        %swap3A_70 = vector.shape_cast %select_n3A : vector<16xi32> to vector<1x16xi32>
        tpu.vector_store %arg11[%swap3A_66, %swap3A_67], %swap3A_70 {strides = array<i32>} : memref<1x16xi32, #tpu.memory_space<vmem>>, vector<1x16xi32>,
        %swap3A_71 = arith.constant 0 : index
        %swap3A_72 = tpu.vector_load %arg9[%swap3A_71] {strides = array<i32>} : memref<16xi32, #tpu.memory_space<vmem>>, vector<16xi32>,
        %swap3A_73 = vector.shape_cast %swap3A_72 : vector<16xi32> to vector<16xi32>
        %swap3A_74 = vector.shape_cast %get3A_57 : vector<16xi32> to vector<16xi32>
        tpu.vector_store %arg9[%swap3A_71], %swap3A_74 {strides = array<i32>} : memref<16xi32, #tpu.memory_space<vmem>>, vector<16xi32>,
        %dma_start3A = arith.constant 0 : i32
        %dma_start3A_75 = arith.constant 0 : i32
        %dma_start3A_76 = arith.constant 0 : i32
        %dma_start3A_77 = tpu.memref_slice %arg2[%dma_start3A, %dma_start3A_75, %dma_start3A_76] : memref<10000x4x128xf32, #tpu.memory_space<hbm>> -> memref<10000x4x128xf32, #tpu.memory_space<hbm>>
        tpu.enqueue_indirect_dma source(%dma_start3A_77 : memref<10000x4x128xf32, #tpu.memory_space<hbm>>) target(%arg13 : memref<16x4x128xf32, #tpu.memory_space<vmem>>) offsets(%arg9 : memref<16xi32, #tpu.memory_space<vmem>>) semaphore(%arg15 : memref<!tpu.dma_semaphore, #tpu.memory_space<semaphore_mem>>)
        %mul3A_78 = arith.constant 2 : i32
        %mul3A_79 = arith.muli %mul3A_78, %scan3A_41 : i32
        %add3A_80 = arith.constant 1 : i32
        %add3A_81 = arith.addi %mul3A_79, %add3A_80 : i32
        %mul3A_82 = arith.constant 16 : i32
        %mul3A_83 = arith.muli %add3A_81, %mul3A_82 : i32
        %multiple_of3A_84 = tpu.assume_multiple %mul3A_83, 16 : i32
        %add3A_85 = arith.constant 0 : i32
        %add3A_86 = arith.addi %multiple_of3A_84, %add3A_85 : i32
        %get3A_87 = arith.index_cast %add3A_86 : i32 to index
        %get3A_88 = tpu.vector_load %arg8[%get3A_87] {strides = array<i32>} : memref<10016xi32, #tpu.memory_space<vmem>>, vector<16xi32>,
        %get3A_89 = vector.shape_cast %get3A_88 : vector<16xi32> to vector<16xi32>
        %add3A_90 = arith.constant 0 : i32
        %add3A_91 = arith.addi %multiple_of3A_84, %add3A_90 : i32
        %get3A_92 = arith.index_cast %add3A_91 : i32 to index
        %get3A_93 = tpu.vector_load %arg7[%get3A_92] {strides = array<i32>} : memref<10016xi32, #tpu.memory_space<vmem>>, vector<16xi32>,
        %get3A_94 = vector.shape_cast %get3A_93 : vector<16xi32> to vector<16xi32>
        %sub3A_95 = arith.constant 5000 : i32
        %sub3A_96 = vector.broadcast %sub3A_95 : i32 to vector<16xi32>
        %sub3A_97 = arith.subi %get3A_89, %sub3A_96 : vector<16xi32>
        %ge3A_98 = arith.constant 0 : i32
        %ge3A_99 = vector.broadcast %ge3A_98 : i32 to vector<16xi32>
        %ge3A_100 = arith.cmpi sge, %sub3A_97, %ge3A_99 : vector<16xi32>
        %lt3A_101 = arith.constant 2920 : i32
        %lt3A_102 = vector.broadcast %lt3A_101 : i32 to vector<16xi32>
        %lt3A_103 = arith.cmpi slt, %sub3A_97, %lt3A_102 : vector<16xi32>
        %and3A_104 = arith.andi %ge3A_100, %lt3A_103 : vector<16xi1>
        %jit3A_105 = arith.constant 2920 : i32
        %broadcast_in_dim3A_106 = vector.broadcast %jit3A_105 : i32 to vector<16xi32>
        %select_n3A_107 = arith.select %and3A_104, %sub3A_97, %broadcast_in_dim3A_106 : vector<16xi1>, vector<16xi32>
        %swap3A_108 = arith.constant 0 : i32
        %swap3A_109 = arith.index_cast %swap3A_108 : i32 to index
        %swap3A_110 = arith.constant 0 : index
        %swap3A_111 = tpu.vector_load %arg12[%swap3A_109, %swap3A_110] {strides = array<i32>} : memref<1x16xi32, #tpu.memory_space<vmem>>, vector<1x16xi32>,
        %swap3A_112 = vector.shape_cast %swap3A_111 : vector<1x16xi32> to vector<16xi32>
        %swap3A_113 = vector.shape_cast %select_n3A_107 : vector<16xi32> to vector<1x16xi32>
        tpu.vector_store %arg12[%swap3A_109, %swap3A_110], %swap3A_113 {strides = array<i32>} : memref<1x16xi32, #tpu.memory_space<vmem>>, vector<1x16xi32>,
        %swap3A_114 = arith.constant 0 : index
        %swap3A_115 = tpu.vector_load %arg10[%swap3A_114] {strides = array<i32>} : memref<16xi32, #tpu.memory_space<vmem>>, vector<16xi32>,
        %swap3A_116 = vector.shape_cast %swap3A_115 : vector<16xi32> to vector<16xi32>
        %swap3A_117 = vector.shape_cast %get3A_94 : vector<16xi32> to vector<16xi32>
        tpu.vector_store %arg10[%swap3A_114], %swap3A_117 {strides = array<i32>} : memref<16xi32, #tpu.memory_space<vmem>>, vector<16xi32>,
        %dma_start3A_118 = arith.constant 0 : i32
        %dma_start3A_119 = arith.constant 0 : i32
        %dma_start3A_120 = arith.constant 0 : i32
        %dma_start3A_121 = tpu.memref_slice %arg2[%dma_start3A_118, %dma_start3A_119, %dma_start3A_120] : memref<10000x4x128xf32, #tpu.memory_space<hbm>> -> memref<10000x4x128xf32, #tpu.memory_space<hbm>>
        tpu.enqueue_indirect_dma source(%dma_start3A_121 : memref<10000x4x128xf32, #tpu.memory_space<hbm>>) target(%arg14 : memref<16x4x128xf32, #tpu.memory_space<vmem>>) offsets(%arg10 : memref<16xi32, #tpu.memory_space<vmem>>) semaphore(%arg16 : memref<!tpu.dma_semaphore, #tpu.memory_space<semaphore_mem>>)
        %dma_wait3A = arith.constant 0 : i32
        %dma_wait3A_122 = arith.constant 0 : i32
        %dma_wait3A_123 = arith.constant 0 : i32
        %dma_wait3A_124 = tpu.memref_slice %arg2[%dma_wait3A, %dma_wait3A_122, %dma_wait3A_123] : memref<10000x4x128xf32, #tpu.memory_space<hbm>> -> memref<10000x4x128xf32, #tpu.memory_space<hbm>>
        tpu.wait_indirect_dma semaphore(%arg15 : memref<!tpu.dma_semaphore, #tpu.memory_space<semaphore_mem>>) src(%dma_wait3A_124 : memref<10000x4x128xf32, #tpu.memory_space<hbm>>) dst(%arg13 : memref<16x4x128xf32, #tpu.memory_space<vmem>>)
        %run_scoped3A = arith.constant 0 : i32
        "tpu.region"() ({
          %run_scoped3A_130 = tpu.sem_alloc : memref<!tpu.dma_semaphore, #tpu.memory_space<semaphore_mem>>
          %dma_start3A_131 = arith.constant 0 : i32
          %dma_start3A_132 = tpu.memref_slice %arg11[%run_scoped3A, %dma_start3A_131] : memref<1x16xi32, #tpu.memory_space<vmem>> -> memref<1x16xi32, #tpu.memory_space<vmem>>
          %dma_start3A_133 = tpu.memref_squeeze %dma_start3A_132 : memref<1x16xi32, #tpu.memory_space<vmem>> -> memref<16xi32, #tpu.memory_space<vmem>>
          %dma_start3A_134 = arith.constant 0 : i32
          %dma_start3A_135 = arith.constant 0 : i32
          %dma_start3A_136 = arith.constant 0 : i32
          %dma_start3A_137 = tpu.memref_slice %arg6[%dma_start3A_134, %dma_start3A_135, %dma_start3A_136] : memref<2928x4x128xf32, #tpu.memory_space<vmem_shared>> -> memref<2928x4x128xf32, #tpu.memory_space<vmem_shared>>
          tpu.enqueue_indirect_dma source(%arg13 : memref<16x4x128xf32, #tpu.memory_space<vmem>>) target(%dma_start3A_137 : memref<2928x4x128xf32, #tpu.memory_space<vmem_shared>>) offsets(%dma_start3A_133 : memref<16xi32, #tpu.memory_space<vmem>>) semaphore(%run_scoped3A_130 : memref<!tpu.dma_semaphore, #tpu.memory_space<semaphore_mem>>) {add = true}
          %dma_wait3A_138 = arith.constant 0 : i32
          %dma_wait3A_139 = tpu.memref_slice %arg11[%run_scoped3A, %dma_wait3A_138] : memref<1x16xi32, #tpu.memory_space<vmem>> -> memref<1x16xi32, #tpu.memory_space<vmem>>
          %dma_wait3A_140 = tpu.memref_squeeze %dma_wait3A_139 : memref<1x16xi32, #tpu.memory_space<vmem>> -> memref<16xi32, #tpu.memory_space<vmem>>
          %dma_wait3A_141 = arith.constant 0 : i32
          %dma_wait3A_142 = arith.constant 0 : i32
          %dma_wait3A_143 = arith.constant 0 : i32
          %dma_wait3A_144 = tpu.memref_slice %arg6[%dma_wait3A_141, %dma_wait3A_142, %dma_wait3A_143] : memref<2928x4x128xf32, #tpu.memory_space<vmem_shared>> -> memref<2928x4x128xf32, #tpu.memory_space<vmem_shared>>
          tpu.wait_indirect_dma semaphore(%run_scoped3A_130 : memref<!tpu.dma_semaphore, #tpu.memory_space<semaphore_mem>>) src(%arg13 : memref<16x4x128xf32, #tpu.memory_space<vmem>>) dst(%dma_wait3A_144 : memref<2928x4x128xf32, #tpu.memory_space<vmem_shared>>)
          tpu.yield
        }) : () -> ()
        %dma_wait3A_125 = arith.constant 0 : i32
        %dma_wait3A_126 = arith.constant 0 : i32
        %dma_wait3A_127 = arith.constant 0 : i32
        %dma_wait3A_128 = tpu.memref_slice %arg2[%dma_wait3A_125, %dma_wait3A_126, %dma_wait3A_127] : memref<10000x4x128xf32, #tpu.memory_space<hbm>> -> memref<10000x4x128xf32, #tpu.memory_space<hbm>>
        tpu.wait_indirect_dma semaphore(%arg16 : memref<!tpu.dma_semaphore, #tpu.memory_space<semaphore_mem>>) src(%dma_wait3A_128 : memref<10000x4x128xf32, #tpu.memory_space<hbm>>) dst(%arg14 : memref<16x4x128xf32, #tpu.memory_space<vmem>>)
        %run_scoped3A_129 = arith.constant 0 : i32
        "tpu.region"() ({
          %run_scoped3A_130 = tpu.sem_alloc : memref<!tpu.dma_semaphore, #tpu.memory_space<semaphore_mem>>
          %dma_start3A_131 = arith.constant 0 : i32
          %dma_start3A_132 = tpu.memref_slice %arg12[%run_scoped3A_129, %dma_start3A_131] : memref<1x16xi32, #tpu.memory_space<vmem>> -> memref<1x16xi32, #tpu.memory_space<vmem>>
          %dma_start3A_133 = tpu.memref_squeeze %dma_start3A_132 : memref<1x16xi32, #tpu.memory_space<vmem>> -> memref<16xi32, #tpu.memory_space<vmem>>
          %dma_start3A_134 = arith.constant 0 : i32
          %dma_start3A_135 = arith.constant 0 : i32
          %dma_start3A_136 = arith.constant 0 : i32
          %dma_start3A_137 = tpu.memref_slice %arg6[%dma_start3A_134, %dma_start3A_135, %dma_start3A_136] : memref<2928x4x128xf32, #tpu.memory_space<vmem_shared>> -> memref<2928x4x128xf32, #tpu.memory_space<vmem_shared>>
          tpu.enqueue_indirect_dma source(%arg14 : memref<16x4x128xf32, #tpu.memory_space<vmem>>) target(%dma_start3A_137 : memref<2928x4x128xf32, #tpu.memory_space<vmem_shared>>) offsets(%dma_start3A_133 : memref<16xi32, #tpu.memory_space<vmem>>) semaphore(%run_scoped3A_130 : memref<!tpu.dma_semaphore, #tpu.memory_space<semaphore_mem>>) {add = true}
          %dma_wait3A_138 = arith.constant 0 : i32
          %dma_wait3A_139 = tpu.memref_slice %arg12[%run_scoped3A_129, %dma_wait3A_138] : memref<1x16xi32, #tpu.memory_space<vmem>> -> memref<1x16xi32, #tpu.memory_space<vmem>>
          %dma_wait3A_140 = tpu.memref_squeeze %dma_wait3A_139 : memref<1x16xi32, #tpu.memory_space<vmem>> -> memref<16xi32, #tpu.memory_space<vmem>>
          %dma_wait3A_141 = arith.constant 0 : i32
          %dma_wait3A_142 = arith.constant 0 : i32
          %dma_wait3A_143 = arith.constant 0 : i32
          %dma_wait3A_144 = tpu.memref_slice %arg6[%dma_wait3A_141, %dma_wait3A_142, %dma_wait3A_143] : memref<2928x4x128xf32, #tpu.memory_space<vmem_shared>> -> memref<2928x4x128xf32, #tpu.memory_space<vmem_shared>>
          tpu.wait_indirect_dma semaphore(%run_scoped3A_130 : memref<!tpu.dma_semaphore, #tpu.memory_space<semaphore_mem>>) src(%arg14 : memref<16x4x128xf32, #tpu.memory_space<vmem>>) dst(%dma_wait3A_144 : memref<2928x4x128xf32, #tpu.memory_space<vmem_shared>>)
          tpu.yield
        }) : () -> ()
      }
      %scan3A_36 = arith.constant 313 : i32
      %barrier3A_37 = arith.constant 0 : index
      tpu.barrier barrier_id(%barrier3A_37)
      %add3A_38 = arith.constant 5000 : i32
      %add3A_39 = arith.addi %add3A_38, %multiple_of3A : i32
      "tpu.region"() ({
        %run_scoped3A = tpu.sem_alloc : memref<!tpu.dma_semaphore, #tpu.memory_space<semaphore_mem>>
        %dma_start3A = arith.constant 0 : i32
        %dma_start3A_41 = arith.constant 0 : i32
        %dma_start3A_42 = tpu.memref_slice %arg5[%add3A_39, %dma_start3A, %dma_start3A_41] : memref<10000x4x128xf32, #tpu.memory_space<hbm>> -> memref<184x4x128xf32, #tpu.memory_space<hbm>>
        %dma_start3A_43 = arith.constant 0 : i32
        %dma_start3A_44 = arith.constant 0 : i32
        %dma_start3A_45 = tpu.memref_slice %arg6[%multiple_of3A, %dma_start3A_43, %dma_start3A_44] : memref<2928x4x128xf32, #tpu.memory_space<vmem_shared>> -> memref<184x4x128xf32, #tpu.memory_space<vmem_shared>>
        tpu.enqueue_dma source(%dma_start3A_45 : memref<184x4x128xf32, #tpu.memory_space<vmem_shared>>) target(%dma_start3A_42 : memref<184x4x128xf32, #tpu.memory_space<hbm>>) target_semaphore(%run_scoped3A : memref<!tpu.dma_semaphore, #tpu.memory_space<semaphore_mem>>)
        %dma_wait3A = arith.constant 0 : i32
        %dma_wait3A_46 = arith.constant 0 : i32
        %dma_wait3A_47 = tpu.memref_slice %arg5[%add3A_39, %dma_wait3A, %dma_wait3A_46] : memref<10000x4x128xf32, #tpu.memory_space<hbm>> -> memref<184x4x128xf32, #tpu.memory_space<hbm>>
        %dma_wait3A_48 = arith.constant 0 : i32
        %dma_wait3A_49 = arith.constant 0 : i32
        %dma_wait3A_50 = tpu.memref_slice %arg6[%multiple_of3A, %dma_wait3A_48, %dma_wait3A_49] : memref<2928x4x128xf32, #tpu.memory_space<vmem_shared>> -> memref<184x4x128xf32, #tpu.memory_space<vmem_shared>>
        tpu.wait_dma2 semaphore(%run_scoped3A : memref<!tpu.dma_semaphore, #tpu.memory_space<semaphore_mem>>) src(%dma_wait3A_50 : memref<184x4x128xf32, #tpu.memory_space<vmem_shared>>) dst(%dma_wait3A_47 : memref<184x4x128xf32, #tpu.memory_space<hbm>>)
        tpu.yield
      }) : () -> ()
      %barrier3A_40 = arith.constant 0 : index
      tpu.barrier barrier_id(%barrier3A_40)
    } else {
    }
    %eq3A_23 = arith.constant 1 : i32
    %eq3A_24 = arith.cmpi eq, %arg0, %eq3A_23 : i32
    %convert_element_type3A_25 = arith.extui %eq3A_24 : i1 to i32
    %cond3A_26 = arith.constant 0 : i32
    %cond3A_27 = arith.cmpi ne, %convert_element_type3A_25, %cond3A_26 : i32
    scf.if %cond3A_27 {
      %mul3A_28 = arith.constant 136 : i32
      %mul3A_29 = arith.muli %arg1, %mul3A_28 : i32
      %min3A = arith.constant 1944 : i32
      %min3A_30 = arith.minsi %mul3A_29, %min3A : i32
      %multiple_of3A = tpu.assume_multiple %min3A_30, 8 : i32
      %add3A = arith.constant 7920 : i32
      %add3A_31 = arith.addi %add3A, %multiple_of3A : i32
      "tpu.region"() ({
        %run_scoped3A = tpu.sem_alloc : memref<!tpu.dma_semaphore, #tpu.memory_space<semaphore_mem>>
        %dma_start3A = arith.constant 0 : i32
        %dma_start3A_41 = arith.constant 0 : i32
        %dma_start3A_42 = tpu.memref_slice %arg6[%multiple_of3A, %dma_start3A, %dma_start3A_41] : memref<2928x4x128xf32, #tpu.memory_space<vmem_shared>> -> memref<136x4x128xf32, #tpu.memory_space<vmem_shared>>
        %dma_start3A_43 = arith.constant 0 : i32
        %dma_start3A_44 = arith.constant 0 : i32
        %dma_start3A_45 = tpu.memref_slice %arg2[%add3A_31, %dma_start3A_43, %dma_start3A_44] : memref<10000x4x128xf32, #tpu.memory_space<hbm>> -> memref<136x4x128xf32, #tpu.memory_space<hbm>>
        tpu.enqueue_dma source(%dma_start3A_45 : memref<136x4x128xf32, #tpu.memory_space<hbm>>) target(%dma_start3A_42 : memref<136x4x128xf32, #tpu.memory_space<vmem_shared>>) target_semaphore(%run_scoped3A : memref<!tpu.dma_semaphore, #tpu.memory_space<semaphore_mem>>)
        %dma_wait3A = arith.constant 0 : i32
        %dma_wait3A_46 = arith.constant 0 : i32
        %dma_wait3A_47 = tpu.memref_slice %arg6[%multiple_of3A, %dma_wait3A, %dma_wait3A_46] : memref<2928x4x128xf32, #tpu.memory_space<vmem_shared>> -> memref<136x4x128xf32, #tpu.memory_space<vmem_shared>>
        %dma_wait3A_48 = arith.constant 0 : i32
        %dma_wait3A_49 = arith.constant 0 : i32
        %dma_wait3A_50 = tpu.memref_slice %arg2[%add3A_31, %dma_wait3A_48, %dma_wait3A_49] : memref<10000x4x128xf32, #tpu.memory_space<hbm>> -> memref<136x4x128xf32, #tpu.memory_space<hbm>>
        tpu.wait_dma2 semaphore(%run_scoped3A : memref<!tpu.dma_semaphore, #tpu.memory_space<semaphore_mem>>) src(%dma_wait3A_50 : memref<136x4x128xf32, #tpu.memory_space<hbm>>) dst(%dma_wait3A_47 : memref<136x4x128xf32, #tpu.memory_space<vmem_shared>>)
        tpu.yield
      }) : () -> ()
      %barrier3A = arith.constant 0 : index
      tpu.barrier barrier_id(%barrier3A)
      %scan3A = arith.constant 0 : i32
      %scan3A_32 = arith.constant 0 : i32
      %scan3A_33 = arith.constant 313 : i32
      %scan3A_34 = arith.addi %scan3A_32, %scan3A_33 : i32
      %scan3A_35 = arith.constant 1 : i32
      scf.for %scan3A_41 = %scan3A_32 to %scan3A_34 step %scan3A_35  : i32 {
        %mul3A_42 = arith.constant 2 : i32
        %mul3A_43 = arith.muli %mul3A_42, %scan3A_41 : i32
        %add3A_44 = arith.constant 0 : i32
        %add3A_45 = arith.addi %mul3A_43, %add3A_44 : i32
        %mul3A_46 = arith.constant 16 : i32
        %mul3A_47 = arith.muli %add3A_45, %mul3A_46 : i32
        %multiple_of3A_48 = tpu.assume_multiple %mul3A_47, 16 : i32
        %add3A_49 = arith.constant 0 : i32
        %add3A_50 = arith.addi %multiple_of3A_48, %add3A_49 : i32
        %get3A = arith.index_cast %add3A_50 : i32 to index
        %get3A_51 = tpu.vector_load %arg8[%get3A] {strides = array<i32>} : memref<10016xi32, #tpu.memory_space<vmem>>, vector<16xi32>,
        %get3A_52 = vector.shape_cast %get3A_51 : vector<16xi32> to vector<16xi32>
        %add3A_53 = arith.constant 0 : i32
        %add3A_54 = arith.addi %multiple_of3A_48, %add3A_53 : i32
        %get3A_55 = arith.index_cast %add3A_54 : i32 to index
        %get3A_56 = tpu.vector_load %arg7[%get3A_55] {strides = array<i32>} : memref<10016xi32, #tpu.memory_space<vmem>>, vector<16xi32>,
        %get3A_57 = vector.shape_cast %get3A_56 : vector<16xi32> to vector<16xi32>
        %sub3A = arith.constant 7920 : i32
        %sub3A_58 = vector.broadcast %sub3A : i32 to vector<16xi32>
        %sub3A_59 = arith.subi %get3A_52, %sub3A_58 : vector<16xi32>
        %ge3A = arith.constant 0 : i32
        %ge3A_60 = vector.broadcast %ge3A : i32 to vector<16xi32>
        %ge3A_61 = arith.cmpi sge, %sub3A_59, %ge3A_60 : vector<16xi32>
        %lt3A = arith.constant 2080 : i32
        %lt3A_62 = vector.broadcast %lt3A : i32 to vector<16xi32>
        %lt3A_63 = arith.cmpi slt, %sub3A_59, %lt3A_62 : vector<16xi32>
        %and3A = arith.andi %ge3A_61, %lt3A_63 : vector<16xi1>
        %jit3A = arith.constant 2920 : i32
        %broadcast_in_dim3A_64 = vector.broadcast %jit3A : i32 to vector<16xi32>
        %select_n3A = arith.select %and3A, %sub3A_59, %broadcast_in_dim3A_64 : vector<16xi1>, vector<16xi32>
        %swap3A_65 = arith.constant 0 : i32
        %swap3A_66 = arith.index_cast %swap3A_65 : i32 to index
        %swap3A_67 = arith.constant 0 : index
        %swap3A_68 = tpu.vector_load %arg11[%swap3A_66, %swap3A_67] {strides = array<i32>} : memref<1x16xi32, #tpu.memory_space<vmem>>, vector<1x16xi32>,
        %swap3A_69 = vector.shape_cast %swap3A_68 : vector<1x16xi32> to vector<16xi32>
        %swap3A_70 = vector.shape_cast %select_n3A : vector<16xi32> to vector<1x16xi32>
        tpu.vector_store %arg11[%swap3A_66, %swap3A_67], %swap3A_70 {strides = array<i32>} : memref<1x16xi32, #tpu.memory_space<vmem>>, vector<1x16xi32>,
        %swap3A_71 = arith.constant 0 : index
        %swap3A_72 = tpu.vector_load %arg9[%swap3A_71] {strides = array<i32>} : memref<16xi32, #tpu.memory_space<vmem>>, vector<16xi32>,
        %swap3A_73 = vector.shape_cast %swap3A_72 : vector<16xi32> to vector<16xi32>
        %swap3A_74 = vector.shape_cast %get3A_57 : vector<16xi32> to vector<16xi32>
        tpu.vector_store %arg9[%swap3A_71], %swap3A_74 {strides = array<i32>} : memref<16xi32, #tpu.memory_space<vmem>>, vector<16xi32>,
        %dma_start3A = arith.constant 0 : i32
        %dma_start3A_75 = arith.constant 0 : i32
        %dma_start3A_76 = arith.constant 0 : i32
        %dma_start3A_77 = tpu.memref_slice %arg2[%dma_start3A, %dma_start3A_75, %dma_start3A_76] : memref<10000x4x128xf32, #tpu.memory_space<hbm>> -> memref<10000x4x128xf32, #tpu.memory_space<hbm>>
        tpu.enqueue_indirect_dma source(%dma_start3A_77 : memref<10000x4x128xf32, #tpu.memory_space<hbm>>) target(%arg13 : memref<16x4x128xf32, #tpu.memory_space<vmem>>) offsets(%arg9 : memref<16xi32, #tpu.memory_space<vmem>>) semaphore(%arg15 : memref<!tpu.dma_semaphore, #tpu.memory_space<semaphore_mem>>)
        %mul3A_78 = arith.constant 2 : i32
        %mul3A_79 = arith.muli %mul3A_78, %scan3A_41 : i32
        %add3A_80 = arith.constant 1 : i32
        %add3A_81 = arith.addi %mul3A_79, %add3A_80 : i32
        %mul3A_82 = arith.constant 16 : i32
        %mul3A_83 = arith.muli %add3A_81, %mul3A_82 : i32
        %multiple_of3A_84 = tpu.assume_multiple %mul3A_83, 16 : i32
        %add3A_85 = arith.constant 0 : i32
        %add3A_86 = arith.addi %multiple_of3A_84, %add3A_85 : i32
        %get3A_87 = arith.index_cast %add3A_86 : i32 to index
        %get3A_88 = tpu.vector_load %arg8[%get3A_87] {strides = array<i32>} : memref<10016xi32, #tpu.memory_space<vmem>>, vector<16xi32>,
        %get3A_89 = vector.shape_cast %get3A_88 : vector<16xi32> to vector<16xi32>
        %add3A_90 = arith.constant 0 : i32
        %add3A_91 = arith.addi %multiple_of3A_84, %add3A_90 : i32
        %get3A_92 = arith.index_cast %add3A_91 : i32 to index
        %get3A_93 = tpu.vector_load %arg7[%get3A_92] {strides = array<i32>} : memref<10016xi32, #tpu.memory_space<vmem>>, vector<16xi32>,
        %get3A_94 = vector.shape_cast %get3A_93 : vector<16xi32> to vector<16xi32>
        %sub3A_95 = arith.constant 7920 : i32
        %sub3A_96 = vector.broadcast %sub3A_95 : i32 to vector<16xi32>
        %sub3A_97 = arith.subi %get3A_89, %sub3A_96 : vector<16xi32>
        %ge3A_98 = arith.constant 0 : i32
        %ge3A_99 = vector.broadcast %ge3A_98 : i32 to vector<16xi32>
        %ge3A_100 = arith.cmpi sge, %sub3A_97, %ge3A_99 : vector<16xi32>
        %lt3A_101 = arith.constant 2080 : i32
        %lt3A_102 = vector.broadcast %lt3A_101 : i32 to vector<16xi32>
        %lt3A_103 = arith.cmpi slt, %sub3A_97, %lt3A_102 : vector<16xi32>
        %and3A_104 = arith.andi %ge3A_100, %lt3A_103 : vector<16xi1>
        %jit3A_105 = arith.constant 2920 : i32
        %broadcast_in_dim3A_106 = vector.broadcast %jit3A_105 : i32 to vector<16xi32>
        %select_n3A_107 = arith.select %and3A_104, %sub3A_97, %broadcast_in_dim3A_106 : vector<16xi1>, vector<16xi32>
        %swap3A_108 = arith.constant 0 : i32
        %swap3A_109 = arith.index_cast %swap3A_108 : i32 to index
        %swap3A_110 = arith.constant 0 : index
        %swap3A_111 = tpu.vector_load %arg12[%swap3A_109, %swap3A_110] {strides = array<i32>} : memref<1x16xi32, #tpu.memory_space<vmem>>, vector<1x16xi32>,
        %swap3A_112 = vector.shape_cast %swap3A_111 : vector<1x16xi32> to vector<16xi32>
        %swap3A_113 = vector.shape_cast %select_n3A_107 : vector<16xi32> to vector<1x16xi32>
        tpu.vector_store %arg12[%swap3A_109, %swap3A_110], %swap3A_113 {strides = array<i32>} : memref<1x16xi32, #tpu.memory_space<vmem>>, vector<1x16xi32>,
        %swap3A_114 = arith.constant 0 : index
        %swap3A_115 = tpu.vector_load %arg10[%swap3A_114] {strides = array<i32>} : memref<16xi32, #tpu.memory_space<vmem>>, vector<16xi32>,
        %swap3A_116 = vector.shape_cast %swap3A_115 : vector<16xi32> to vector<16xi32>
        %swap3A_117 = vector.shape_cast %get3A_94 : vector<16xi32> to vector<16xi32>
        tpu.vector_store %arg10[%swap3A_114], %swap3A_117 {strides = array<i32>} : memref<16xi32, #tpu.memory_space<vmem>>, vector<16xi32>,
        %dma_start3A_118 = arith.constant 0 : i32
        %dma_start3A_119 = arith.constant 0 : i32
        %dma_start3A_120 = arith.constant 0 : i32
        %dma_start3A_121 = tpu.memref_slice %arg2[%dma_start3A_118, %dma_start3A_119, %dma_start3A_120] : memref<10000x4x128xf32, #tpu.memory_space<hbm>> -> memref<10000x4x128xf32, #tpu.memory_space<hbm>>
        tpu.enqueue_indirect_dma source(%dma_start3A_121 : memref<10000x4x128xf32, #tpu.memory_space<hbm>>) target(%arg14 : memref<16x4x128xf32, #tpu.memory_space<vmem>>) offsets(%arg10 : memref<16xi32, #tpu.memory_space<vmem>>) semaphore(%arg16 : memref<!tpu.dma_semaphore, #tpu.memory_space<semaphore_mem>>)
        %dma_wait3A = arith.constant 0 : i32
        %dma_wait3A_122 = arith.constant 0 : i32
        %dma_wait3A_123 = arith.constant 0 : i32
        %dma_wait3A_124 = tpu.memref_slice %arg2[%dma_wait3A, %dma_wait3A_122, %dma_wait3A_123] : memref<10000x4x128xf32, #tpu.memory_space<hbm>> -> memref<10000x4x128xf32, #tpu.memory_space<hbm>>
        tpu.wait_indirect_dma semaphore(%arg15 : memref<!tpu.dma_semaphore, #tpu.memory_space<semaphore_mem>>) src(%dma_wait3A_124 : memref<10000x4x128xf32, #tpu.memory_space<hbm>>) dst(%arg13 : memref<16x4x128xf32, #tpu.memory_space<vmem>>)
        %run_scoped3A = arith.constant 0 : i32
        "tpu.region"() ({
          %run_scoped3A_130 = tpu.sem_alloc : memref<!tpu.dma_semaphore, #tpu.memory_space<semaphore_mem>>
          %dma_start3A_131 = arith.constant 0 : i32
          %dma_start3A_132 = tpu.memref_slice %arg11[%run_scoped3A, %dma_start3A_131] : memref<1x16xi32, #tpu.memory_space<vmem>> -> memref<1x16xi32, #tpu.memory_space<vmem>>
          %dma_start3A_133 = tpu.memref_squeeze %dma_start3A_132 : memref<1x16xi32, #tpu.memory_space<vmem>> -> memref<16xi32, #tpu.memory_space<vmem>>
          %dma_start3A_134 = arith.constant 0 : i32
          %dma_start3A_135 = arith.constant 0 : i32
          %dma_start3A_136 = arith.constant 0 : i32
          %dma_start3A_137 = tpu.memref_slice %arg6[%dma_start3A_134, %dma_start3A_135, %dma_start3A_136] : memref<2928x4x128xf32, #tpu.memory_space<vmem_shared>> -> memref<2928x4x128xf32, #tpu.memory_space<vmem_shared>>
          tpu.enqueue_indirect_dma source(%arg13 : memref<16x4x128xf32, #tpu.memory_space<vmem>>) target(%dma_start3A_137 : memref<2928x4x128xf32, #tpu.memory_space<vmem_shared>>) offsets(%dma_start3A_133 : memref<16xi32, #tpu.memory_space<vmem>>) semaphore(%run_scoped3A_130 : memref<!tpu.dma_semaphore, #tpu.memory_space<semaphore_mem>>) {add = true}
          %dma_wait3A_138 = arith.constant 0 : i32
          %dma_wait3A_139 = tpu.memref_slice %arg11[%run_scoped3A, %dma_wait3A_138] : memref<1x16xi32, #tpu.memory_space<vmem>> -> memref<1x16xi32, #tpu.memory_space<vmem>>
          %dma_wait3A_140 = tpu.memref_squeeze %dma_wait3A_139 : memref<1x16xi32, #tpu.memory_space<vmem>> -> memref<16xi32, #tpu.memory_space<vmem>>
          %dma_wait3A_141 = arith.constant 0 : i32
          %dma_wait3A_142 = arith.constant 0 : i32
          %dma_wait3A_143 = arith.constant 0 : i32
          %dma_wait3A_144 = tpu.memref_slice %arg6[%dma_wait3A_141, %dma_wait3A_142, %dma_wait3A_143] : memref<2928x4x128xf32, #tpu.memory_space<vmem_shared>> -> memref<2928x4x128xf32, #tpu.memory_space<vmem_shared>>
          tpu.wait_indirect_dma semaphore(%run_scoped3A_130 : memref<!tpu.dma_semaphore, #tpu.memory_space<semaphore_mem>>) src(%arg13 : memref<16x4x128xf32, #tpu.memory_space<vmem>>) dst(%dma_wait3A_144 : memref<2928x4x128xf32, #tpu.memory_space<vmem_shared>>)
          tpu.yield
        }) : () -> ()
        %dma_wait3A_125 = arith.constant 0 : i32
        %dma_wait3A_126 = arith.constant 0 : i32
        %dma_wait3A_127 = arith.constant 0 : i32
        %dma_wait3A_128 = tpu.memref_slice %arg2[%dma_wait3A_125, %dma_wait3A_126, %dma_wait3A_127] : memref<10000x4x128xf32, #tpu.memory_space<hbm>> -> memref<10000x4x128xf32, #tpu.memory_space<hbm>>
        tpu.wait_indirect_dma semaphore(%arg16 : memref<!tpu.dma_semaphore, #tpu.memory_space<semaphore_mem>>) src(%dma_wait3A_128 : memref<10000x4x128xf32, #tpu.memory_space<hbm>>) dst(%arg14 : memref<16x4x128xf32, #tpu.memory_space<vmem>>)
        %run_scoped3A_129 = arith.constant 0 : i32
        "tpu.region"() ({
          %run_scoped3A_130 = tpu.sem_alloc : memref<!tpu.dma_semaphore, #tpu.memory_space<semaphore_mem>>
          %dma_start3A_131 = arith.constant 0 : i32
          %dma_start3A_132 = tpu.memref_slice %arg12[%run_scoped3A_129, %dma_start3A_131] : memref<1x16xi32, #tpu.memory_space<vmem>> -> memref<1x16xi32, #tpu.memory_space<vmem>>
          %dma_start3A_133 = tpu.memref_squeeze %dma_start3A_132 : memref<1x16xi32, #tpu.memory_space<vmem>> -> memref<16xi32, #tpu.memory_space<vmem>>
          %dma_start3A_134 = arith.constant 0 : i32
          %dma_start3A_135 = arith.constant 0 : i32
          %dma_start3A_136 = arith.constant 0 : i32
          %dma_start3A_137 = tpu.memref_slice %arg6[%dma_start3A_134, %dma_start3A_135, %dma_start3A_136] : memref<2928x4x128xf32, #tpu.memory_space<vmem_shared>> -> memref<2928x4x128xf32, #tpu.memory_space<vmem_shared>>
          tpu.enqueue_indirect_dma source(%arg14 : memref<16x4x128xf32, #tpu.memory_space<vmem>>) target(%dma_start3A_137 : memref<2928x4x128xf32, #tpu.memory_space<vmem_shared>>) offsets(%dma_start3A_133 : memref<16xi32, #tpu.memory_space<vmem>>) semaphore(%run_scoped3A_130 : memref<!tpu.dma_semaphore, #tpu.memory_space<semaphore_mem>>) {add = true}
          %dma_wait3A_138 = arith.constant 0 : i32
          %dma_wait3A_139 = tpu.memref_slice %arg12[%run_scoped3A_129, %dma_wait3A_138] : memref<1x16xi32, #tpu.memory_space<vmem>> -> memref<1x16xi32, #tpu.memory_space<vmem>>
          %dma_wait3A_140 = tpu.memref_squeeze %dma_wait3A_139 : memref<1x16xi32, #tpu.memory_space<vmem>> -> memref<16xi32, #tpu.memory_space<vmem>>
          %dma_wait3A_141 = arith.constant 0 : i32
          %dma_wait3A_142 = arith.constant 0 : i32
          %dma_wait3A_143 = arith.constant 0 : i32
          %dma_wait3A_144 = tpu.memref_slice %arg6[%dma_wait3A_141, %dma_wait3A_142, %dma_wait3A_143] : memref<2928x4x128xf32, #tpu.memory_space<vmem_shared>> -> memref<2928x4x128xf32, #tpu.memory_space<vmem_shared>>
          tpu.wait_indirect_dma semaphore(%run_scoped3A_130 : memref<!tpu.dma_semaphore, #tpu.memory_space<semaphore_mem>>) src(%arg14 : memref<16x4x128xf32, #tpu.memory_space<vmem>>) dst(%dma_wait3A_144 : memref<2928x4x128xf32, #tpu.memory_space<vmem_shared>>)
          tpu.yield
        }) : () -> ()
      }
      %scan3A_36 = arith.constant 313 : i32
      %barrier3A_37 = arith.constant 0 : index
      tpu.barrier barrier_id(%barrier3A_37)
      %add3A_38 = arith.constant 7920 : i32
      %add3A_39 = arith.addi %add3A_38, %multiple_of3A : i32
      "tpu.region"() ({
        %run_scoped3A = tpu.sem_alloc : memref<!tpu.dma_semaphore, #tpu.memory_space<semaphore_mem>>
        %dma_start3A = arith.constant 0 : i32
        %dma_start3A_41 = arith.constant 0 : i32
        %dma_start3A_42 = tpu.memref_slice %arg5[%add3A_39, %dma_start3A, %dma_start3A_41] : memref<10000x4x128xf32, #tpu.memory_space<hbm>> -> memref<136x4x128xf32, #tpu.memory_space<hbm>>
        %dma_start3A_43 = arith.constant 0 : i32
        %dma_start3A_44 = arith.constant 0 : i32
        %dma_start3A_45 = tpu.memref_slice %arg6[%multiple_of3A, %dma_start3A_43, %dma_start3A_44] : memref<2928x4x128xf32, #tpu.memory_space<vmem_shared>> -> memref<136x4x128xf32, #tpu.memory_space<vmem_shared>>
        tpu.enqueue_dma source(%dma_start3A_45 : memref<136x4x128xf32, #tpu.memory_space<vmem_shared>>) target(%dma_start3A_42 : memref<136x4x128xf32, #tpu.memory_space<hbm>>) target_semaphore(%run_scoped3A : memref<!tpu.dma_semaphore, #tpu.memory_space<semaphore_mem>>)
        %dma_wait3A = arith.constant 0 : i32
        %dma_wait3A_46 = arith.constant 0 : i32
        %dma_wait3A_47 = tpu.memref_slice %arg5[%add3A_39, %dma_wait3A, %dma_wait3A_46] : memref<10000x4x128xf32, #tpu.memory_space<hbm>> -> memref<136x4x128xf32, #tpu.memory_space<hbm>>
        %dma_wait3A_48 = arith.constant 0 : i32
        %dma_wait3A_49 = arith.constant 0 : i32
        %dma_wait3A_50 = tpu.memref_slice %arg6[%multiple_of3A, %dma_wait3A_48, %dma_wait3A_49] : memref<2928x4x128xf32, #tpu.memory_space<vmem_shared>> -> memref<136x4x128xf32, #tpu.memory_space<vmem_shared>>
        tpu.wait_dma2 semaphore(%run_scoped3A : memref<!tpu.dma_semaphore, #tpu.memory_space<semaphore_mem>>) src(%dma_wait3A_50 : memref<136x4x128xf32, #tpu.memory_space<vmem_shared>>) dst(%dma_wait3A_47 : memref<136x4x128xf32, #tpu.memory_space<hbm>>)
        tpu.yield
      }) : () -> ()
      %barrier3A_40 = arith.constant 0 : index
      tpu.barrier barrier_id(%barrier3A_40)
    } else {
    }
    return
  }
}

module attributes {stable_mosaic.version = 14 : i64} {
  func.func @_mm1_body(%arg0: i32, %arg1: memref<1000x256xf32, #tpu.memory_space<vmem>>, %arg2: memref<512x256xf32, #tpu.memory_space<vmem>>, %arg3: memref<1000x512xf32, #tpu.memory_space<vmem>>) attributes {dimension_semantics = [#tpu.dimension_semantics<arbitrary>], iteration_bounds = array<i64: 10>, scalar_prefetch = 0 : i64, scratch_operands = 0 : i64, tpu.core_type = #tpu.core_type<tc>, window_params = [{transform_indices = @transform_0, window_bounds = array<i64: 1000, 256>}, {pipeline_mode = #tpu.pipeline_mode<synchronous>, transform_indices = @transform_1, window_bounds = array<i64: 512, 256>}, {transform_indices = @transform_2, window_bounds = array<i64: 1000, 512>}]} {
    %get3A = arith.constant 0 : index
    %get3A_0 = arith.constant 0 : index
    %get3A_1 = vector.load %arg1[%get3A, %get3A_0] : memref<1000x256xf32, #tpu.memory_space<vmem>>, vector<1000x256xf32>
    %get3A_2 = arith.constant 0 : index
    %get3A_3 = arith.constant 0 : index
    %get3A_4 = vector.load %arg2[%get3A_2, %get3A_3] : memref<512x256xf32, #tpu.memory_space<vmem>>, vector<512x256xf32>
    %dot_general3A = arith.constant dense<0.000000e+00> : vector<1000x512xf32>
    %dot_general3A_5 = tpu.matmul %get3A_1, %get3A_4, %dot_general3A {dimension_numbers = #tpu.dot_dimension_numbers<[1], [1], [0], [0], [0, 0, 1, 0], [], []>, transpose_lhs_hint = false} : vector<1000x256xf32>, vector<512x256xf32>, vector<1000x512xf32> -> vector<1000x512xf32>
    %swap3A = arith.constant 0 : index
    %swap3A_6 = arith.constant 0 : index
    %swap3A_7 = vector.load %arg3[%swap3A, %swap3A_6] : memref<1000x512xf32, #tpu.memory_space<vmem>>, vector<1000x512xf32>
    tpu.vector_store %arg3[%swap3A, %swap3A_6], %dot_general3A_5 {strides = array<i32>} : memref<1000x512xf32, #tpu.memory_space<vmem>>, vector<1000x512xf32>,
    return
  }
  func.func @transform_0(%arg0: i32) -> (i32, i32) {
    %c0_i32 = arith.constant 0 : i32
    %c0_i32_0 = arith.constant 0 : i32
    return %arg0, %c0_i32 : i32, i32
  }
  func.func @transform_1(%arg0: i32) -> (i32, i32) {
    %c0_i32 = arith.constant 0 : i32
    %c0_i32_0 = arith.constant 0 : i32
    %c0_i32_1 = arith.constant 0 : i32
    return %c0_i32, %c0_i32_0 : i32, i32
  }
  func.func @transform_2(%arg0: i32) -> (i32, i32) {
    %c0_i32 = arith.constant 0 : i32
    %c0_i32_0 = arith.constant 0 : i32
    return %arg0, %c0_i32 : i32, i32
  }
}

module attributes {stable_mosaic.version = 14 : i64} {
  func.func @_mm2_body(%arg0: i32, %arg1: memref<1000x512xf32, #tpu.memory_space<vmem>>, %arg2: memref<1x512xf32, #tpu.memory_space<vmem>>, %arg3: memref<256x512xf32, #tpu.memory_space<vmem>>, %arg4: memref<1000x256xf32, #tpu.memory_space<vmem>>) attributes {dimension_semantics = [#tpu.dimension_semantics<arbitrary>], iteration_bounds = array<i64: 10>, scalar_prefetch = 0 : i64, scratch_operands = 0 : i64, tpu.core_type = #tpu.core_type<tc>, window_params = [{transform_indices = @transform_0, window_bounds = array<i64: 1000, 512>}, {pipeline_mode = #tpu.pipeline_mode<synchronous>, transform_indices = @transform_1, window_bounds = array<i64: 1, 512>}, {pipeline_mode = #tpu.pipeline_mode<synchronous>, transform_indices = @transform_2, window_bounds = array<i64: 256, 512>}, {transform_indices = @transform_3, window_bounds = array<i64: 1000, 256>}]} {
    %get3A = arith.constant 0 : index
    %get3A_0 = arith.constant 0 : index
    %get3A_1 = vector.load %arg1[%get3A, %get3A_0] : memref<1000x512xf32, #tpu.memory_space<vmem>>, vector<1000x512xf32>
    %get3A_2 = arith.constant 0 : index
    %get3A_3 = arith.constant 0 : index
    %get3A_4 = vector.load %arg2[%get3A_2, %get3A_3] : memref<1x512xf32, #tpu.memory_space<vmem>>, vector<1x512xf32>
    %add3A = vector.broadcast %get3A_4 : vector<1x512xf32> to vector<1000x512xf32>
    %add3A_5 = arith.addf %get3A_1, %add3A : vector<1000x512xf32>
    %max3A = arith.constant 0.000000e+00 : f32
    %max3A_6 = vector.broadcast %max3A : f32 to vector<1000x512xf32>
    %max3A_7 = arith.maximumf %add3A_5, %max3A_6 : vector<1000x512xf32>
    %get3A_8 = arith.constant 0 : index
    %get3A_9 = arith.constant 0 : index
    %get3A_10 = vector.load %arg3[%get3A_8, %get3A_9] : memref<256x512xf32, #tpu.memory_space<vmem>>, vector<256x512xf32>
    %dot_general3A = arith.constant dense<0.000000e+00> : vector<1000x256xf32>
    %dot_general3A_11 = tpu.matmul %max3A_7, %get3A_10, %dot_general3A {dimension_numbers = #tpu.dot_dimension_numbers<[1], [1], [0], [0], [0, 0, 1, 0], [], []>, transpose_lhs_hint = false} : vector<1000x512xf32>, vector<256x512xf32>, vector<1000x256xf32> -> vector<1000x256xf32>
    %swap3A = arith.constant 0 : index
    %swap3A_12 = arith.constant 0 : index
    %swap3A_13 = vector.load %arg4[%swap3A, %swap3A_12] : memref<1000x256xf32, #tpu.memory_space<vmem>>, vector<1000x256xf32>
    tpu.vector_store %arg4[%swap3A, %swap3A_12], %dot_general3A_11 {strides = array<i32>} : memref<1000x256xf32, #tpu.memory_space<vmem>>, vector<1000x256xf32>,
    return
  }
  func.func @transform_0(%arg0: i32) -> (i32, i32) {
    %c0_i32 = arith.constant 0 : i32
    %c0_i32_0 = arith.constant 0 : i32
    return %arg0, %c0_i32 : i32, i32
  }
  func.func @transform_1(%arg0: i32) -> (i32, i32) {
    %c0_i32 = arith.constant 0 : i32
    %c0_i32_0 = arith.constant 0 : i32
    %c0_i32_1 = arith.constant 0 : i32
    return %c0_i32, %c0_i32_0 : i32, i32
  }
  func.func @transform_2(%arg0: i32) -> (i32, i32) {
    %c0_i32 = arith.constant 0 : i32
    %c0_i32_0 = arith.constant 0 : i32
    %c0_i32_1 = arith.constant 0 : i32
    return %c0_i32, %c0_i32_0 : i32, i32
  }
  func.func @transform_3(%arg0: i32) -> (i32, i32) {
    %c0_i32 = arith.constant 0 : i32
    %c0_i32_0 = arith.constant 0 : i32
    return %arg0, %c0_i32 : i32, i32
  }
}

module attributes {stable_mosaic.version = 14 : i64} {
  func.func @_softmax_body(%arg0: i32, %arg1: memref<1000x256xf32, #tpu.memory_space<vmem>>, %arg2: memref<1x256xf32, #tpu.memory_space<vmem>>, %arg3: memref<1000x256xf32, #tpu.memory_space<vmem>>) attributes {dimension_semantics = [#tpu.dimension_semantics<arbitrary>], iteration_bounds = array<i64: 10>, scalar_prefetch = 0 : i64, scratch_operands = 0 : i64, tpu.core_type = #tpu.core_type<tc>, window_params = [{transform_indices = @transform_0, window_bounds = array<i64: 1000, 256>}, {pipeline_mode = #tpu.pipeline_mode<synchronous>, transform_indices = @transform_1, window_bounds = array<i64: 1, 256>}, {transform_indices = @transform_2, window_bounds = array<i64: 1000, 256>}]} {
    %get3A = arith.constant 0 : index
    %get3A_0 = arith.constant 0 : index
    %get3A_1 = vector.load %arg1[%get3A, %get3A_0] : memref<1000x256xf32, #tpu.memory_space<vmem>>, vector<1000x256xf32>
    %get3A_2 = arith.constant 0 : index
    %get3A_3 = arith.constant 0 : index
    %get3A_4 = vector.load %arg2[%get3A_2, %get3A_3] : memref<1x256xf32, #tpu.memory_space<vmem>>, vector<1x256xf32>
    %add3A = vector.broadcast %get3A_4 : vector<1x256xf32> to vector<1000x256xf32>
    %add3A_5 = arith.addf %get3A_1, %add3A : vector<1000x256xf32>
    %reduce_max3A = arith.constant dense<0xFF800000> : vector<1000xf32>
    %reduce_max3A_6 = vector.multi_reduction <maximumf>, %add3A_5, %reduce_max3A [1] : vector<1000x256xf32> to vector<1000xf32>
    %broadcast_in_dim3A = vector.shape_cast %reduce_max3A_6 : vector<1000xf32> to vector<1000x1xf32>
    %sub3A = vector.broadcast %broadcast_in_dim3A : vector<1000x1xf32> to vector<1000x256xf32>
    %sub3A_7 = arith.subf %add3A_5, %sub3A : vector<1000x256xf32>
    %exp3A = math.exp %sub3A_7 : vector<1000x256xf32>
    %reduce_sum3A = arith.constant dense<0.000000e+00> : vector<1000xf32>
    %reduce_sum3A_8 = vector.multi_reduction <add>, %exp3A, %reduce_sum3A [1] : vector<1000x256xf32> to vector<1000xf32>
    %broadcast_in_dim3A_9 = vector.shape_cast %reduce_sum3A_8 : vector<1000xf32> to vector<1000x1xf32>
    %div3A = vector.broadcast %broadcast_in_dim3A_9 : vector<1000x1xf32> to vector<1000x256xf32>
    %div3A_10 = arith.divf %exp3A, %div3A : vector<1000x256xf32>
    %swap3A = arith.constant 0 : index
    %swap3A_11 = arith.constant 0 : index
    %swap3A_12 = vector.load %arg3[%swap3A, %swap3A_11] : memref<1000x256xf32, #tpu.memory_space<vmem>>, vector<1000x256xf32>
    tpu.vector_store %arg3[%swap3A, %swap3A_11], %div3A_10 {strides = array<i32>} : memref<1000x256xf32, #tpu.memory_space<vmem>>, vector<1000x256xf32>,
    return
  }
  func.func @transform_0(%arg0: i32) -> (i32, i32) {
    %c0_i32 = arith.constant 0 : i32
    %c0_i32_0 = arith.constant 0 : i32
    return %arg0, %c0_i32 : i32, i32
  }
  func.func @transform_1(%arg0: i32) -> (i32, i32) {
    %c0_i32 = arith.constant 0 : i32
    %c0_i32_0 = arith.constant 0 : i32
    %c0_i32_1 = arith.constant 0 : i32
    return %c0_i32, %c0_i32_0 : i32, i32
  }
  func.func @transform_2(%arg0: i32) -> (i32, i32) {
    %c0_i32 = arith.constant 0 : i32
    %c0_i32_0 = arith.constant 0 : i32
    return %arg0, %c0_i32 : i32, i32
  }
}

</mosaic_0001>

<sc_bundles>
// kernel: kernel.10.cloned.1.call-start
scs
__scs_entry_jumppad:
0x0: {  	(pc) =	sbr.rel $0x88, $3  }
0x1: {  	(tag) =	ssettag $0x0;
	lr =	simm.s32 $0x1  }
0x2: {  	[smem:$0x3F9B] =	sst lr;
	_ =	strace $0xD0000000  }
0x3: {  	_ = 	snop  }
0x4: {  	_ = 	snop  }
0x5: {  	_ = 	snop  }
0x6: {  	_ = 	snop  }
0x7: {  	_ = 	snop  }
__scs_overlays_trampoline_lowered:
0x8: {  	[smem:$0x3FAA] =	sst s0  }
0x9: {  	[smem:$0x3FAB] =	sst s1  }
0xa: {  	[smem:$0x3FAC] =	sst s2  }
0xb: {  	[smem:$0x3FAD] =	sst s3  }
0xc: {  	[smem:$0x3FAE] =	sst s4  }
0xd: {  	[smem:$0x3FAF] =	sst s5  }
0xe: {  	[smem:$0x3FB0] =	sst s6  }
0xf: {  	[smem:$0x3FB1] =	sst s7  }
0x10: {  	[smem:$0x3FB2] =	sst s8  }
0x11: {  	[smem:$0x3FB3] =	sst s9;
	s0 =	simm.s32 @!p0 $0x0  }
0x12: {  	s1 =	sld [smem:$0x3F99];
	s0 =	simm.s32 @p0 $0x1  }
0x13: {  	[smem:$0x3FB4] =	sst s0;
	s0 =	simm.s32 @!p1 $0x0  }
0x14: {  	s2 =	sld [smem:$0x3F98];
	s0 =	simm.s32 @p1 $0x1  }
0x15: {  	[smem:$0x3FB5] =	sst s0;
	s0 =	simm.s32 @!p2 $0x0  }
0x16: {  	s3 =	sld [smem:$0x3FDB];
	s0 =	simm.s32 @p2 $0x1  }
0x17: {  	s4 =	simm.s32 $0x1BF5;
	[smem:$0x3FB7] =	sst s0  }
0x18: {  	s0 =	sld [smem:$0x3F9A];
	_ =	swait.ge [sflag:s4], $0x0  }
0x19: {  	s7 =	sld [smem:$0x3F9B]  }
0x1a: {  	s8 =	sadd.s32 $0xFFFFE003, lr  }
0x1b: {  	s9 =	sadd.s32 $0xFFFFFEF7, lr;
	s5 =	simm.s32 $0xFFFFFFFF;
	p2 =	slt.u32 s8, $0xFFFFF086  }
0x1c: {  	p1 =	slt.u32 s9, $0xF7A;
	s5 =	simm.s32 @!p2 $0x0  }
0x1d: {  	s5 =	simm.s32 @p1 $0x1;
	p0 =	seq.s32 s7, s2  }
0x1e: {  	s7 =	smul.u32 @!p0 $0xF7A, s2;
	p2 =	seq.s32 @!p0 s5, $0x0  }
0x1f: {  	s9 =	smul.u32 $0xF7A, s1;
	s8 =	simm.s32 @!p0 $0x1BF5;
	p2 =	por !p2, p0  }
0x20: {  	[sflag:s8] =	ssyncset.s32 @!p0 $0xFFFFF086;
	s6 =	sadd.s32 @!p0 s3, s7;
	s7 =	simm.s32 @!p0 $0x108  }
0x21: {  	s3 =	sadd.s32 s3, s9;
	s6 =	sadd.s32 @!p0 $0x88, s6;
	s7 =	simm.s32 @p2 $0x1082  }
0x22: {  	[simem:s7], [sflag:s8] =	dma.local @!p0 [hbm:s6], $0xF7A  }
0x23: {  	s9 =	sor.u32 $0xD0000000, s2;
	s6 =	simm.s32 $0x108;
	_ =	swait.ge @!p0 [sflag:s8], $0x0  }
0x24: {  	s3 =	sadd.s32 $0x88, s3;
	s6 =	simm.s32 @!p1 $0x1082;
	[sflag:s4] =	ssyncset.s32 $0xFFFFF086  }
0x25: {  	[simem:s6], [sflag:s4] =	dma.local [hbm:s3], $0xF7A  }
0x26: {  	[smem:$0x3F9B] =	sst s1;
	(tag) =	ssettag s2;
	_ =	strace s9  }
0x27: {  	s1 =	sld [smem:$0x3FAB]  }
0x28: {  	s2 =	sld [smem:$0x3FAC]  }
0x29: {  	s4 =	sld [smem:$0x3FAE]  }
0x2a: {  	p0 =	seq.s32 s5, $0x0;
	s5 =	sld [smem:$0x3FAF]  }
0x2b: {  	s6 =	sld [smem:$0x3FB0]  }
0x2c: {  	s7 =	sld [smem:$0x3FB1]  }
0x2d: {  	s3 =	simm.s32 $0x108;
	s8 =	sld [smem:$0x3FB2]  }
0x2e: {  	s3 =	simm.s32 @!p0 $0x1082;
	s9 =	sld [smem:$0x3FB3]  }
0x2f: {  	lr =	sadd.s32 s0, s3;
	s0 =	sld [smem:$0x3FAA]  }
0x30: {  	s3 =	sld [smem:$0x3FAD]  }
0x31: {  	[smem:$0x3FB6] =	sst s10  }
0x32: {  	s10 =	sld [smem:$0x3FB4];
	_ =	sdelay $0x3  }
0x33: {  	p0 =	seq.s32 s10, $0x1;
	s10 =	sld [smem:$0x3FB6];
	_ =	sdelay $0x3  }
0x34: {  	[smem:$0x3FB6] =	sst s10  }
0x35: {  	s10 =	sld [smem:$0x3FB5];
	_ =	sdelay $0x3  }
0x36: {  	p1 =	seq.s32 s10, $0x1;
	s10 =	sld [smem:$0x3FB6];
	_ =	sdelay $0x3  }
0x37: {  	[smem:$0x3FB6] =	sst s10  }
0x38: {  	s10 =	sld [smem:$0x3FB7]  }
0x39: {  	_ = 	snop;
	(pc) =	sbr.ind lr, $3  }
0x3a: {  	_ = 	snop  }
0x3b: {  	_ = 	snop  }
0x3c: {  	p2 =	seq.s32 s10, $0x1;
	s10 =	sld [smem:$0x3FB6]  }
0x3d: {  	_ =	shalt  }
0x3e: {  	_ =	shalt  }
0x3f: {  	_ =	shalt  }
0x40: {  	_ =	shalt  }
0x41: {  	_ =	shalt  }
0x42: {  	_ =	shalt  }
0x43: {  	_ =	shalt  }
0x44: {  	_ =	shalt  }
0x45: {  	_ =	shalt  }
0x46: {  	_ =	shalt  }
0x47: {  	_ =	shalt  }
0x48: {  	_ =	shalt  }
0x49: {  	_ =	shalt  }
0x4a: {  	_ =	shalt  }
0x4b: {  	_ =	shalt  }
0x4c: {  	_ =	shalt  }
0x4d: {  	_ =	shalt  }
0x4e: {  	_ =	shalt  }
0x4f: {  	_ =	shalt  }
0x50: {  	_ =	shalt  }
0x51: {  	_ =	shalt  }
0x52: {  	_ =	shalt  }
0x53: {  	_ =	shalt  }
0x54: {  	_ =	shalt  }
0x55: {  	_ =	shalt  }
0x56: {  	_ =	shalt  }
0x57: {  	_ =	shalt  }
0x58: {  	_ =	shalt  }
0x59: {  	_ =	shalt  }
0x5a: {  	_ =	shalt  }
0x5b: {  	_ =	shalt  }
0x5c: {  	_ =	shalt  }
0x5d: {  	_ =	shalt  }
0x5e: {  	_ =	shalt  }
0x5f: {  	_ =	shalt  }
0x60: {  	_ =	shalt  }
0x61: {  	_ =	shalt  }
0x62: {  	_ =	shalt  }
0x63: {  	_ =	shalt  }
0x64: {  	_ =	shalt  }
0x65: {  	_ =	shalt  }
0x66: {  	_ =	shalt  }
0x67: {  	_ =	shalt  }
0x68: {  	_ =	shalt  }
0x69: {  	_ =	shalt  }
0x6a: {  	_ =	shalt  }
0x6b: {  	_ =	shalt  }
0x6c: {  	_ =	shalt  }
0x6d: {  	_ =	shalt  }
0x6e: {  	_ =	shalt  }
0x6f: {  	_ =	shalt  }
0x70: {  	_ =	shalt  }
0x71: {  	_ =	shalt  }
0x72: {  	_ =	shalt  }
0x73: {  	_ =	shalt  }
0x74: {  	_ =	shalt  }
0x75: {  	_ =	shalt  }
0x76: {  	_ =	shalt  }
0x77: {  	_ =	shalt  }
0x78: {  	_ =	shalt  }
0x79: {  	_ =	shalt  }
0x7a: {  	_ =	shalt  }
0x7b: {  	_ =	shalt  }
0x7c: {  	_ =	shalt  }
0x7d: {  	_ =	shalt  }
0x7e: {  	_ =	shalt  }
0x7f: {  	_ =	shalt  }
0x80: {  	_ =	shalt  }
0x81: {  	_ =	shalt  }
0x82: {  	_ =	shalt  }
0x83: {  	_ =	shalt  }
0x84: {  	_ =	shalt  }
0x85: {  	_ =	shalt  }
0x86: {  	_ =	shalt  }
0x87: {  	_ =	shalt  }
.Lfunc_end0:
.L_simem_size_0:
called_computation.1_lowered:
.L_overlay_start_0:
0x88: {  	s2 =	sld [smem:$0x3FD9]  }
0x89: {  	s3 =	sld [smem:$0x3FFE];
	_ =	sdelay $0x1  }
0x8a: {  	s1 =	srdreg.scid  }
0x8b: {  	s0 =	sand.u32 $0x1, s1  }
0x8c: {  	s17 =	sshll.u32 s0, $0xA;
	s2 =	sadd.s32 s3, s2  }
0x8d: {  	s2 =	sadd.s32 s2, s17  }
0x8e: {  	[smem:$0x3FC2] =	sst s2  }
0x8f: {  	_ = 	snop  }
0x90: {  	s2 =	sld [smem:$0x3FD0];
	(tm) =	ssettm $0x1  }
0x91: {  	s18 =	sld [smem:$0x3FFB];
	_ =	sdelay $0x3  }
0x92: {  	_ =	strace s18  }
0x93: {  	s3 =	sld [smem:$0x3FFC];
	_ =	sdelay $0x3  }
0x94: {  	_ =	strace s3  }
0x95: {  	s3 =	sld [smem:$0x3FFD];
	_ =	sdelay $0x3  }
0x96: {  	_ =	strace s3  }
0x97: {  	_ =	strace $0x8FFFFFFF  }
0x98: {  	s19 =	sld [smem:$0x3FDB];
	_ =	sdelay $0x1  }
0x99: {  	s4 =	simm.s32 $_scs_section_size  }
0x9a: {  	s5 =	simm.s32 $_size__tile_overlayer_lowered;
	s6 =	simm.s32 $_tile_overlayer_lowered  }
0x9b: {  	s22 =	simm.s32 $0x1BFF;
	s21 =	sshll.u32 s6, $0x1;
	s3 =	sadd.s32 s4, s19  }
0x9c: {  	s7 =	simm.s32 $0x0;
	s20 =	sshll.u32 s5, $0x1;
	s5 =	sadd.s32 s21, s3  }
0x9d: {  	[timem:s7], [sflag:s22] =	dma.local [hbm:s5], s20  }
0x9e: {  	_ =	swait.ge [sflag:s22], s20  }
0x9f: {  	s4 =	ssub.s32 $0x0, s20;
	[sflag:s22] =	ssyncset.done $0x0  }
0xa0: {  	[sflag:s22] =	ssyncadd.s32 s4;
	_ =	sdelay $0x1  }
0xa1: {  	s23 =	simm.s32 $0x1B8B  }
0xa2: {  	_ =	swait.ge [sflag:s23], $0x1  }
0xa3: {  	[sflag:s23] =	ssyncset.done $0x0  }
0xa4: {  	s25 =	simm.s32 $0x1B8E;
	s24 =	sld [smem:$0x3FFE];
	[sflag:s23] =	ssyncadd.s32 $0xFFFFFFFF  }
0xa5: {  	s26 =	simm.s32 $execute0_lowered;
	[smem:$0x3FD2] =	sst s25  }
0xa6: {  	s5 =	sshll.u32 s26, $0x1;
	_ =	strace $0x80000049;
	[dreg:$0x1] =	wrdreg $0xFFFFFFFF  }
0xa7: {  	s28 =	simm.s32 $_size_execute0_lowered;
	s3 =	sadd.s32 s3, s5;
	[dreg:$0x0] =	wrdreg $0x0  }
0xa8: {  	s5 =	sshll.u32 s28, $0x1;
	[dreg:$0x2] =	wrdreg s3  }
0xa9: {  	[dreg:$0x3] =	wrdreg s5  }
0xaa: {  	[dreg:$0x4] =	wrdreg $0xC0  }
0xab: {  	_ =	task [dreg:s7], $0x5FFFF  }
0xac: {  	[dreg:$0x1] =	wrdreg $0xFFFFFFFF  }
0xad: {  	[dreg:$0x0] =	wrdreg $0x60  }
0xae: {  	[dreg:$0x2] =	wrdreg s2  }
0xaf: {  	[dreg:$0x3] =	wrdreg s24  }
0xb0: {  	[dreg:$0x4] =	wrdreg $0x0  }
0xb1: {  	[dreg:$0x5] =	wrdreg $0x9  }
0xb2: {  	_ =	task.clear_ibuf [dreg:s7], $0x6FFFF;
	_ =	strace $0x90000049  }
0xb3: {  	s29 =	simm.s32 $0x9;
	_ =	strace $0x8000004B  }
0xb4: {  	_ =	swait.ge [sflag:s29], $0x1  }
0xb5: {  	[sflag:s29] =	ssyncadd.s32 $0xFFFFFFFF  }
0xb6: {  	_ =	strace $0x9000004B  }
0xb7: {  	_ =	sfence  }
0xb8: {  	s30 =	sld [smem:$0x0];
	_ =	sdelay $0x2  }
0xb9: {  	s31 =	sshll.u32 s1, $0xD;
	s1 =	sshrl.u32 s1, $0x2  }
0xba: {  	s3 =	sand.u32 $0x4000, s31;
	s1 =	sadd.s32 s1, s30  }
0xbb: {  	s0 =	sor.u32 s3, s0;
	s1 =	sshll.u32 s1, $0x11  }
0xbc: {  	s0 =	sor.u32 s1, s0  }
0xbd: {  	s0 =	sadd.s32 $0x8F2B, s0  }
0xbe: {  	[sflag:s0] =	ssyncadd.remote.s32 $0x1  }
0xbf: {  	_ =	sfence.sel $0xFFFF  }
0xc0: {  	[dreg:$0x0] =	wrdreg $0xFFFFFFFF;
	(pc) =	sbr.abs _section_cstart, $3  }
0xc1: {  	[dreg:$0x1] =	wrdreg $0xFFFFFFFF  }
0xc2: {  	_ =	task.clear_ibuf [dreg:s7], $0x2FFFF;
	_ =	strace $0x9FFFFFFF  }
0xc3: {  	(tm) =	ssettm $0x7FFFFFFF  }
tec
execute0_lowered:
.L_overlay_start_1:
0x0: {  	(tag) =	ssettag $0x1  }
0x1: {  	s1 =	rddreg [dreg:$0x0]  }
0x2: {  	s0 =	rddreg [dreg:$0x1]  }
0x3: {  	s3 =	rddreg [dreg:$0x2];
	s5 =	srdreg.scid;
	s4 =	simm.s32 $0x0  }
0x4: {  	s2 =	stileid.u32;
	s13 =	simm.s32 $0x13900;
	s14 =	simm.s32 $0x3  }
0x5: {  	s15 =	simm.s32 $0x16080;
	s19 =	simm.s32 $0x20;
	s20 =	simm.s32 $0x18800  }
0x6: {  	s21 =	simm.s32 $0x18A00;
	s22 =	simm.s32 $0x18880;
	s23 =	simm.s32 $0x1AA00  }
0x7: {  	s24 =	simm.s32 $0x1;
	s25 =	simm.s32 $0x18900;
	s28 =	simm.s32 $0x18980  }
0x8: {  	s29 =	simm.s32 $0x0;
	s8 =	sand.u32 $0x1, s5;
	s26 =	smul.u32 $0x4E2, s2  }
0x9: {  	[smem:$0x7FF] =	sst s4;
	s9 =	smul.u32 $0x140, s2;
	s5 =	sadd.s32 $0xAA00, s0  }
0xa: {  	s16 =	sshll.u32 s2, $0x6;
	s6 =	ssub.s32 $0x2, s8;
	_ =	strace $0x8000004A  }
0xb: {  	p0 =	seq.s32 s8, $0x1;
	s17 =	sor.u32 $0x1C03, s16;
	s7 =	sshrl.u32 s6, $0x1  }
.Ltmp0:
0xc: {  	s10 =	sadd.s32 s26, s0;
	s9 =	smin.u32 s9, $0x1248;
	(pc) =	sbr.rel .LBB2_1-.Ltmp0, $4  }
0xd: {  	s26 =	simm.s32 $0x2;
	s30 =	ssub.s32 s6, s7;
	s6 =	sadd.s32 $0x5A00, s10  }
0xe: {  	s7 =	sadd.s32 $0xA00, s10;
	s31 =	sshll.u32 s9, $0x8;
	s8 =	sshll.u32 s9, $0x5  }
0xf: {  	s18 =	sadd.s32 s31, s3;
	s9 =	sadd.s32 s1, s8;
	s10 =	sadd.s32 $0x27100, s8  }
0x10: {  	v0 =	vimm.s32 $0x0;
	v1 =	vimm.s32 $0x40000000;
	s12 =	smax.u32 s30, $0x1;
	s11 =	sadd.s32 s1, s10;
	s18 =	sshrl.u32 s18, $0x3  }
.LBB2_7:
0x11: {  	[sflag:s14] =	ssyncset.done $0x0  }
0x12: {  	s0 =	sshra.s32 s30, $0x2;
	[sflag:s14] =	ssyncadd.s32 $0xFFFFE000  }
0x13: {  	v2 =	vld [tilespmem:s0+$0x16050]  }
0x14: {  	v3 =	vld [tilespmem:s0+$0x138D0];
	_ =	sdelay $0x3  }
0x15: {  	v2 =	vadd.s32 $0xFFFFEC78, v2  }
0x16: {  	[tilespmem:$0x18800] =	vst v3;
	v2 =	vmin.u32 v2, $0x1388  }
0x17: {  	[tilespmem:$0x18900] =	vst v2  }
0x18: {  	v2 =	vld [tilespmem:s0+$0x16060]  }
0x19: {  	v3 =	vld [tilespmem:s0+$0x138E0];
	_ =	sdelay $0x3  }
0x1a: {  	v2 =	vadd.s32 $0xFFFFEC78, v2  }
0x1b: {  	[tilespmem:$0x18810] =	vst v3;
	v2 =	vmin.u32 v2, $0x1388  }
0x1c: {  	[tilespmem:$0x18910] =	vst v2  }
0x1d: {  	[tilespmem:s21], [sflag:$0x1] =	stream.indirect.gather [hbm4b:s1+s19], $0x100, s20, s19, $0xb8;
	[tilespmem:$0x1CA00] =	vst v63  }
0x1e: {  	v2 =	vld [tilespmem:s0+$0x16070]  }
0x1f: {  	v3 =	vld [tilespmem:s0+$0x138F0];
	_ =	sdelay $0x3  }
0x20: {  	v2 =	vadd.s32 $0xFFFFEC78, v2  }
0x21: {  	[tilespmem:$0x18880] =	vst v3;
	v2 =	vmin.u32 v2, $0x1388  }
0x22: {  	[tilespmem:$0x18980] =	vst v2  }
0x23: {  	v2 =	vld [tilespmem:s0+$0x16080]  }
0x24: {  	v3 =	vld [tilespmem:s0+$0x13900];
	_ =	sdelay $0x3  }
0x25: {  	v2 =	vadd.s32 $0xFFFFEC78, v2  }
0x26: {  	[tilespmem:$0x18890] =	vst v3;
	v2 =	vmin.u32 v2, $0x1388  }
0x27: {  	[tilespmem:$0x18990] =	vst v2  }
0x28: {  	[tilespmem:s23], [sflag:$0x2] =	stream.indirect.gather [hbm4b:s1+s19], $0x100, s22, s19, $0xb8;
	[tilespmem:$0x1CA00] =	vst v63  }
0x29: {  	_ =	swait.ge [sflag:s24], $0x2000  }
0x2a: {  	[sflag:s24] =	ssyncset.done $0x0  }
0x2b: {  	[sflag:s24] =	ssyncadd.s32 $0xFFFFE000  }
0x2c: {  	[spmem:s3] =	stream.indirect.scatter.add.f32 [tilespmem:s21], [sflag:$0x3], $0x100, s25, s19, $0xb8;
	[tilespmem:$0x1CA00] =	vst v63  }
0x2d: {  	_ =	swait.ge [sflag:s14], $0x2000  }
0x2e: {  	[sflag:s14] =	ssyncset.done $0x0  }
0x2f: {  	[sflag:s14] =	ssyncadd.s32 $0xFFFFE000  }
0x30: {  	_ =	swait.ge [sflag:s26], $0x2000  }
0x31: {  	[sflag:s26] =	ssyncset.done $0x0  }
0x32: {  	[sflag:s26] =	ssyncadd.s32 $0xFFFFE000  }
0x33: {  	[spmem:s3] =	stream.indirect.scatter.add.f32 [tilespmem:s23], [sflag:$0x3], $0x100, s28, s19, $0xb8;
	[tilespmem:$0x1CA00] =	vst v63  }
0x34: {  	_ =	swait.ge [sflag:s14], $0x2000  }
0x35: {  	[sflag:s14] =	ssyncset.done $0x0  }
0x36: {  	s30 =	smov.u32 s17;
	s0 =	smov.u32 s10;
	[sflag:s14] =	ssyncadd.s32 $0xFFFFE000  }
.LBB2_8:
0x37: {  	s0 =	sadd.s32 s5, s0;
	[bflag:$0x0] =	sbarrier.arrive $0xFFFF;
	s29 =	sadd.s32 $0x1, s29  }
0x38: {  	[hbm:s0], [sflag:s30] =	dma.local [spmem:s18], $0x2800  }
0x39: {  	p1 =	sne.s32 s29, s12  }
.Ltmp1:
0x3a: {  	_ =	swait.ge [sflag:s14], $0x2800;
	(pc) =	sbr.rel @!p1 .LBB2_9-.Ltmp1, $3  }
0x3b: {  	[sflag:s14] =	ssyncset.done $0x0  }
0x3c: {  	[sflag:s14] =	ssyncadd.s32 $0xFFFFD800  }
0x3d: {  	[bflag:$0x0] =	sbarrier.arrive $0xFFFF;
	_ =	sdelay $0x1  }
.LBB2_1:
0x3e: {  	[tilespmem:s13], [sflag:$0x3] =	stream.linear.gather [hbm4b:s6+s4], $0x2710, $0x38;
	[tilespmem:$0x1CA00] =	vst v63  }
0x3f: {  	_ =	swait.ge [sflag:s14], $0x2710  }
0x40: {  	[sflag:s14] =	ssyncset.done $0x0  }
0x41: {  	[sflag:s14] =	ssyncadd.s32 $0xFFFFD8F0  }
0x42: {  	[tilespmem:s15], [sflag:$0x3] =	stream.linear.gather [hbm4b:s7+s4], $0x2710, $0x38;
	[tilespmem:$0x1CA00] =	vst v63  }
0x43: {  	_ =	swait.ge [sflag:s14], $0x2710  }
0x44: {  	[sflag:s14] =	ssyncset.done $0x0  }
0x45: {  	[sflag:s14] =	ssyncadd.s32 $0xFFFFD8F0  }
0x46: {  	[tilespmem:$0x16010] =	vst v0  }
.Ltmp2:
0x47: {  	[tilespmem:$0x18790] =	vst v1;
	(pc) =	sbr.rel @!p0 .LBB2_2-.Ltmp2, $4  }
0x48: {  	[tilespmem:$0x16020] =	vst v0  }
0x49: {  	[tilespmem:$0x187A0] =	vst v1  }
0x4a: {  	[tilespmem:$0x16030] =	vst v0  }
0x4b: {  	[tilespmem:$0x187B0] =	vst v1  }
0x4c: {  	[spmem:s18], [sflag:s17] =	dma.local [hbm:s11], $0x2800  }
0x4d: {  	_ =	swait.ge [sflag:s14], $0x2800  }
0x4e: {  	[sflag:s14] =	ssyncset.done $0x0  }
0x4f: {  	[sflag:s14] =	ssyncadd.s32 $0xFFFFD800  }
0x50: {  	s0 =	simm.s32 $0x30;
	[bflag:$0x0] =	sbarrier.arrive $0xFFFF  }
0x51: {  	v2 =	vld [tilespmem:s0+$0x16050]  }
0x52: {  	v3 =	vld [tilespmem:s0+$0x138D0];
	_ =	sdelay $0x3  }
0x53: {  	v2 =	vadd.s32 $0xFFFFEC78, v2  }
0x54: {  	[tilespmem:$0x18800] =	vst v3;
	v2 =	vmin.u32 v2, $0x1388  }
0x55: {  	[tilespmem:$0x18900] =	vst v2  }
0x56: {  	v2 =	vld [tilespmem:s0+$0x16060]  }
0x57: {  	v3 =	vld [tilespmem:s0+$0x138E0];
	_ =	sdelay $0x3  }
0x58: {  	v2 =	vadd.s32 $0xFFFFEC78, v2  }
0x59: {  	[tilespmem:$0x18810] =	vst v3;
	v2 =	vmin.u32 v2, $0x1388  }
0x5a: {  	[tilespmem:$0x18910] =	vst v2  }
0x5b: {  	[tilespmem:s21], [sflag:$0x1] =	stream.indirect.gather [hbm4b:s1+s19], $0x100, s20, s19, $0xb8;
	[tilespmem:$0x1CA00] =	vst v63  }
0x5c: {  	v2 =	vld [tilespmem:s0+$0x16070]  }
0x5d: {  	v3 =	vld [tilespmem:s0+$0x138F0];
	_ =	sdelay $0x3  }
0x5e: {  	v2 =	vadd.s32 $0xFFFFEC78, v2  }
0x5f: {  	[tilespmem:$0x18880] =	vst v3;
	v2 =	vmin.u32 v2, $0x1388  }
0x60: {  	[tilespmem:$0x18980] =	vst v2  }
0x61: {  	v2 =	vld [tilespmem:s0+$0x16080]  }
0x62: {  	v3 =	vld [tilespmem:s0+$0x13900];
	_ =	sdelay $0x3  }
0x63: {  	v2 =	vadd.s32 $0xFFFFEC78, v2  }
0x64: {  	[tilespmem:$0x18890] =	vst v3;
	v2 =	vmin.u32 v2, $0x1388  }
0x65: {  	[tilespmem:$0x18990] =	vst v2  }
0x66: {  	[tilespmem:s23], [sflag:$0x2] =	stream.indirect.gather [hbm4b:s1+s19], $0x100, s22, s19, $0xb8;
	[tilespmem:$0x1CA00] =	vst v63  }
0x67: {  	_ =	swait.ge [sflag:s24], $0x2000  }
0x68: {  	[sflag:s24] =	ssyncset.done $0x0  }
0x69: {  	[sflag:s24] =	ssyncadd.s32 $0xFFFFE000  }
0x6a: {  	[spmem:s3] =	stream.indirect.scatter.add.f32 [tilespmem:s21], [sflag:$0x3], $0x100, s25, s19, $0xb8;
	[tilespmem:$0x1CA00] =	vst v63  }
0x6b: {  	_ =	swait.ge [sflag:s14], $0x2000  }
0x6c: {  	[sflag:s14] =	ssyncset.done $0x0  }
0x6d: {  	[sflag:s14] =	ssyncadd.s32 $0xFFFFE000  }
0x6e: {  	_ =	swait.ge [sflag:s26], $0x2000  }
0x6f: {  	[sflag:s26] =	ssyncset.done $0x0  }
0x70: {  	[sflag:s26] =	ssyncadd.s32 $0xFFFFE000  }
0x71: {  	[spmem:s3] =	stream.indirect.scatter.add.f32 [tilespmem:s23], [sflag:$0x3], $0x100, s28, s19, $0xb8;
	[tilespmem:$0x1CA00] =	vst v63  }
0x72: {  	s30 =	simm.s32 $0x1C0;
	s31 =	simm.s32 $0x2C0;
	_ =	swait.ge [sflag:s14], $0x2000  }
.LBB2_6:
0x73: {  	s2 =	sshra.s32 s30, $0x2  }
0x74: {  	[sflag:s14] =	ssyncset.done $0x0;
	s30 =	smov.u32 s31;
	s0 =	sadd.s32 $0x100, s31  }
0x75: {  	p1 =	sne.s32 s31, $0x9CC0;
	[sflag:s14] =	ssyncadd.s32 $0xFFFFE000  }
0x76: {  	v2 =	vld [tilespmem:s2+$0x16050]  }
0x77: {  	v3 =	vld [tilespmem:s2+$0x138D0];
	_ =	sdelay $0x3  }
0x78: {  	v2 =	vadd.s32 $0xFFFFEC78, v2  }
0x79: {  	v2 =	vmin.u32 v2, $0x1388;
	[tilespmem:$0x18800] =	vst v3  }
0x7a: {  	[tilespmem:$0x18900] =	vst v2  }
0x7b: {  	v2 =	vld [tilespmem:s2+$0x16060]  }
0x7c: {  	v3 =	vld [tilespmem:s2+$0x138E0];
	_ =	sdelay $0x3  }
0x7d: {  	v2 =	vadd.s32 $0xFFFFEC78, v2  }
0x7e: {  	v2 =	vmin.u32 v2, $0x1388;
	[tilespmem:$0x18810] =	vst v3  }
0x7f: {  	[tilespmem:$0x18910] =	vst v2  }
0x80: {  	[tilespmem:s21], [sflag:$0x1] =	stream.indirect.gather [hbm4b:s1+s19], $0x100, s20, s19, $0xb8;
	[tilespmem:$0x1CA00] =	vst v63  }
0x81: {  	v2 =	vld [tilespmem:s2+$0x16070]  }
0x82: {  	v3 =	vld [tilespmem:s2+$0x138F0];
	_ =	sdelay $0x3  }
0x83: {  	v2 =	vadd.s32 $0xFFFFEC78, v2  }
0x84: {  	v2 =	vmin.u32 v2, $0x1388;
	[tilespmem:$0x18880] =	vst v3  }
0x85: {  	[tilespmem:$0x18980] =	vst v2  }
0x86: {  	v2 =	vld [tilespmem:s2+$0x16080]  }
0x87: {  	v3 =	vld [tilespmem:s2+$0x13900];
	_ =	sdelay $0x3  }
0x88: {  	v2 =	vadd.s32 $0xFFFFEC78, v2  }
0x89: {  	v2 =	vmin.u32 v2, $0x1388;
	[tilespmem:$0x18890] =	vst v3  }
0x8a: {  	[tilespmem:$0x18990] =	vst v2  }
0x8b: {  	[tilespmem:s23], [sflag:$0x2] =	stream.indirect.gather [hbm4b:s1+s19], $0x100, s22, s19, $0xb8;
	[tilespmem:$0x1CA00] =	vst v63  }
0x8c: {  	_ =	swait.ge [sflag:s24], $0x2000  }
0x8d: {  	[sflag:s24] =	ssyncset.done $0x0  }
0x8e: {  	[sflag:s24] =	ssyncadd.s32 $0xFFFFE000  }
0x8f: {  	[spmem:s3] =	stream.indirect.scatter.add.f32 [tilespmem:s21], [sflag:$0x3], $0x100, s25, s19, $0xb8;
	[tilespmem:$0x1CA00] =	vst v63  }
0x90: {  	_ =	swait.ge [sflag:s14], $0x2000  }
0x91: {  	[sflag:s14] =	ssyncset.done $0x0  }
0x92: {  	[sflag:s14] =	ssyncadd.s32 $0xFFFFE000  }
.Ltmp3:
0x93: {  	_ =	swait.ge [sflag:s26], $0x2000;
	(pc) =	sbr.rel @p1 .LBB2_6-.Ltmp3, $4  }
0x94: {  	[sflag:s26] =	ssyncset.done $0x0  }
0x95: {  	[sflag:s26] =	ssyncadd.s32 $0xFFFFE000  }
0x96: {  	[spmem:s3] =	stream.indirect.scatter.add.f32 [tilespmem:s23], [sflag:$0x3], $0x100, s28, s19, $0xb8;
	[tilespmem:$0x1CA00] =	vst v63  }
0x97: {  	s31 =	smov.u32 s0;
	_ =	swait.ge [sflag:s14], $0x2000  }
.Ltmp4:
0x98: {  	_ = 	snop;
	(pc) =	sbr.rel .LBB2_7-.Ltmp4, $1  }
0x99: {  	_ =	sdelay $0x3  }
.LBB2_2:
0x9a: {  	s30 =	sor.u32 $0x1C03, s16  }
0x9b: {  	[spmem:s18], [sflag:s30] =	dma.local [hbm:s9], $0x2800  }
0x9c: {  	_ =	swait.ge [sflag:s14], $0x2800  }
0x9d: {  	[sflag:s14] =	ssyncset.done $0x0  }
0x9e: {  	[sflag:s14] =	ssyncadd.s32 $0xFFFFD800  }
0x9f: {  	s0 =	simm.s32 $0x30;
	[bflag:$0x0] =	sbarrier.arrive $0xFFFF  }
0xa0: {  	v2 =	vld [tilespmem:s0+$0x16050]  }
0xa1: {  	v3 =	vld [tilespmem:s0+$0x138D0];
	_ =	sdelay $0x4  }
0xa2: {  	v2 =	vmin.u32 v2, $0x1388;
	[tilespmem:$0x18800] =	vst v3  }
0xa3: {  	[tilespmem:$0x18900] =	vst v2  }
0xa4: {  	v2 =	vld [tilespmem:s0+$0x16060]  }
0xa5: {  	v3 =	vld [tilespmem:s0+$0x138E0];
	_ =	sdelay $0x4  }
0xa6: {  	v2 =	vmin.u32 v2, $0x1388;
	[tilespmem:$0x18810] =	vst v3  }
0xa7: {  	[tilespmem:$0x18910] =	vst v2  }
0xa8: {  	[tilespmem:s21], [sflag:$0x1] =	stream.indirect.gather [hbm4b:s1+s19], $0x100, s20, s19, $0xb8;
	[tilespmem:$0x1CA00] =	vst v63  }
0xa9: {  	v2 =	vld [tilespmem:s0+$0x16070]  }
0xaa: {  	v3 =	vld [tilespmem:s0+$0x138F0];
	_ =	sdelay $0x4  }
0xab: {  	v2 =	vmin.u32 v2, $0x1388;
	[tilespmem:$0x18880] =	vst v3  }
0xac: {  	[tilespmem:$0x18980] =	vst v2  }
0xad: {  	v2 =	vld [tilespmem:s0+$0x16080]  }
0xae: {  	v3 =	vld [tilespmem:s0+$0x13900];
	_ =	sdelay $0x4  }
0xaf: {  	v2 =	vmin.u32 v2, $0x1388;
	[tilespmem:$0x18890] =	vst v3  }
0xb0: {  	[tilespmem:$0x18990] =	vst v2  }
0xb1: {  	[tilespmem:s23], [sflag:$0x2] =	stream.indirect.gather [hbm4b:s1+s19], $0x100, s22, s19, $0xb8;
	[tilespmem:$0x1CA00] =	vst v63  }
0xb2: {  	_ =	swait.ge [sflag:s24], $0x2000  }
0xb3: {  	[sflag:s24] =	ssyncset.done $0x0  }
0xb4: {  	[sflag:s24] =	ssyncadd.s32 $0xFFFFE000  }
0xb5: {  	[spmem:s3] =	stream.indirect.scatter.add.f32 [tilespmem:s21], [sflag:$0x3], $0x100, s25, s19, $0xb8;
	[tilespmem:$0x1CA00] =	vst v63  }
0xb6: {  	_ =	swait.ge [sflag:s14], $0x2000  }
0xb7: {  	[sflag:s14] =	ssyncset.done $0x0  }
0xb8: {  	[sflag:s14] =	ssyncadd.s32 $0xFFFFE000  }
0xb9: {  	_ =	swait.ge [sflag:s26], $0x2000  }
0xba: {  	s31 =	simm.s32 $0x1C0;
	[sflag:s26] =	ssyncset.done $0x0  }
.LBB2_3:
0xbb: {  	p1 =	seq.s32 s31, $0x9CC0  }
0xbc: {  	[sflag:s26] =	ssyncadd.s32 $0xFFFFE000;
	s0 =	smov.u32 s31;
	s31 =	sadd.s32 $0x100, s31  }
0xbd: {  	[spmem:s3] =	stream.indirect.scatter.add.f32 [tilespmem:s23], [sflag:$0x3], $0x100, s28, s19, $0xb8;
	[tilespmem:$0x1CA00] =	vst v63  }
0xbe: {  	_ =	swait.ge [sflag:s14], $0x2000  }
0xbf: {  	[sflag:s14] =	ssyncset.done $0x0  }
0xc0: {  	s0 =	sshra.s32 s0, $0x2;
	[sflag:s14] =	ssyncadd.s32 $0xFFFFE000  }
0xc1: {  	v2 =	vld [tilespmem:s0+$0x16050]  }
0xc2: {  	v3 =	vld [tilespmem:s0+$0x138D0];
	_ =	sdelay $0x3  }
0xc3: {  	v2 =	vmin.u32 v2, $0x1388  }
0xc4: {  	[tilespmem:$0x18900] =	vst v2  }
0xc5: {  	[tilespmem:$0x18800] =	vst v3  }
0xc6: {  	v2 =	vld [tilespmem:s0+$0x16060]  }
0xc7: {  	v3 =	vld [tilespmem:s0+$0x138E0];
	_ =	sdelay $0x3  }
0xc8: {  	v2 =	vmin.u32 v2, $0x1388  }
0xc9: {  	[tilespmem:$0x18910] =	vst v2  }
0xca: {  	[tilespmem:$0x18810] =	vst v3  }
0xcb: {  	[tilespmem:s21], [sflag:$0x1] =	stream.indirect.gather [hbm4b:s1+s19], $0x100, s20, s19, $0xb8;
	[tilespmem:$0x1CA00] =	vst v63  }
0xcc: {  	v2 =	vld [tilespmem:s0+$0x16070]  }
0xcd: {  	v3 =	vld [tilespmem:s0+$0x138F0];
	_ =	sdelay $0x3  }
0xce: {  	v2 =	vmin.u32 v2, $0x1388  }
0xcf: {  	[tilespmem:$0x18980] =	vst v2  }
0xd0: {  	[tilespmem:$0x18880] =	vst v3  }
0xd1: {  	v2 =	vld [tilespmem:s0+$0x16080]  }
0xd2: {  	v3 =	vld [tilespmem:s0+$0x13900];
	_ =	sdelay $0x3  }
0xd3: {  	v2 =	vmin.u32 v2, $0x1388  }
0xd4: {  	[tilespmem:$0x18990] =	vst v2  }
0xd5: {  	[tilespmem:$0x18890] =	vst v3  }
0xd6: {  	[tilespmem:s23], [sflag:$0x2] =	stream.indirect.gather [hbm4b:s1+s19], $0x100, s22, s19, $0xb8;
	[tilespmem:$0x1CA00] =	vst v63  }
0xd7: {  	_ =	swait.ge [sflag:s24], $0x2000  }
0xd8: {  	[sflag:s24] =	ssyncset.done $0x0  }
0xd9: {  	[sflag:s24] =	ssyncadd.s32 $0xFFFFE000  }
0xda: {  	[spmem:s3] =	stream.indirect.scatter.add.f32 [tilespmem:s21], [sflag:$0x3], $0x100, s25, s19, $0xb8;
	[tilespmem:$0x1CA00] =	vst v63  }
.Ltmp5:
0xdb: {  	_ =	swait.ge [sflag:s14], $0x2000;
	(pc) =	sbr.rel @!p1 .LBB2_3-.Ltmp5, $4  }
0xdc: {  	[sflag:s14] =	ssyncset.done $0x0  }
0xdd: {  	[sflag:s14] =	ssyncadd.s32 $0xFFFFE000  }
0xde: {  	_ =	swait.ge [sflag:s26], $0x2000  }
0xdf: {  	[sflag:s26] =	ssyncset.done $0x0  }
.Ltmp6:
0xe0: {  	[sflag:s26] =	ssyncadd.s32 $0xFFFFE000;
	(pc) =	sbr.rel .LBB2_8-.Ltmp6, $4  }
0xe1: {  	[spmem:s3] =	stream.indirect.scatter.add.f32 [tilespmem:s23], [sflag:$0x3], $0x100, s28, s19, $0xb8;
	[tilespmem:$0x1CA00] =	vst v63  }
0xe2: {  	_ =	swait.ge [sflag:s14], $0x2000  }
0xe3: {  	[sflag:s14] =	ssyncset.done $0x0  }
0xe4: {  	s0 =	smov.u32 s8;
	[sflag:s14] =	ssyncadd.s32 $0xFFFFE000  }
.LBB2_9:
0xe5: {  	_ =	sfence.sel $0x180000  }
0xe6: {  	[bflag:$0x0] =	sbarrier.arrive $0xFFFF  }
0xe7: {  	_ =	strace $0x9000004A  }
0xe8: {  	s0 =	stileid.u32;
	[bflag:$0x2] =	sbarrier.arrive $0xFFFF  }
0xe9: {  	p0 =	sne.s32 s0, $0x0;
	s0 =	rddreg [dreg:$0x3]  }
0xea: {  	s0 =	sadd.s32 @!p0 $0x100000, s0  }
0xeb: {  	[sflag:s0] =	ssyncadd.tile.s32 @!p0 $0x1;
	_ =	shalt  }
.Lfunc_end2:
_tile_overlayer_lowered:
.L_overlay_start_2:
0xec: {  	(tag) =	ssettag $0x2  }
0xed: {  	s0 =	rddreg [dreg:$0x0];
	s2 =	stileid.u32  }
0xee: {  	s1 =	rddreg [dreg:$0x1];
	p0 =	sne.s32 s2, $0x0  }
0xef: {  	s3 =	rddreg [dreg:$0x2];
	[bflag:$0x3] =	sbarrier.arrive $0xFFFF;
	s2 =	simm.s32 @!p0 $0x1C03  }
0xf0: {  	[timem:s3], [sflag:s2] =	dma.local @!p0 [hbm:s0], s1  }
0xf1: {  	s0 =	simm.s32 @!p0 $0x3  }
0xf2: {  	_ =	swait.ge @!p0 [sflag:s0], s1  }
0xf3: {  	s1 =	ssub.s32 @!p0 $0x0, s1;
	[sflag:s0] =	ssyncset.done @!p0 $0x0  }
0xf4: {  	[sflag:s0] =	ssyncadd.s32 @!p0 s1  }
0xf5: {  	[bflag:$0x3] =	sbarrier.arrive $0xFFFF  }
0xf6: {  	_ =	shalt  }

// kernel: kernel.7.cloned.1.call-start
scs
__scs_entry_jumppad:
0x0: {  	(pc) =	sbr.rel $0x88, $3  }
0x1: {  	(tag) =	ssettag $0x0;
	lr =	simm.s32 $0x1  }
0x2: {  	[smem:$0x3F9B] =	sst lr;
	_ =	strace $0xD0000000  }
0x3: {  	_ = 	snop  }
0x4: {  	_ = 	snop  }
0x5: {  	_ = 	snop  }
0x6: {  	_ = 	snop  }
0x7: {  	_ = 	snop  }
__scs_overlays_trampoline_lowered:
0x8: {  	[smem:$0x3FAA] =	sst s0  }
0x9: {  	[smem:$0x3FAB] =	sst s1  }
0xa: {  	[smem:$0x3FAC] =	sst s2  }
0xb: {  	[smem:$0x3FAD] =	sst s3  }
0xc: {  	[smem:$0x3FAE] =	sst s4  }
0xd: {  	[smem:$0x3FAF] =	sst s5  }
0xe: {  	[smem:$0x3FB0] =	sst s6  }
0xf: {  	[smem:$0x3FB1] =	sst s7  }
0x10: {  	[smem:$0x3FB2] =	sst s8  }
0x11: {  	[smem:$0x3FB3] =	sst s9;
	s0 =	simm.s32 @!p0 $0x0  }
0x12: {  	s1 =	sld [smem:$0x3F99];
	s0 =	simm.s32 @p0 $0x1  }
0x13: {  	[smem:$0x3FB4] =	sst s0;
	s0 =	simm.s32 @!p1 $0x0  }
0x14: {  	s2 =	sld [smem:$0x3F98];
	s0 =	simm.s32 @p1 $0x1  }
0x15: {  	[smem:$0x3FB5] =	sst s0;
	s0 =	simm.s32 @!p2 $0x0  }
0x16: {  	s3 =	sld [smem:$0x3FDB];
	s0 =	simm.s32 @p2 $0x1  }
0x17: {  	s4 =	simm.s32 $0x1BF5;
	[smem:$0x3FB7] =	sst s0  }
0x18: {  	s0 =	sld [smem:$0x3F9A];
	_ =	swait.ge [sflag:s4], $0x0  }
0x19: {  	s7 =	sld [smem:$0x3F9B]  }
0x1a: {  	s8 =	sadd.s32 $0xFFFFE003, lr  }
0x1b: {  	s9 =	sadd.s32 $0xFFFFFEF7, lr;
	s5 =	simm.s32 $0xFFFFFFFF;
	p2 =	slt.u32 s8, $0xFFFFF086  }
0x1c: {  	p1 =	slt.u32 s9, $0xF7A;
	s5 =	simm.s32 @!p2 $0x0  }
0x1d: {  	s5 =	simm.s32 @p1 $0x1;
	p0 =	seq.s32 s7, s2  }
0x1e: {  	s7 =	smul.u32 @!p0 $0xF7A, s2;
	p2 =	seq.s32 @!p0 s5, $0x0  }
0x1f: {  	s9 =	smul.u32 $0xF7A, s1;
	s8 =	simm.s32 @!p0 $0x1BF5;
	p2 =	por !p2, p0  }
0x20: {  	[sflag:s8] =	ssyncset.s32 @!p0 $0xFFFFF086;
	s6 =	sadd.s32 @!p0 s3, s7;
	s7 =	simm.s32 @!p0 $0x108  }
0x21: {  	s3 =	sadd.s32 s3, s9;
	s6 =	sadd.s32 @!p0 $0x88, s6;
	s7 =	simm.s32 @p2 $0x1082  }
0x22: {  	[simem:s7], [sflag:s8] =	dma.local @!p0 [hbm:s6], $0xF7A  }
0x23: {  	s9 =	sor.u32 $0xD0000000, s2;
	s6 =	simm.s32 $0x108;
	_ =	swait.ge @!p0 [sflag:s8], $0x0  }
0x24: {  	s3 =	sadd.s32 $0x88, s3;
	s6 =	simm.s32 @!p1 $0x1082;
	[sflag:s4] =	ssyncset.s32 $0xFFFFF086  }
0x25: {  	[simem:s6], [sflag:s4] =	dma.local [hbm:s3], $0xF7A  }
0x26: {  	[smem:$0x3F9B] =	sst s1;
	(tag) =	ssettag s2;
	_ =	strace s9  }
0x27: {  	s1 =	sld [smem:$0x3FAB]  }
0x28: {  	s2 =	sld [smem:$0x3FAC]  }
0x29: {  	s4 =	sld [smem:$0x3FAE]  }
0x2a: {  	p0 =	seq.s32 s5, $0x0;
	s5 =	sld [smem:$0x3FAF]  }
0x2b: {  	s6 =	sld [smem:$0x3FB0]  }
0x2c: {  	s7 =	sld [smem:$0x3FB1]  }
0x2d: {  	s3 =	simm.s32 $0x108;
	s8 =	sld [smem:$0x3FB2]  }
0x2e: {  	s3 =	simm.s32 @!p0 $0x1082;
	s9 =	sld [smem:$0x3FB3]  }
0x2f: {  	lr =	sadd.s32 s0, s3;
	s0 =	sld [smem:$0x3FAA]  }
0x30: {  	s3 =	sld [smem:$0x3FAD]  }
0x31: {  	[smem:$0x3FB6] =	sst s10  }
0x32: {  	s10 =	sld [smem:$0x3FB4];
	_ =	sdelay $0x3  }
0x33: {  	p0 =	seq.s32 s10, $0x1;
	s10 =	sld [smem:$0x3FB6];
	_ =	sdelay $0x3  }
0x34: {  	[smem:$0x3FB6] =	sst s10  }
0x35: {  	s10 =	sld [smem:$0x3FB5];
	_ =	sdelay $0x3  }
0x36: {  	p1 =	seq.s32 s10, $0x1;
	s10 =	sld [smem:$0x3FB6];
	_ =	sdelay $0x3  }
0x37: {  	[smem:$0x3FB6] =	sst s10  }
0x38: {  	s10 =	sld [smem:$0x3FB7]  }
0x39: {  	_ = 	snop;
	(pc) =	sbr.ind lr, $3  }
0x3a: {  	_ = 	snop  }
0x3b: {  	_ = 	snop  }
0x3c: {  	p2 =	seq.s32 s10, $0x1;
	s10 =	sld [smem:$0x3FB6]  }
0x3d: {  	_ =	shalt  }
0x3e: {  	_ =	shalt  }
0x3f: {  	_ =	shalt  }
0x40: {  	_ =	shalt  }
0x41: {  	_ =	shalt  }
0x42: {  	_ =	shalt  }
0x43: {  	_ =	shalt  }
0x44: {  	_ =	shalt  }
0x45: {  	_ =	shalt  }
0x46: {  	_ =	shalt  }
0x47: {  	_ =	shalt  }
0x48: {  	_ =	shalt  }
0x49: {  	_ =	shalt  }
0x4a: {  	_ =	shalt  }
0x4b: {  	_ =	shalt  }
0x4c: {  	_ =	shalt  }
0x4d: {  	_ =	shalt  }
0x4e: {  	_ =	shalt  }
0x4f: {  	_ =	shalt  }
0x50: {  	_ =	shalt  }
0x51: {  	_ =	shalt  }
0x52: {  	_ =	shalt  }
0x53: {  	_ =	shalt  }
0x54: {  	_ =	shalt  }
0x55: {  	_ =	shalt  }
0x56: {  	_ =	shalt  }
0x57: {  	_ =	shalt  }
0x58: {  	_ =	shalt  }
0x59: {  	_ =	shalt  }
0x5a: {  	_ =	shalt  }
0x5b: {  	_ =	shalt  }
0x5c: {  	_ =	shalt  }
0x5d: {  	_ =	shalt  }
0x5e: {  	_ =	shalt  }
0x5f: {  	_ =	shalt  }
0x60: {  	_ =	shalt  }
0x61: {  	_ =	shalt  }
0x62: {  	_ =	shalt  }
0x63: {  	_ =	shalt  }
0x64: {  	_ =	shalt  }
0x65: {  	_ =	shalt  }
0x66: {  	_ =	shalt  }
0x67: {  	_ =	shalt  }
0x68: {  	_ =	shalt  }
0x69: {  	_ =	shalt  }
0x6a: {  	_ =	shalt  }
0x6b: {  	_ =	shalt  }
0x6c: {  	_ =	shalt  }
0x6d: {  	_ =	shalt  }
0x6e: {  	_ =	shalt  }
0x6f: {  	_ =	shalt  }
0x70: {  	_ =	shalt  }
0x71: {  	_ =	shalt  }
0x72: {  	_ =	shalt  }
0x73: {  	_ =	shalt  }
0x74: {  	_ =	shalt  }
0x75: {  	_ =	shalt  }
0x76: {  	_ =	shalt  }
0x77: {  	_ =	shalt  }
0x78: {  	_ =	shalt  }
0x79: {  	_ =	shalt  }
0x7a: {  	_ =	shalt  }
0x7b: {  	_ =	shalt  }
0x7c: {  	_ =	shalt  }
0x7d: {  	_ =	shalt  }
0x7e: {  	_ =	shalt  }
0x7f: {  	_ =	shalt  }
0x80: {  	_ =	shalt  }
0x81: {  	_ =	shalt  }
0x82: {  	_ =	shalt  }
0x83: {  	_ =	shalt  }
0x84: {  	_ =	shalt  }
0x85: {  	_ =	shalt  }
0x86: {  	_ =	shalt  }
0x87: {  	_ =	shalt  }
.Lfunc_end0:
.L_simem_size_0:
called_computation_lowered:
.L_overlay_start_0:
0x88: {  	s2 =	sld [smem:$0x3FD9]  }
0x89: {  	s3 =	sld [smem:$0x3FFE];
	_ =	sdelay $0x1  }
0x8a: {  	s1 =	srdreg.scid  }
0x8b: {  	s0 =	sand.u32 $0x1, s1  }
0x8c: {  	s16 =	sshll.u32 s0, $0xA;
	s2 =	sadd.s32 s3, s2  }
0x8d: {  	s2 =	sadd.s32 s2, s16  }
0x8e: {  	[smem:$0x3FC2] =	sst s2  }
0x8f: {  	_ = 	snop  }
0x90: {  	(tm) =	ssettm $0x1  }
0x91: {  	s17 =	sld [smem:$0x3FFB];
	_ =	sdelay $0x3  }
0x92: {  	_ =	strace s17  }
0x93: {  	s2 =	sld [smem:$0x3FFC];
	_ =	sdelay $0x3  }
0x94: {  	_ =	strace s2  }
0x95: {  	s2 =	sld [smem:$0x3FFD];
	_ =	sdelay $0x3  }
0x96: {  	_ =	strace s2  }
0x97: {  	_ =	strace $0x8FFFFFFF  }
0x98: {  	s18 =	sld [smem:$0x3FDB];
	_ =	sdelay $0x1  }
0x99: {  	s19 =	simm.s32 $_scs_section_size  }
0x9a: {  	s4 =	simm.s32 $_size__tile_overlayer_lowered;
	s5 =	simm.s32 $_tile_overlayer_lowered  }
0x9b: {  	s22 =	simm.s32 $0x1BFF;
	s21 =	sshll.u32 s5, $0x1;
	s2 =	sadd.s32 s19, s18  }
0x9c: {  	s6 =	simm.s32 $0x0;
	s20 =	sshll.u32 s4, $0x1;
	s4 =	sadd.s32 s21, s2  }
0x9d: {  	[timem:s6], [sflag:s22] =	dma.local [hbm:s4], s20  }
0x9e: {  	_ =	swait.ge [sflag:s22], s20  }
0x9f: {  	s3 =	ssub.s32 $0x0, s20;
	[sflag:s22] =	ssyncset.done $0x0  }
0xa0: {  	[sflag:s22] =	ssyncadd.s32 s3;
	_ =	sdelay $0x1  }
0xa1: {  	s23 =	simm.s32 $0x1B8B  }
0xa2: {  	_ =	swait.ge [sflag:s23], $0x1  }
0xa3: {  	[sflag:s23] =	ssyncset.done $0x0  }
0xa4: {  	s25 =	simm.s32 $0x1B8E;
	s24 =	sld [smem:$0x3FFE];
	[sflag:s23] =	ssyncadd.s32 $0xFFFFFFFF  }
0xa5: {  	s26 =	simm.s32 $execute0_lowered;
	[smem:$0x3FD2] =	sst s25  }
0xa6: {  	s4 =	sshll.u32 s26, $0x1;
	_ =	strace $0x80000046;
	[dreg:$0x1] =	wrdreg $0xFFFFFFFF  }
0xa7: {  	s28 =	simm.s32 $_size_execute0_lowered;
	s2 =	sadd.s32 s2, s4;
	[dreg:$0x0] =	wrdreg $0x0  }
0xa8: {  	s4 =	sshll.u32 s28, $0x1;
	[dreg:$0x2] =	wrdreg s2  }
0xa9: {  	[dreg:$0x3] =	wrdreg s4  }
0xaa: {  	[dreg:$0x4] =	wrdreg $0xC0  }
0xab: {  	_ =	task [dreg:s6], $0x5FFFF  }
0xac: {  	[dreg:$0x1] =	wrdreg $0xFFFFFFFF  }
0xad: {  	[dreg:$0x0] =	wrdreg $0x60  }
0xae: {  	[dreg:$0x2] =	wrdreg s24  }
0xaf: {  	[dreg:$0x3] =	wrdreg $0x0  }
0xb0: {  	[dreg:$0x4] =	wrdreg $0x9  }
0xb1: {  	_ =	task.clear_ibuf [dreg:s6], $0x5FFFF;
	_ =	strace $0x90000046  }
0xb2: {  	s29 =	simm.s32 $0x9;
	_ =	strace $0x80000048  }
0xb3: {  	_ =	swait.ge [sflag:s29], $0x1  }
0xb4: {  	[sflag:s29] =	ssyncadd.s32 $0xFFFFFFFF  }
0xb5: {  	_ =	strace $0x90000048  }
0xb6: {  	_ =	sfence  }
0xb7: {  	s30 =	sld [smem:$0x0];
	_ =	sdelay $0x2  }
0xb8: {  	s31 =	sshll.u32 s1, $0xD;
	s1 =	sshrl.u32 s1, $0x2  }
0xb9: {  	s3 =	sand.u32 $0x4000, s31;
	s1 =	sadd.s32 s1, s30  }
0xba: {  	s0 =	sor.u32 s3, s0;
	s1 =	sshll.u32 s1, $0x11  }
0xbb: {  	s0 =	sor.u32 s1, s0  }
0xbc: {  	s0 =	sadd.s32 $0x8F2B, s0  }
0xbd: {  	[sflag:s0] =	ssyncadd.remote.s32 $0x1  }
0xbe: {  	_ =	sfence.sel $0xFFFF  }
0xbf: {  	[dreg:$0x0] =	wrdreg $0xFFFFFFFF;
	(pc) =	sbr.abs _section_cstart, $3  }
0xc0: {  	[dreg:$0x1] =	wrdreg $0xFFFFFFFF  }
0xc1: {  	_ =	task.clear_ibuf [dreg:s6], $0x2FFFF;
	_ =	strace $0x9FFFFFFF  }
0xc2: {  	(tm) =	ssettm $0x7FFFFFFF  }
0xc3: {  	_ =	shalt  }
tec
execute0_lowered:
.L_overlay_start_1:
0x0: {  	(tag) =	ssettag $0x1  }
0x1: {  	s0 =	rddreg [dreg:$0x0]  }
0x2: {  	s2 =	rddreg [dreg:$0x1];
	s3 =	simm.s32 $0x0;
	s1 =	stileid.u32  }
0x3: {  	s4 =	srdreg.scid;
	s20 =	simm.s32 $0x3;
	s28 =	simm.s32 $0x1  }
0x4: {  	s29 =	simm.s32 $0x1BE00;
	s30 =	simm.s32 $0x2;
	s5 =	smul.u32 $0x4E2, s1  }
0x5: {  	s31 =	simm.s32 $0x1BE80;
	[smem:$0x7FF] =	sst s3;
	s9 =	smul.u32 $0xB8, s1  }
0x6: {  	s8 =	sand.u32 $0x1, s4;
	s4 =	sadd.s32 $0xA6E00, s0;
	s10 =	smul.u32 $0x88, s1  }
0x7: {  	_ =	strace $0x80000047;
	s6 =	ssub.s32 $0x2, s8;
	p0 =	seq.s32 s8, $0x1  }
0x8: {  	s7 =	sadd.s32 s5, s0;
	s5 =	sadd.s32 $0xAA00, s0;
	s21 =	sshrl.u32 s6, $0x1  }
0x9: {  	s22 =	smin.u32 s9, $0xAB0;
	s10 =	smin.u32 s10, $0x798;
	s0 =	ssub.s32 s6, s21  }
0xa: {  	s6 =	sadd.s32 $0x5A00, s7;
	s7 =	sadd.s32 $0xA00, s7;
	s9 =	sshll.u32 s22, $0x9  }
0xb: {  	s14 =	sshll.u32 s22, $0x6;
	s24 =	sshll.u32 s10, $0x6;
	s10 =	sshll.u32 s10, $0x9  }
0xc: {  	s22 =	simm.s32 $0x10;
	s8 =	sadd.s32 s9, s2;
	s23 =	sadd.s32 s4, s14  }
0xd: {  	s11 =	sadd.s32 s5, s14;
	s12 =	sadd.s32 s10, s2;
	s26 =	sadd.s32 $0x4E200, s14  }
0xe: {  	s16 =	sadd.s32 $0x7BC00, s24;
	s18 =	smax.u32 s0, $0x1;
	s14 =	simm.s32 $0x16E00  }
.Ltmp0:
0xf: {  	s0 =	simm.s32 $0x0;
	[dreg:$0x3] =	wrdreg s23;
	(pc) =	sbr.rel .LBB2_1-.Ltmp0, $4  }
0x10: {  	[dreg:$0x4] =	wrdreg s11;
	s11 =	sadd.s32 $0x2DA00, s24;
	s13 =	sadd.s32 s4, s26  }
0x11: {  	s15 =	sadd.s32 s5, s26;
	s17 =	sadd.s32 s4, s16;
	s23 =	simm.s32 $0x1BD00  }
0x12: {  	s24 =	simm.s32 $0x1BF00;
	s25 =	sadd.s32 s4, s11;
	[dreg:$0x6] =	wrdreg s13  }
0x13: {  	v0 =	vimm.s32 $0x0;
	v1 =	vimm.s32 $0x40000000;
	s26 =	simm.s32 $0x1DF00;
	[dreg:$0x5] =	wrdreg s25;
	s25 =	simm.s32 $0x1BD80  }
.LBB2_11:
0x14: {  	[sflag:s20] =	ssyncset.done $0x0  }
0x15: {  	s9 =	sshra.s32 s21, $0x2;
	[sflag:s20] =	ssyncadd.s32 $0xFFFFE000  }
0x16: {  	v2 =	vld [tilespmem:s9+$0x19580];
	_ =	sdelay $0x1  }
0x17: {  	v3 =	vld [tilespmem:s9+$0x16E00];
	_ =	sdelay $0x2  }
0x18: {  	v2 =	vadd.s32 $0xFFFFE110, v2  }
0x19: {  	vm0 =	vlt.u32 v2, $0x820  }
0x1a: {  	[tilespmem:$0x1BD00] =	vst v3;
	v2 =	vnsel vm0, $0xB68, v2  }
0x1b: {  	[tilespmem:$0x1BE00] =	vst v2  }
0x1c: {  	[tilespmem:s24], [sflag:$0x1] =	stream.indirect.gather [hbm4b:s4+s22], $0x200, s23, s22, $0xb8;
	[tilespmem:$0x1FF00] =	vst v63  }
0x1d: {  	v2 =	vld [tilespmem:s9+$0x19590];
	_ =	sdelay $0x1  }
0x1e: {  	v3 =	vld [tilespmem:s9+$0x16E10];
	_ =	sdelay $0x2  }
0x1f: {  	v2 =	vadd.s32 $0xFFFFE110, v2  }
0x20: {  	vm15 =	vlt.u32 v2, $0x820  }
0x21: {  	[tilespmem:$0x1BD80] =	vst v3;
	v2 =	vnsel vm15, $0xB68, v2  }
0x22: {  	[tilespmem:$0x1BE80] =	vst v2  }
0x23: {  	[tilespmem:s26], [sflag:$0x2] =	stream.indirect.gather [hbm4b:s4+s22], $0x200, s25, s22, $0xb8;
	[tilespmem:$0x1FF00] =	vst v63  }
0x24: {  	_ =	swait.ge [sflag:s28], $0x2000  }
0x25: {  	[sflag:s28] =	ssyncset.done $0x0  }
0x26: {  	[sflag:s28] =	ssyncadd.s32 $0xFFFFE000  }
0x27: {  	[spmem:s2] =	stream.indirect.scatter.add.f32 [tilespmem:s24], [sflag:$0x3], $0x200, s29, s22, $0xb8;
	[tilespmem:$0x1FF00] =	vst v63  }
0x28: {  	_ =	swait.ge [sflag:s20], $0x2000  }
0x29: {  	[sflag:s20] =	ssyncset.done $0x0  }
0x2a: {  	[sflag:s20] =	ssyncadd.s32 $0xFFFFE000  }
0x2b: {  	_ =	swait.ge [sflag:s30], $0x2000  }
0x2c: {  	[sflag:s30] =	ssyncset.done $0x0  }
0x2d: {  	[sflag:s30] =	ssyncadd.s32 $0xFFFFE000  }
0x2e: {  	[spmem:s2] =	stream.indirect.scatter.add.f32 [tilespmem:s26], [sflag:$0x3], $0x200, s31, s22, $0xb8;
	[tilespmem:$0x1FF00] =	vst v63  }
0x2f: {  	_ =	swait.ge [sflag:s20], $0x2000  }
0x30: {  	[sflag:s20] =	ssyncset.done $0x0  }
0x31: {  	s14 =	simm.s32 $0x16E00;
	s9 =	smov.u32 s16;
	[sflag:s20] =	ssyncadd.s32 $0xFFFFE000  }
.LBB2_12:
0x32: {  	s9 =	sadd.s32 s5, s9  }
0x33: {  	[bflag:$0x0] =	sbarrier.arrive $0xFFFF;
	s10 =	sshrl.u32 s12, $0x3;
	s0 =	sadd.s32 $0x1, s0  }
0x34: {  	[hbm:s9], [sflag:s19] =	dma.local [spmem:s10], $0x2200  }
0x35: {  	p1 =	sne.s32 s0, s18  }
.Ltmp1:
0x36: {  	_ =	swait.ge [sflag:s20], $0x2200;
	(pc) =	sbr.rel @!p1 .LBB2_13-.Ltmp1, $3  }
0x37: {  	[sflag:s20] =	ssyncset.done $0x0  }
0x38: {  	[sflag:s20] =	ssyncadd.s32 $0xFFFFDE00  }
0x39: {  	[bflag:$0x0] =	sbarrier.arrive $0xFFFF;
	_ =	sdelay $0x1  }
.LBB2_1:
0x3a: {  	[tilespmem:s14], [sflag:$0x3] =	stream.linear.gather [hbm4b:s6+s3], $0x2710, $0x38;
	[tilespmem:$0x1FF00] =	vst v63  }
0x3b: {  	_ =	swait.ge [sflag:s20], $0x2710  }
0x3c: {  	[sflag:s20] =	ssyncset.done $0x0  }
0x3d: {  	s9 =	simm.s32 $0x19580;
	[sflag:s20] =	ssyncadd.s32 $0xFFFFD8F0  }
0x3e: {  	[tilespmem:s9], [sflag:$0x3] =	stream.linear.gather [hbm4b:s7+s3], $0x2710, $0x38;
	[tilespmem:$0x1FF00] =	vst v63  }
.Ltmp2:
0x3f: {  	_ =	swait.ge [sflag:s20], $0x2710;
	(pc) =	sbr.rel @!p0 .LBB2_2-.Ltmp2, $4  }
0x40: {  	[sflag:s20] =	ssyncset.done $0x0  }
0x41: {  	[sflag:s20] =	ssyncadd.s32 $0xFFFFD8F0  }
0x42: {  	s9 =	sshll.u32 s1, $0x6;
	[tilespmem:$0x19510] =	vst v0  }
0x43: {  	s21 =	sshrl.u32 s8, $0x3;
	s19 =	sor.u32 $0x1C03, s9;
	[tilespmem:$0x1BC90] =	vst v1  }
0x44: {  	s19 =	sor.u32 $0x1C03, s9;
	s13 =	rddreg [dreg:$0x6]  }
0x45: {  	[spmem:s21], [sflag:s19] =	dma.local [hbm:s13], $0x2E00  }
0x46: {  	_ =	swait.ge [sflag:s20], $0x2E00  }
0x47: {  	[sflag:s20] =	ssyncset.done $0x0  }
0x48: {  	[sflag:s20] =	ssyncadd.s32 $0xFFFFD200  }
0x49: {  	s14 =	simm.s32 $0x0;
	[bflag:$0x0] =	sbarrier.arrive $0xFFFF  }
0x4a: {  	v2 =	vld [tilespmem:s14+$0x19580]  }
0x4b: {  	v3 =	vld [tilespmem:s14+$0x16E00];
	_ =	sdelay $0x3  }
0x4c: {  	v2 =	vadd.s32 $0xFFFFEC78, v2  }
0x4d: {  	[tilespmem:$0x1BD00] =	vst v3;
	v2 =	vmin.u32 v2, $0xB68  }
0x4e: {  	[tilespmem:$0x1BE00] =	vst v2  }
0x4f: {  	[tilespmem:s24], [sflag:$0x1] =	stream.indirect.gather [hbm4b:s4+s22], $0x200, s23, s22, $0xb8;
	[tilespmem:$0x1FF00] =	vst v63  }
0x50: {  	v2 =	vld [tilespmem:s14+$0x19590]  }
0x51: {  	v3 =	vld [tilespmem:s14+$0x16E10];
	_ =	sdelay $0x3  }
0x52: {  	v2 =	vadd.s32 $0xFFFFEC78, v2  }
0x53: {  	[tilespmem:$0x1BD80] =	vst v3;
	v2 =	vmin.u32 v2, $0xB68  }
0x54: {  	[tilespmem:$0x1BE80] =	vst v2  }
0x55: {  	[tilespmem:s26], [sflag:$0x2] =	stream.indirect.gather [hbm4b:s4+s22], $0x200, s25, s22, $0xb8;
	[tilespmem:$0x1FF00] =	vst v63  }
0x56: {  	_ =	swait.ge [sflag:s28], $0x2000  }
0x57: {  	[sflag:s28] =	ssyncset.done $0x0  }
0x58: {  	[sflag:s28] =	ssyncadd.s32 $0xFFFFE000  }
0x59: {  	[spmem:s2] =	stream.indirect.scatter.add.f32 [tilespmem:s24], [sflag:$0x3], $0x200, s29, s22, $0xb8;
	[tilespmem:$0x1FF00] =	vst v63  }
0x5a: {  	_ =	swait.ge [sflag:s20], $0x2000  }
0x5b: {  	[sflag:s20] =	ssyncset.done $0x0  }
0x5c: {  	[sflag:s20] =	ssyncadd.s32 $0xFFFFE000  }
0x5d: {  	_ =	swait.ge [sflag:s30], $0x2000  }
0x5e: {  	[sflag:s30] =	ssyncset.done $0x0  }
0x5f: {  	[sflag:s30] =	ssyncadd.s32 $0xFFFFE000  }
0x60: {  	[spmem:s2] =	stream.indirect.scatter.add.f32 [tilespmem:s26], [sflag:$0x3], $0x200, s31, s22, $0xb8;
	[tilespmem:$0x1FF00] =	vst v63  }
0x61: {  	s9 =	simm.s32 $0x80;
	s10 =	simm.s32 $0x100;
	_ =	swait.ge [sflag:s20], $0x2000  }
.LBB2_8:
0x62: {  	s13 =	sshra.s32 s9, $0x2  }
0x63: {  	[sflag:s20] =	ssyncset.done $0x0;
	s9 =	smov.u32 s10;
	s14 =	sadd.s32 $0x80, s10  }
0x64: {  	p1 =	sne.s32 s10, $0x9C00;
	[sflag:s20] =	ssyncadd.s32 $0xFFFFE000  }
0x65: {  	v2 =	vld [tilespmem:s13+$0x19580]  }
0x66: {  	v3 =	vld [tilespmem:s13+$0x16E00];
	_ =	sdelay $0x3  }
0x67: {  	v2 =	vadd.s32 $0xFFFFEC78, v2  }
0x68: {  	v2 =	vmin.u32 v2, $0xB68;
	[tilespmem:$0x1BD00] =	vst v3  }
0x69: {  	[tilespmem:$0x1BE00] =	vst v2  }
0x6a: {  	[tilespmem:s24], [sflag:$0x1] =	stream.indirect.gather [hbm4b:s4+s22], $0x200, s23, s22, $0xb8;
	[tilespmem:$0x1FF00] =	vst v63  }
0x6b: {  	v2 =	vld [tilespmem:s13+$0x19590]  }
0x6c: {  	v3 =	vld [tilespmem:s13+$0x16E10];
	_ =	sdelay $0x3  }
0x6d: {  	v2 =	vadd.s32 $0xFFFFEC78, v2  }
0x6e: {  	v2 =	vmin.u32 v2, $0xB68;
	[tilespmem:$0x1BD80] =	vst v3  }
0x6f: {  	[tilespmem:$0x1BE80] =	vst v2  }
0x70: {  	[tilespmem:s26], [sflag:$0x2] =	stream.indirect.gather [hbm4b:s4+s22], $0x200, s25, s22, $0xb8;
	[tilespmem:$0x1FF00] =	vst v63  }
0x71: {  	_ =	swait.ge [sflag:s28], $0x2000  }
0x72: {  	[sflag:s28] =	ssyncset.done $0x0  }
0x73: {  	[sflag:s28] =	ssyncadd.s32 $0xFFFFE000  }
0x74: {  	[spmem:s2] =	stream.indirect.scatter.add.f32 [tilespmem:s24], [sflag:$0x3], $0x200, s29, s22, $0xb8;
	[tilespmem:$0x1FF00] =	vst v63  }
0x75: {  	_ =	swait.ge [sflag:s20], $0x2000  }
0x76: {  	[sflag:s20] =	ssyncset.done $0x0  }
0x77: {  	[sflag:s20] =	ssyncadd.s32 $0xFFFFE000  }
.Ltmp3:
0x78: {  	_ =	swait.ge [sflag:s30], $0x2000;
	(pc) =	sbr.rel @p1 .LBB2_8-.Ltmp3, $4  }
0x79: {  	[sflag:s30] =	ssyncset.done $0x0  }
0x7a: {  	[sflag:s30] =	ssyncadd.s32 $0xFFFFE000  }
0x7b: {  	[spmem:s2] =	stream.indirect.scatter.add.f32 [tilespmem:s26], [sflag:$0x3], $0x200, s31, s22, $0xb8;
	[tilespmem:$0x1FF00] =	vst v63  }
0x7c: {  	s10 =	smov.u32 s14;
	_ =	swait.ge [sflag:s20], $0x2000  }
0x7d: {  	[sflag:s20] =	ssyncset.done $0x0  }
0x7e: {  	s9 =	sshra.s32 s9, $0x2;
	[sflag:s20] =	ssyncadd.s32 $0xFFFFE000  }
0x7f: {  	v2 =	vld [tilespmem:s9+$0x19580]  }
0x80: {  	v3 =	vld [tilespmem:s9+$0x16E00];
	_ =	sdelay $0x3  }
0x81: {  	v2 =	vadd.s32 $0xFFFFEC78, v2  }
0x82: {  	[tilespmem:$0x1BD00] =	vst v3;
	v2 =	vmin.u32 v2, $0xB68  }
0x83: {  	[tilespmem:$0x1BE00] =	vst v2  }
0x84: {  	[tilespmem:s24], [sflag:$0x1] =	stream.indirect.gather [hbm4b:s4+s22], $0x200, s23, s22, $0xb8;
	[tilespmem:$0x1FF00] =	vst v63  }
0x85: {  	v2 =	vld [tilespmem:s9+$0x19590]  }
0x86: {  	v3 =	vld [tilespmem:s9+$0x16E10];
	_ =	sdelay $0x3  }
0x87: {  	v2 =	vadd.s32 $0xFFFFEC78, v2  }
0x88: {  	[tilespmem:$0x1BD80] =	vst v3;
	v2 =	vmin.u32 v2, $0xB68  }
0x89: {  	[tilespmem:$0x1BE80] =	vst v2  }
0x8a: {  	[tilespmem:s26], [sflag:$0x2] =	stream.indirect.gather [hbm4b:s4+s22], $0x200, s25, s22, $0xb8;
	[tilespmem:$0x1FF00] =	vst v63  }
0x8b: {  	_ =	swait.ge [sflag:s28], $0x2000  }
0x8c: {  	[sflag:s28] =	ssyncset.done $0x0  }
0x8d: {  	[sflag:s28] =	ssyncadd.s32 $0xFFFFE000  }
0x8e: {  	[spmem:s2] =	stream.indirect.scatter.add.f32 [tilespmem:s24], [sflag:$0x3], $0x200, s29, s22, $0xb8;
	[tilespmem:$0x1FF00] =	vst v63  }
0x8f: {  	_ =	swait.ge [sflag:s20], $0x2000  }
0x90: {  	[sflag:s20] =	ssyncset.done $0x0  }
0x91: {  	[sflag:s20] =	ssyncadd.s32 $0xFFFFE000  }
0x92: {  	_ =	swait.ge [sflag:s30], $0x2000  }
0x93: {  	[sflag:s30] =	ssyncset.done $0x0  }
0x94: {  	[sflag:s30] =	ssyncadd.s32 $0xFFFFE000  }
0x95: {  	[spmem:s2] =	stream.indirect.scatter.add.f32 [tilespmem:s26], [sflag:$0x3], $0x200, s31, s22, $0xb8;
	[tilespmem:$0x1FF00] =	vst v63  }
0x96: {  	_ =	swait.ge [sflag:s20], $0x2000  }
0x97: {  	[sflag:s20] =	ssyncset.done $0x0  }
0x98: {  	[sflag:s20] =	ssyncadd.s32 $0xFFFFE000  }
0x99: {  	[bflag:$0x0] =	sbarrier.arrive $0xFFFF  }
0x9a: {  	[hbm:s15], [sflag:s19] =	dma.local [spmem:s21], $0x2E00  }
0x9b: {  	_ =	swait.ge [sflag:s20], $0x2E00  }
0x9c: {  	[sflag:s20] =	ssyncset.done $0x0  }
0x9d: {  	[sflag:s20] =	ssyncadd.s32 $0xFFFFD200  }
0x9e: {  	s14 =	sshrl.u32 s12, $0x3;
	[bflag:$0x0] =	sbarrier.arrive $0xFFFF  }
0x9f: {  	[spmem:s14], [sflag:s19] =	dma.local [hbm:s17], $0x2200  }
0xa0: {  	_ =	swait.ge [sflag:s20], $0x2200  }
0xa1: {  	[sflag:s20] =	ssyncset.done $0x0  }
0xa2: {  	[sflag:s20] =	ssyncadd.s32 $0xFFFFDE00  }
0xa3: {  	s21 =	simm.s32 $0x0;
	[bflag:$0x0] =	sbarrier.arrive $0xFFFF  }
0xa4: {  	v2 =	vld [tilespmem:s21+$0x19580];
	_ =	sdelay $0x1  }
0xa5: {  	v3 =	vld [tilespmem:s21+$0x16E00];
	_ =	sdelay $0x2  }
0xa6: {  	v2 =	vadd.s32 $0xFFFFE110, v2  }
0xa7: {  	vm0 =	vlt.u32 v2, $0x820  }
0xa8: {  	[tilespmem:$0x1BD00] =	vst v3;
	v2 =	vnsel vm0, $0xB68, v2  }
0xa9: {  	[tilespmem:$0x1BE00] =	vst v2  }
0xaa: {  	[tilespmem:s24], [sflag:$0x1] =	stream.indirect.gather [hbm4b:s4+s22], $0x200, s23, s22, $0xb8;
	[tilespmem:$0x1FF00] =	vst v63  }
0xab: {  	v2 =	vld [tilespmem:s21+$0x19590];
	_ =	sdelay $0x1  }
0xac: {  	v3 =	vld [tilespmem:s21+$0x16E10];
	_ =	sdelay $0x2  }
0xad: {  	v2 =	vadd.s32 $0xFFFFE110, v2  }
0xae: {  	vm15 =	vlt.u32 v2, $0x820  }
0xaf: {  	[tilespmem:$0x1BD80] =	vst v3;
	v2 =	vnsel vm15, $0xB68, v2  }
0xb0: {  	[tilespmem:$0x1BE80] =	vst v2  }
0xb1: {  	[tilespmem:s26], [sflag:$0x2] =	stream.indirect.gather [hbm4b:s4+s22], $0x200, s25, s22, $0xb8;
	[tilespmem:$0x1FF00] =	vst v63  }
0xb2: {  	_ =	swait.ge [sflag:s28], $0x2000  }
0xb3: {  	[sflag:s28] =	ssyncset.done $0x0  }
0xb4: {  	[sflag:s28] =	ssyncadd.s32 $0xFFFFE000  }
0xb5: {  	[spmem:s2] =	stream.indirect.scatter.add.f32 [tilespmem:s24], [sflag:$0x3], $0x200, s29, s22, $0xb8;
	[tilespmem:$0x1FF00] =	vst v63  }
0xb6: {  	_ =	swait.ge [sflag:s20], $0x2000  }
0xb7: {  	[sflag:s20] =	ssyncset.done $0x0  }
0xb8: {  	[sflag:s20] =	ssyncadd.s32 $0xFFFFE000  }
0xb9: {  	_ =	swait.ge [sflag:s30], $0x2000  }
0xba: {  	[sflag:s30] =	ssyncset.done $0x0  }
0xbb: {  	[sflag:s30] =	ssyncadd.s32 $0xFFFFE000  }
0xbc: {  	[spmem:s2] =	stream.indirect.scatter.add.f32 [tilespmem:s26], [sflag:$0x3], $0x200, s31, s22, $0xb8;
	[tilespmem:$0x1FF00] =	vst v63  }
0xbd: {  	s10 =	simm.s32 $0x100;
	s21 =	simm.s32 $0x80;
	_ =	swait.ge [sflag:s20], $0x2000  }
.LBB2_10:
0xbe: {  	s13 =	sshra.s32 s21, $0x2  }
0xbf: {  	[sflag:s20] =	ssyncset.done $0x0;
	s21 =	smov.u32 s10;
	s9 =	sadd.s32 $0x80, s10  }
0xc0: {  	p1 =	sne.s32 s10, $0x9C00;
	[sflag:s20] =	ssyncadd.s32 $0xFFFFE000  }
0xc1: {  	v2 =	vld [tilespmem:s13+$0x19580];
	_ =	sdelay $0x1  }
0xc2: {  	v3 =	vld [tilespmem:s13+$0x16E00];
	_ =	sdelay $0x2  }
0xc3: {  	v2 =	vadd.s32 $0xFFFFE110, v2  }
0xc4: {  	vm0 =	vlt.u32 v2, $0x820  }
0xc5: {  	v2 =	vnsel vm0, $0xB68, v2;
	[tilespmem:$0x1BD00] =	vst v3  }
0xc6: {  	[tilespmem:$0x1BE00] =	vst v2  }
0xc7: {  	[tilespmem:s24], [sflag:$0x1] =	stream.indirect.gather [hbm4b:s4+s22], $0x200, s23, s22, $0xb8;
	[tilespmem:$0x1FF00] =	vst v63  }
0xc8: {  	v2 =	vld [tilespmem:s13+$0x19590]  }
0xc9: {  	v3 =	vld [tilespmem:s13+$0x16E10];
	_ =	sdelay $0x3  }
0xca: {  	v2 =	vadd.s32 $0xFFFFE110, v2  }
0xcb: {  	vm0 =	vlt.u32 v2, $0x820;
	[tilespmem:$0x1BD80] =	vst v3  }
0xcc: {  	v2 =	vnsel vm0, $0xB68, v2  }
0xcd: {  	[tilespmem:$0x1BE80] =	vst v2  }
0xce: {  	[tilespmem:s26], [sflag:$0x2] =	stream.indirect.gather [hbm4b:s4+s22], $0x200, s25, s22, $0xb8;
	[tilespmem:$0x1FF00] =	vst v63  }
0xcf: {  	_ =	swait.ge [sflag:s28], $0x2000  }
0xd0: {  	[sflag:s28] =	ssyncset.done $0x0  }
0xd1: {  	[sflag:s28] =	ssyncadd.s32 $0xFFFFE000  }
0xd2: {  	[spmem:s2] =	stream.indirect.scatter.add.f32 [tilespmem:s24], [sflag:$0x3], $0x200, s29, s22, $0xb8;
	[tilespmem:$0x1FF00] =	vst v63  }
0xd3: {  	_ =	swait.ge [sflag:s20], $0x2000  }
0xd4: {  	[sflag:s20] =	ssyncset.done $0x0  }
0xd5: {  	[sflag:s20] =	ssyncadd.s32 $0xFFFFE000  }
.Ltmp4:
0xd6: {  	_ =	swait.ge [sflag:s30], $0x2000;
	(pc) =	sbr.rel @p1 .LBB2_10-.Ltmp4, $4  }
0xd7: {  	[sflag:s30] =	ssyncset.done $0x0  }
0xd8: {  	[sflag:s30] =	ssyncadd.s32 $0xFFFFE000  }
0xd9: {  	[spmem:s2] =	stream.indirect.scatter.add.f32 [tilespmem:s26], [sflag:$0x3], $0x200, s31, s22, $0xb8;
	[tilespmem:$0x1FF00] =	vst v63  }
0xda: {  	s10 =	smov.u32 s9;
	_ =	swait.ge [sflag:s20], $0x2000  }
.Ltmp5:
0xdb: {  	_ = 	snop;
	(pc) =	sbr.rel .LBB2_11-.Ltmp5, $1  }
0xdc: {  	_ =	sdelay $0x3  }
.LBB2_2:
0xdd: {  	s9 =	rddreg [dreg:$0x3]  }
0xde: {  	[spmem:s21], [sflag:s19] =	dma.local [hbm:s9], $0x2E00  }
0xdf: {  	_ =	swait.ge [sflag:s20], $0x2E00  }
0xe0: {  	[sflag:s20] =	ssyncset.done $0x0  }
0xe1: {  	[sflag:s20] =	ssyncadd.s32 $0xFFFFD200  }
0xe2: {  	s13 =	simm.s32 $0x0;
	[bflag:$0x0] =	sbarrier.arrive $0xFFFF  }
0xe3: {  	v2 =	vld [tilespmem:s13+$0x19580]  }
0xe4: {  	v3 =	vld [tilespmem:s13+$0x16E00];
	_ =	sdelay $0x4  }
0xe5: {  	v2 =	vmin.u32 v2, $0xB68;
	[tilespmem:$0x1BD00] =	vst v3  }
0xe6: {  	[tilespmem:$0x1BE00] =	vst v2  }
0xe7: {  	[tilespmem:s24], [sflag:$0x1] =	stream.indirect.gather [hbm4b:s4+s22], $0x200, s23, s22, $0xb8;
	[tilespmem:$0x1FF00] =	vst v63  }
0xe8: {  	v2 =	vld [tilespmem:s13+$0x19590]  }
0xe9: {  	v3 =	vld [tilespmem:s13+$0x16E10];
	_ =	sdelay $0x4  }
0xea: {  	v2 =	vmin.u32 v2, $0xB68;
	[tilespmem:$0x1BD80] =	vst v3  }
0xeb: {  	[tilespmem:$0x1BE80] =	vst v2  }
0xec: {  	[tilespmem:s26], [sflag:$0x2] =	stream.indirect.gather [hbm4b:s4+s22], $0x200, s25, s22, $0xb8;
	[tilespmem:$0x1FF00] =	vst v63  }
0xed: {  	_ =	swait.ge [sflag:s28], $0x2000  }
0xee: {  	[sflag:s28] =	ssyncset.done $0x0  }
0xef: {  	[sflag:s28] =	ssyncadd.s32 $0xFFFFE000  }
0xf0: {  	[spmem:s2] =	stream.indirect.scatter.add.f32 [tilespmem:s24], [sflag:$0x3], $0x200, s29, s22, $0xb8;
	[tilespmem:$0x1FF00] =	vst v63  }
0xf1: {  	_ =	swait.ge [sflag:s20], $0x2000  }
0xf2: {  	[sflag:s20] =	ssyncset.done $0x0  }
0xf3: {  	[sflag:s20] =	ssyncadd.s32 $0xFFFFE000  }
0xf4: {  	_ =	swait.ge [sflag:s30], $0x2000  }
0xf5: {  	[sflag:s30] =	ssyncset.done $0x0  }
0xf6: {  	s9 =	simm.s32 $0x80;
	[sflag:s30] =	ssyncadd.s32 $0xFFFFE000  }
0xf7: {  	[spmem:s2] =	stream.indirect.scatter.add.f32 [tilespmem:s26], [sflag:$0x3], $0x200, s31, s22, $0xb8;
	[tilespmem:$0x1FF00] =	vst v63  }
.LBB2_3:
0xf8: {  	p1 =	sne.s32 s9, $0x9C00  }
0xf9: {  	_ =	swait.ge [sflag:s20], $0x2000;
	s10 =	smov.u32 s9;
	s9 =	sadd.s32 $0x80, s9  }
0xfa: {  	[sflag:s20] =	ssyncset.done $0x0  }
0xfb: {  	s10 =	sshra.s32 s10, $0x2;
	[sflag:s20] =	ssyncadd.s32 $0xFFFFE000  }
0xfc: {  	v2 =	vld [tilespmem:s10+$0x19580]  }
0xfd: {  	v3 =	vld [tilespmem:s10+$0x16E00];
	_ =	sdelay $0x3  }
0xfe: {  	v2 =	vmin.u32 v2, $0xB68  }
0xff: {  	[tilespmem:$0x1BE00] =	vst v2  }
0x100: {  	[tilespmem:$0x1BD00] =	vst v3  }
0x101: {  	[tilespmem:s24], [sflag:$0x1] =	stream.indirect.gather [hbm4b:s4+s22], $0x200, s23, s22, $0xb8;
	[tilespmem:$0x1FF00] =	vst v63  }
0x102: {  	v2 =	vld [tilespmem:s10+$0x19590]  }
0x103: {  	v3 =	vld [tilespmem:s10+$0x16E10];
	_ =	sdelay $0x3  }
0x104: {  	v2 =	vmin.u32 v2, $0xB68  }
0x105: {  	[tilespmem:$0x1BE80] =	vst v2  }
0x106: {  	[tilespmem:$0x1BD80] =	vst v3  }
0x107: {  	[tilespmem:s26], [sflag:$0x2] =	stream.indirect.gather [hbm4b:s4+s22], $0x200, s25, s22, $0xb8;
	[tilespmem:$0x1FF00] =	vst v63  }
0x108: {  	_ =	swait.ge [sflag:s28], $0x2000  }
0x109: {  	[sflag:s28] =	ssyncset.done $0x0  }
0x10a: {  	[sflag:s28] =	ssyncadd.s32 $0xFFFFE000  }
0x10b: {  	[spmem:s2] =	stream.indirect.scatter.add.f32 [tilespmem:s24], [sflag:$0x3], $0x200, s29, s22, $0xb8;
	[tilespmem:$0x1FF00] =	vst v63  }
0x10c: {  	_ =	swait.ge [sflag:s20], $0x2000  }
0x10d: {  	[sflag:s20] =	ssyncset.done $0x0  }
.Ltmp6:
0x10e: {  	[sflag:s20] =	ssyncadd.s32 $0xFFFFE000;
	(pc) =	sbr.rel @p1 .LBB2_3-.Ltmp6, $4  }
0x10f: {  	_ =	swait.ge [sflag:s30], $0x2000  }
0x110: {  	[sflag:s30] =	ssyncset.done $0x0  }
0x111: {  	[sflag:s30] =	ssyncadd.s32 $0xFFFFE000  }
0x112: {  	[spmem:s2] =	stream.indirect.scatter.add.f32 [tilespmem:s26], [sflag:$0x3], $0x200, s31, s22, $0xb8;
	[tilespmem:$0x1FF00] =	vst v63  }
0x113: {  	_ =	swait.ge [sflag:s20], $0x2000  }
0x114: {  	[sflag:s20] =	ssyncset.done $0x0  }
0x115: {  	[sflag:s20] =	ssyncadd.s32 $0xFFFFE000  }
0x116: {  	[bflag:$0x0] =	sbarrier.arrive $0xFFFF  }
0x117: {  	s9 =	rddreg [dreg:$0x4]  }
0x118: {  	[hbm:s9], [sflag:s19] =	dma.local [spmem:s21], $0x2E00  }
0x119: {  	_ =	swait.ge [sflag:s20], $0x2E00  }
0x11a: {  	[sflag:s20] =	ssyncset.done $0x0  }
0x11b: {  	[sflag:s20] =	ssyncadd.s32 $0xFFFFD200  }
0x11c: {  	[bflag:$0x0] =	sbarrier.arrive $0xFFFF  }
0x11d: {  	s13 =	sshrl.u32 s12, $0x3;
	s10 =	rddreg [dreg:$0x5]  }
0x11e: {  	[spmem:s13], [sflag:s19] =	dma.local [hbm:s10], $0x2200  }
0x11f: {  	_ =	swait.ge [sflag:s20], $0x2200  }
0x120: {  	[sflag:s20] =	ssyncset.done $0x0  }
0x121: {  	[sflag:s20] =	ssyncadd.s32 $0xFFFFDE00  }
0x122: {  	s21 =	simm.s32 $0x0;
	[bflag:$0x0] =	sbarrier.arrive $0xFFFF  }
0x123: {  	v2 =	vld [tilespmem:s21+$0x19580];
	_ =	sdelay $0x1  }
0x124: {  	v3 =	vld [tilespmem:s21+$0x16E00];
	_ =	sdelay $0x2  }
0x125: {  	v2 =	vadd.s32 $0xFFFFF498, v2  }
0x126: {  	vm0 =	vlt.u32 v2, $0x820  }
0x127: {  	[tilespmem:$0x1BD00] =	vst v3;
	v2 =	vnsel vm0, $0xB68, v2  }
0x128: {  	[tilespmem:$0x1BE00] =	vst v2  }
0x129: {  	[tilespmem:s24], [sflag:$0x1] =	stream.indirect.gather [hbm4b:s4+s22], $0x200, s23, s22, $0xb8;
	[tilespmem:$0x1FF00] =	vst v63  }
0x12a: {  	v2 =	vld [tilespmem:s21+$0x19590];
	_ =	sdelay $0x1  }
0x12b: {  	v3 =	vld [tilespmem:s21+$0x16E10];
	_ =	sdelay $0x2  }
0x12c: {  	v2 =	vadd.s32 $0xFFFFF498, v2  }
0x12d: {  	vm15 =	vlt.u32 v2, $0x820  }
0x12e: {  	[tilespmem:$0x1BD80] =	vst v3;
	v2 =	vnsel vm15, $0xB68, v2  }
0x12f: {  	[tilespmem:$0x1BE80] =	vst v2  }
0x130: {  	[tilespmem:s26], [sflag:$0x2] =	stream.indirect.gather [hbm4b:s4+s22], $0x200, s25, s22, $0xb8;
	[tilespmem:$0x1FF00] =	vst v63  }
0x131: {  	_ =	swait.ge [sflag:s28], $0x2000  }
0x132: {  	[sflag:s28] =	ssyncset.done $0x0  }
0x133: {  	[sflag:s28] =	ssyncadd.s32 $0xFFFFE000  }
0x134: {  	[spmem:s2] =	stream.indirect.scatter.add.f32 [tilespmem:s24], [sflag:$0x3], $0x200, s29, s22, $0xb8;
	[tilespmem:$0x1FF00] =	vst v63  }
0x135: {  	_ =	swait.ge [sflag:s20], $0x2000  }
0x136: {  	[sflag:s20] =	ssyncset.done $0x0  }
0x137: {  	[sflag:s20] =	ssyncadd.s32 $0xFFFFE000  }
0x138: {  	_ =	swait.ge [sflag:s30], $0x2000  }
0x139: {  	[sflag:s30] =	ssyncset.done $0x0  }
0x13a: {  	[sflag:s30] =	ssyncadd.s32 $0xFFFFE000  }
0x13b: {  	[spmem:s2] =	stream.indirect.scatter.add.f32 [tilespmem:s26], [sflag:$0x3], $0x200, s31, s22, $0xb8;
	[tilespmem:$0x1FF00] =	vst v63  }
0x13c: {  	s9 =	simm.s32 $0x100;
	s21 =	simm.s32 $0x80;
	_ =	swait.ge [sflag:s20], $0x2000  }
.LBB2_5:
0x13d: {  	s13 =	sshra.s32 s21, $0x2  }
0x13e: {  	[sflag:s20] =	ssyncset.done $0x0;
	s21 =	smov.u32 s9;
	s10 =	sadd.s32 $0x80, s9  }
0x13f: {  	p1 =	seq.s32 s9, $0x9C00;
	[sflag:s20] =	ssyncadd.s32 $0xFFFFE000  }
0x140: {  	v2 =	vld [tilespmem:s13+$0x19580];
	_ =	sdelay $0x1  }
0x141: {  	v3 =	vld [tilespmem:s13+$0x16E00];
	_ =	sdelay $0x2  }
0x142: {  	v2 =	vadd.s32 $0xFFFFF498, v2  }
0x143: {  	vm0 =	vlt.u32 v2, $0x820  }
0x144: {  	v2 =	vnsel vm0, $0xB68, v2;
	[tilespmem:$0x1BD00] =	vst v3  }
0x145: {  	[tilespmem:$0x1BE00] =	vst v2  }
0x146: {  	[tilespmem:s24], [sflag:$0x1] =	stream.indirect.gather [hbm4b:s4+s22], $0x200, s23, s22, $0xb8;
	[tilespmem:$0x1FF00] =	vst v63  }
0x147: {  	v2 =	vld [tilespmem:s13+$0x19590]  }
0x148: {  	v3 =	vld [tilespmem:s13+$0x16E10];
	_ =	sdelay $0x3  }
0x149: {  	v2 =	vadd.s32 $0xFFFFF498, v2  }
0x14a: {  	vm0 =	vlt.u32 v2, $0x820;
	[tilespmem:$0x1BD80] =	vst v3  }
0x14b: {  	v2 =	vnsel vm0, $0xB68, v2  }
0x14c: {  	[tilespmem:$0x1BE80] =	vst v2  }
0x14d: {  	[tilespmem:s26], [sflag:$0x2] =	stream.indirect.gather [hbm4b:s4+s22], $0x200, s25, s22, $0xb8;
	[tilespmem:$0x1FF00] =	vst v63  }
0x14e: {  	_ =	swait.ge [sflag:s28], $0x2000  }
0x14f: {  	[sflag:s28] =	ssyncset.done $0x0  }
0x150: {  	[sflag:s28] =	ssyncadd.s32 $0xFFFFE000  }
0x151: {  	[spmem:s2] =	stream.indirect.scatter.add.f32 [tilespmem:s24], [sflag:$0x3], $0x200, s29, s22, $0xb8;
	[tilespmem:$0x1FF00] =	vst v63  }
0x152: {  	_ =	swait.ge [sflag:s20], $0x2000  }
0x153: {  	[sflag:s20] =	ssyncset.done $0x0  }
0x154: {  	[sflag:s20] =	ssyncadd.s32 $0xFFFFE000  }
.Ltmp7:
0x155: {  	_ =	swait.ge [sflag:s30], $0x2000;
	(pc) =	sbr.rel @!p1 .LBB2_5-.Ltmp7, $4  }
0x156: {  	[sflag:s30] =	ssyncset.done $0x0  }
0x157: {  	[sflag:s30] =	ssyncadd.s32 $0xFFFFE000  }
0x158: {  	[spmem:s2] =	stream.indirect.scatter.add.f32 [tilespmem:s26], [sflag:$0x3], $0x200, s31, s22, $0xb8;
	[tilespmem:$0x1FF00] =	vst v63  }
0x159: {  	s9 =	smov.u32 s10;
	_ =	swait.ge [sflag:s20], $0x2000  }
0x15a: {  	[sflag:s20] =	ssyncset.done $0x0  }
0x15b: {  	s9 =	sshra.s32 s21, $0x2;
	[sflag:s20] =	ssyncadd.s32 $0xFFFFE000  }
0x15c: {  	v2 =	vld [tilespmem:s9+$0x19580];
	_ =	sdelay $0x1  }
0x15d: {  	v3 =	vld [tilespmem:s9+$0x16E00];
	_ =	sdelay $0x2  }
0x15e: {  	v2 =	vadd.s32 $0xFFFFF498, v2  }
0x15f: {  	vm0 =	vlt.u32 v2, $0x820  }
0x160: {  	[tilespmem:$0x1BD00] =	vst v3;
	v2 =	vnsel vm0, $0xB68, v2  }
0x161: {  	[tilespmem:$0x1BE00] =	vst v2  }
0x162: {  	[tilespmem:s24], [sflag:$0x1] =	stream.indirect.gather [hbm4b:s4+s22], $0x200, s23, s22, $0xb8;
	[tilespmem:$0x1FF00] =	vst v63  }
0x163: {  	v2 =	vld [tilespmem:s9+$0x19590];
	_ =	sdelay $0x1  }
0x164: {  	v3 =	vld [tilespmem:s9+$0x16E10];
	_ =	sdelay $0x2  }
0x165: {  	v2 =	vadd.s32 $0xFFFFF498, v2  }
0x166: {  	vm15 =	vlt.u32 v2, $0x820  }
0x167: {  	[tilespmem:$0x1BD80] =	vst v3;
	v2 =	vnsel vm15, $0xB68, v2  }
0x168: {  	[tilespmem:$0x1BE80] =	vst v2  }
0x169: {  	[tilespmem:s26], [sflag:$0x2] =	stream.indirect.gather [hbm4b:s4+s22], $0x200, s25, s22, $0xb8;
	[tilespmem:$0x1FF00] =	vst v63  }
0x16a: {  	_ =	swait.ge [sflag:s28], $0x2000  }
0x16b: {  	[sflag:s28] =	ssyncset.done $0x0  }
0x16c: {  	[sflag:s28] =	ssyncadd.s32 $0xFFFFE000  }
0x16d: {  	[spmem:s2] =	stream.indirect.scatter.add.f32 [tilespmem:s24], [sflag:$0x3], $0x200, s29, s22, $0xb8;
	[tilespmem:$0x1FF00] =	vst v63  }
0x16e: {  	_ =	swait.ge [sflag:s20], $0x2000  }
0x16f: {  	[sflag:s20] =	ssyncset.done $0x0  }
0x170: {  	[sflag:s20] =	ssyncadd.s32 $0xFFFFE000  }
0x171: {  	_ =	swait.ge [sflag:s30], $0x2000  }
0x172: {  	[sflag:s30] =	ssyncset.done $0x0  }
.Ltmp8:
0x173: {  	[sflag:s30] =	ssyncadd.s32 $0xFFFFE000;
	(pc) =	sbr.rel .LBB2_12-.Ltmp8, $4  }
0x174: {  	[spmem:s2] =	stream.indirect.scatter.add.f32 [tilespmem:s26], [sflag:$0x3], $0x200, s31, s22, $0xb8;
	[tilespmem:$0x1FF00] =	vst v63  }
0x175: {  	_ =	swait.ge [sflag:s20], $0x2000  }
0x176: {  	[sflag:s20] =	ssyncset.done $0x0  }
0x177: {  	s9 =	smov.u32 s11;
	[sflag:s20] =	ssyncadd.s32 $0xFFFFE000  }
.LBB2_13:
0x178: {  	_ =	sfence.sel $0x180000  }
0x179: {  	[bflag:$0x0] =	sbarrier.arrive $0xFFFF  }
0x17a: {  	_ =	strace $0x90000047  }
0x17b: {  	[bflag:$0x2] =	sbarrier.arrive $0xFFFF  }
0x17c: {  	p0 =	sne.s32 s1, $0x0;
	s0 =	rddreg [dreg:$0x2]  }
0x17d: {  	s0 =	sadd.s32 @!p0 $0x100000, s0  }
0x17e: {  	[sflag:s0] =	ssyncadd.tile.s32 @!p0 $0x1;
	_ =	shalt  }
.Lfunc_end2:
_tile_overlayer_lowered:
.L_overlay_start_2:
0x17f: {  	(tag) =	ssettag $0x2  }
0x180: {  	s0 =	rddreg [dreg:$0x0];
	s2 =	stileid.u32  }
0x181: {  	s1 =	rddreg [dreg:$0x1];
	p0 =	sne.s32 s2, $0x0  }
0x182: {  	s3 =	rddreg [dreg:$0x2];
	[bflag:$0x3] =	sbarrier.arrive $0xFFFF;
	s2 =	simm.s32 @!p0 $0x1C03  }
0x183: {  	[timem:s3], [sflag:s2] =	dma.local @!p0 [hbm:s0], s1  }
0x184: {  	s0 =	simm.s32 @!p0 $0x3  }
0x185: {  	_ =	swait.ge @!p0 [sflag:s0], s1  }
0x186: {  	s1 =	ssub.s32 @!p0 $0x0, s1;
	[sflag:s0] =	ssyncset.done @!p0 $0x0  }
0x187: {  	[sflag:s0] =	ssyncadd.s32 @!p0 s1  }
0x188: {  	[bflag:$0x3] =	sbarrier.arrive $0xFFFF  }
0x189: {  	_ =	shalt  }

</sc_bundles>
